<compile_context>
chip_gen: v7x
topology: tpu7x:2x2x1
jax: 0.10.2.dev20260603
libtpu: 0.0.44.dev20260713+nightly
codegen_flags: <defaults>
</compile_context>

<pallas_src>
import functools

import jax
import jax.numpy as jnp
from jax import lax
from jax.experimental import pallas as pl
from jax.experimental.pallas import tpu as pltpu
from jax.experimental.pallas import tpu_sc as plsc

N = 8192
H = 32
W = 32
TOPK = 16
FX = W / (2.0 * 0.5)
FY = H / (2.0 * 0.5)
KER = 0.3
P = H * W
PB = 128
CH = 1024
RB = 1024

_INTERPRET = False


def _bfr(x):
    return x.astype(jnp.bfloat16).astype(jnp.float32)


def _prep_body(vm, mx, my, mz, sx, sy, sz, q0, q1, q2, q3,
               x2d_o, y2d_o, a_o, b_o, c_o, z_o, rad_o):
    R00, R01, R02, t0 = vm[0], vm[1], vm[2], vm[3]
    R10, R11, R12, t1 = vm[4], vm[5], vm[6], vm[7]
    R20, R21, R22, t2 = vm[8], vm[9], vm[10], vm[11]
    bR00, bR01, bR02 = _bfr(R00), _bfr(R01), _bfr(R02)
    bR10, bR11, bR12 = _bfr(R10), _bfr(R11), _bfr(R12)
    bR20, bR21, bR22 = _bfr(R20), _bfr(R21), _bfr(R22)
    bmx, bmy, bmz = _bfr(mx[...]), _bfr(my[...]), _bfr(mz[...])
    px = bmx * bR00 + bmy * bR01 + bmz * bR02 + t0
    py = bmx * bR10 + bmy * bR11 + bmz * bR12 + t1
    pz = bmx * bR20 + bmy * bR21 + bmz * bR22 + t2
    z = jnp.maximum(pz, 0.2)
    x2d_o[...] = px / z * FX + W / 2.0
    y2d_o[...] = py / z * FY + H / 2.0
    qw, qx, qy, qz = q0[...], q1[...], q2[...], q3[...]
    qn = jnp.sqrt(qw * qw + qx * qx + qy * qy + qz * qz) + 1e-8
    qw, qx, qy, qz = qw / qn, qx / qn, qy / qn, qz / qn
    r00 = 1 - 2 * (qy * qy + qz * qz)
    r01 = 2 * (qx * qy - qw * qz)
    r02 = 2 * (qx * qz + qw * qy)
    r10 = 2 * (qx * qy + qw * qz)
    r11 = 1 - 2 * (qx * qx + qz * qz)
    r12 = 2 * (qy * qz - qw * qx)
    r20 = 2 * (qx * qz - qw * qy)
    r21 = 2 * (qy * qz + qw * qx)
    r22 = 1 - 2 * (qx * qx + qy * qy)
    sxv, syv, szv = sx[...], sy[...], sz[...]
    bm00, bm01, bm02 = _bfr(r00 * sxv), _bfr(r01 * syv), _bfr(r02 * szv)
    bm10, bm11, bm12 = _bfr(r10 * sxv), _bfr(r11 * syv), _bfr(r12 * szv)
    bm20, bm21, bm22 = _bfr(r20 * sxv), _bfr(r21 * syv), _bfr(r22 * szv)
    Sxx = bm00 * bm00 + bm01 * bm01 + bm02 * bm02
    Sxy = bm00 * bm10 + bm01 * bm11 + bm02 * bm12
    Sxz = bm00 * bm20 + bm01 * bm21 + bm02 * bm22
    Syy = bm10 * bm10 + bm11 * bm11 + bm12 * bm12
    Syz = bm10 * bm20 + bm11 * bm21 + bm12 * bm22
    Szz = bm20 * bm20 + bm21 * bm21 + bm22 * bm22
    bJ00 = _bfr(FX / z)
    bJ02 = _bfr(-FX * px / (z * z))
    bJ11 = _bfr(FY / z)
    bJ12 = _bfr(-FY * py / (z * z))
    T00 = bJ00 * bR00 + bJ02 * bR20
    T01 = bJ00 * bR01 + bJ02 * bR21
    T02 = bJ00 * bR02 + bJ02 * bR22
    T10 = bJ11 * bR10 + bJ12 * bR20
    T11 = bJ11 * bR11 + bJ12 * bR21
    T12 = bJ11 * bR12 + bJ12 * bR22
    bT00, bT01, bT02 = _bfr(T00), _bfr(T01), _bfr(T02)
    bT10, bT11, bT12 = _bfr(T10), _bfr(T11), _bfr(T12)
    bSxx, bSxy, bSxz = _bfr(Sxx), _bfr(Sxy), _bfr(Sxz)
    bSyy, bSyz, bSzz = _bfr(Syy), _bfr(Syz), _bfr(Szz)
    u0 = bT00 * bSxx + bT01 * bSxy + bT02 * bSxz
    u1 = bT00 * bSxy + bT01 * bSyy + bT02 * bSyz
    u2 = bT00 * bSxz + bT01 * bSyz + bT02 * bSzz
    v0 = bT10 * bSxx + bT11 * bSxy + bT12 * bSxz
    v1 = bT10 * bSxy + bT11 * bSyy + bT12 * bSyz
    v2 = bT10 * bSxz + bT11 * bSyz + bT12 * bSzz
    bu0, bu1, bu2 = _bfr(u0), _bfr(u1), _bfr(u2)
    bv0, bv1, bv2 = _bfr(v0), _bfr(v1), _bfr(v2)
    c00 = bu0 * bT00 + bu1 * bT01 + bu2 * bT02
    c01 = bu0 * bT10 + bu1 * bT11 + bu2 * bT12
    c11 = bv0 * bT10 + bv1 * bT11 + bv2 * bT12
    a = c00 + KER
    b = c01
    c = c11 + KER
    det = a * c - b * b
    det = jnp.where(det == 0.0, 1e-8, det)
    a_o[...] = c / det
    b_o[...] = b / det
    c_o[...] = a / det
    mid = 0.5 * (a + c)
    lam = mid + jnp.sqrt(jnp.maximum(mid * mid - det, 0.1))
    rad_o[...] = jnp.ceil(3.0 * jnp.sqrt(lam))
    z_o[...] = z


def _prep(vm, cols):
    shp = jax.ShapeDtypeStruct((64, 128), jnp.float32)
    return pl.pallas_call(
        _prep_body,
        grid=(),
        in_specs=[pl.BlockSpec(memory_space=pltpu.SMEM)]
        + [pl.BlockSpec((64, 128), lambda: (0, 0))] * 10,
        out_specs=[pl.BlockSpec((64, 128), lambda: (0, 0))] * 7,
        out_shape=[shp] * 7,
        interpret=_INTERPRET,
    )(vm, *cols)


def _rank_body(zc, zr, out):
    b = pl.program_id(0)
    zi = zc[...]
    zj = zr[...]
    ii = lax.broadcasted_iota(jnp.int32, (RB, N), 0) + b * RB
    jj = lax.broadcasted_iota(jnp.int32, (RB, N), 1)
    lt = zj < zi
    eq = (zj == zi) & (jj < ii)
    cnt = jnp.sum((lt | eq).astype(jnp.float32), axis=1, keepdims=True)
    out[...] = cnt.astype(jnp.int32)


def _rank(zcol, zrow):
    return pl.pallas_call(
        _rank_body,
        grid=(N // RB,),
        in_specs=[pl.BlockSpec((RB, 1), lambda b: (b, 0)),
                  pl.BlockSpec((1, N), lambda b: (0, 0))],
        out_specs=pl.BlockSpec((RB, 1), lambda b: (b, 0)),
        out_shape=jax.ShapeDtypeStruct((N, 1), jnp.int32),
        interpret=_INTERPRET,
    )(zcol, zrow)


def _perm_body(rank, pmt, out):
    b = pl.program_id(0)
    r = rank[...]
    rr = lax.broadcasted_iota(jnp.int32, (RB, N), 0) + b * RB
    mask = (r == rr).astype(jnp.float32)
    out[...] = lax.dot_general(pmt[...], mask, (((1,), (1,)), ((), ())),
                               precision=lax.Precision.HIGHEST,
                               preferred_element_type=jnp.float32)


def _permute(rank_row, pmt):
    return pl.pallas_call(
        _perm_body,
        grid=(N // RB,),
        in_specs=[pl.BlockSpec((1, N), lambda b: (0, 0)),
                  pl.BlockSpec((16, N), lambda b: (0, 0))],
        out_specs=pl.BlockSpec((16, RB), lambda b: (0, b)),
        out_shape=jax.ShapeDtypeStruct((16, N), jnp.float32),
        interpret=_INTERPRET,
    )(rank_row, pmt)


def _sc_permute(rank3, pm):
    info = plsc.get_sparse_core_info()
    nc = info.num_cores
    mesh = plsc.VectorSubcoreMesh(core_axis_name="c", subcore_axis_name="s")

    @functools.partial(
        pl.kernel, mesh=mesh,
        out_type=jax.ShapeDtypeStruct((N, 128), jnp.float32),
        scratch_types=[pltpu.VMEM((2, 128), jnp.int32),
                       pltpu.VMEM((256, 128), jnp.float32),
                       pltpu.SemaphoreType.DMA],
    )
    def k(rank_hbm, pm_hbm, out_hbm, idx_v, rows_v, sem):
        wid = lax.axis_index("s") * nc + lax.axis_index("c")
        base = wid * 256
        pltpu.sync_copy(rank_hbm.at[wid], idx_v)
        pltpu.sync_copy(pm_hbm.at[pl.ds(base, 256)], rows_v)
        for j in range(2):
            pltpu.async_copy(rows_v.at[pl.ds(j * 128, 128)],
                             out_hbm.at[idx_v.at[j]], sem).wait()

    return k(rank3, pm)


def _raster_body(pmt, col_o, md_o, ai_o, tkw_o, tki_o, tvc_o, wgt_s):
    f32 = jnp.float32
    pid = (lax.broadcasted_iota(jnp.int32, (PB, 1), 0)
           + pl.program_id(0) * PB)
    px = (pid % W).astype(f32) + 0.5
    py = (pid // W).astype(f32) + 0.5
    Tc = jnp.ones((PB, 1), f32)
    colR = jnp.zeros((PB, 1), f32)
    colG = jnp.zeros((PB, 1), f32)
    colB = jnp.zeros((PB, 1), f32)
    md = jnp.zeros((PB, 1), f32)
    ai = jnp.zeros((PB, 1), f32)
    for cidx in range(N // CH):
        sl = pl.ds(cidx * CH, CH)
        xs = pmt[0:1, sl]
        ys = pmt[1:2, sl]
        A = pmt[2:3, sl]
        Bc = pmt[3:4, sl]
        Cc = pmt[4:5, sl]
        op = pmt[5:6, sl]
        cr = pmt[6:7, sl]
        cg = pmt[7:8, sl]
        cb = pmt[8:9, sl]
        zz = pmt[9:10, sl]
        dx = px - xs
        dy = py - ys
        power = -0.5 * (A * dx * dx + Cc * dy * dy) - Bc * dx * dy
        alpha = jnp.where(power > 0.0, 0.0, op * jnp.exp(power))
        alpha = jnp.minimum(alpha, 0.99)
        t = 1.0 - alpha + 1e-10
        cp = t
        s = 1
        while s < CH:
            shifted = jnp.concatenate(
                [jnp.ones((PB, s), f32), cp[:, :CH - s]], axis=1)
            cp = cp * shifted
            s *= 2
        texcl = jnp.concatenate(
            [jnp.ones((PB, 1), f32), cp[:, :CH - 1]], axis=1) * Tc
        w = alpha * texcl
        wgt_s[:, sl] = w
        bw = _bfr(w)
        colR += jnp.sum(bw * _bfr(cr), axis=1, keepdims=True)
        colG += jnp.sum(bw * _bfr(cg), axis=1, keepdims=True)
        colB += jnp.sum(bw * _bfr(cb), axis=1, keepdims=True)
        md += jnp.sum(bw * _bfr(zz), axis=1, keepdims=True)
        ai += jnp.sum(w, axis=1, keepdims=True)
        Tc = Tc * cp[:, CH - 1:CH]
    col_o[...] = jnp.concatenate([colR, colG, colB], axis=1)
    md_o[...] = md
    ai_o[...] = ai
    order = pmt[10:11, :]
    iota = lax.broadcasted_iota(jnp.int32, (PB, N), 1)
    pk = iota * N + jnp.round(order).astype(jnp.int32)
    tkw_l = []
    tki_l = []
    wv = wgt_s[...]
    m = jnp.max(wv, axis=1, keepdims=True)
    for k in range(TOPK):
        cand = jnp.where(wv == m, pk, jnp.int32(2147483647))
        pmin = jnp.min(cand, axis=1, keepdims=True)
        tkw_l.append(m)
        tki_l.append(pmin)
        if k < TOPK - 1:
            wv = jnp.where(pk == pmin, -1.0, wv)
            m = jnp.max(wv, axis=1, keepdims=True)
    tkw = jnp.concatenate(tkw_l, axis=1)
    tki = jnp.concatenate(tki_l, axis=1)
    tkw_o[...] = tkw
    tki_o[...] = jnp.remainder(tki, N)
    tvc_o[...] = jnp.sum((tkw > 1.0 / 255.0).astype(jnp.int32),
                         axis=1, keepdims=True)


def _raster(pmt_s):
    f32 = jnp.float32
    outs = [jax.ShapeDtypeStruct((P, 3), f32),
            jax.ShapeDtypeStruct((P, 1), f32),
            jax.ShapeDtypeStruct((P, 1), f32),
            jax.ShapeDtypeStruct((P, TOPK), f32),
            jax.ShapeDtypeStruct((P, TOPK), jnp.int32),
            jax.ShapeDtypeStruct((P, 1), jnp.int32)]
    return pl.pallas_call(
        _raster_body,
        grid=(P // PB,),
        in_specs=[pl.BlockSpec((16, N), lambda b: (0, 0))],
        out_specs=[pl.BlockSpec((PB, 3), lambda b: (b, 0)),
                   pl.BlockSpec((PB, 1), lambda b: (b, 0)),
                   pl.BlockSpec((PB, 1), lambda b: (b, 0)),
                   pl.BlockSpec((PB, TOPK), lambda b: (b, 0)),
                   pl.BlockSpec((PB, TOPK), lambda b: (b, 0)),
                   pl.BlockSpec((PB, 1), lambda b: (b, 0))],
        out_shape=outs,
        scratch_shapes=[pltpu.VMEM((PB, N), f32)],
        interpret=_INTERPRET,
    )(pmt_s)


def kernel(means3D, means2D, opacities, scales, rotations, colors_precomp,
           viewmatrix, campos):
    f32 = jnp.float32
    rs = lambda v: v.reshape(64, 128)
    cols = [rs(means3D[:, 0]), rs(means3D[:, 1]), rs(means3D[:, 2]),
            rs(scales[:, 0]), rs(scales[:, 1]), rs(scales[:, 2]),
            rs(rotations[:, 0]), rs(rotations[:, 1]), rs(rotations[:, 2]),
            rs(rotations[:, 3])]
    vm = viewmatrix[:3, :4].reshape(12).astype(f32)
    x2d, y2d, cA, cB, cC, zc, rad = _prep(vm, cols)
    zflat = zc.reshape(N)
    rank = _rank(zflat.reshape(N, 1), zflat.reshape(1, N))
    pm = jnp.stack([x2d.reshape(N), y2d.reshape(N), cA.reshape(N),
                    cB.reshape(N), cC.reshape(N), opacities[:, 0],
                    colors_precomp[:, 0], colors_precomp[:, 1],
                    colors_precomp[:, 2], zflat,
                    jnp.arange(N, dtype=f32),
                    jnp.zeros((N,), f32)], axis=1)
    pm = jnp.concatenate([pm, jnp.zeros((N, 116), f32)], axis=1)
    pm_s = _sc_permute(rank.reshape(32, 2, 128), pm)
    pmt_s = pm_s[:, :16].T
    color, mdepth, aimg, tkw, tki, tvc = _raster(pmt_s)
    return (color.reshape(H, W, 3), rad.reshape(N), mdepth.reshape(H, W),
            aimg.reshape(H, W), tki, tkw, tvc.reshape(P))

# --- scband reference (transcript-rebuilt; emitter-appended) ---
"""Pipeline reference for scband-gaussian-rasterizer-31044023616346 (READ-ONLY COPY).

The authoritative reference and input builder live on the scoring server;
editing this copy changes nothing except your own understanding.
"""

import jax, jax.numpy as jnp
import numpy as np

N = 8192
H = 32
W = 32
TANFOVX = 0.5
TANFOVY = 0.5
TOPK = 16
KERNEL = 0.3


def quat_to_rot(q):
    q = q / (jnp.linalg.norm(q, axis=-1, keepdims=True) + 1e-8)
    w, x, y, z = q[..., 0], q[..., 1], q[..., 2], q[..., 3]
    R = jnp.stack([
        1 - 2 * (y * y + z * z), 2 * (x * y - w * z), 2 * (x * z + w * y),
        2 * (x * y + w * z), 1 - 2 * (x * x + z * z), 2 * (y * z - w * x),
        2 * (x * z - w * y), 2 * (y * z + w * x), 1 - 2 * (x * x + y * y),
    ], axis=-1).reshape(q.shape[:-1] + (3, 3))
    return R


def setup_inputs(seed: int = 0):
    key = jax.random.key(seed)
    ks = jax.random.split(key, 8)
    means3D = jax.random.normal(ks[0], (N, 3), jnp.float32) * 2.0
    means3D = means3D.at[:, 2].add(8.0)
    means2D = jnp.zeros((N, 3), jnp.float32)
    opacities = jax.random.uniform(ks[1], (N, 1), jnp.float32) * 0.9 + 0.05
    scales = jax.random.uniform(ks[2], (N, 3), jnp.float32) * 0.15 + 0.02
    rotations = jax.random.normal(ks[3], (N, 4), jnp.float32)
    colors_precomp = jax.random.uniform(ks[4], (N, 3), jnp.float32)
    viewmatrix = jnp.eye(4, dtype=jnp.float32)
    campos = jnp.zeros((3,), jnp.float32)
    return {"means3D": means3D, "means2D": means2D, "opacities": opacities,
            "scales": scales, "rotations": rotations,
            "colors_precomp": colors_precomp, "viewmatrix": viewmatrix,
            "campos": campos}


def _rasterize(means3D, opacities, scales, rotations, colors_precomp, viewmatrix):
    Rv = viewmatrix[:3, :3]
    tv = viewmatrix[:3, 3]
    p_cam = means3D @ Rv.T + tv
    z = jnp.clip(p_cam[:, 2], 0.2, None)
    fx = W / (2.0 * TANFOVX)
    fy = H / (2.0 * TANFOVY)
    x2d = p_cam[:, 0] / z * fx + W / 2.0
    y2d = p_cam[:, 1] / z * fy + H / 2.0
    # 3D covariance: Sigma = R S S^T R^T
    Rq = quat_to_rot(rotations)
    M = Rq * scales[:, None, :]
    Sigma = M @ jnp.swapaxes(M, 1, 2)
    # EWA splatting Jacobian -> 2D covariance
    zeros = jnp.zeros_like(z)
    J = jnp.stack([
        jnp.stack([fx / z, zeros, -fx * p_cam[:, 0] / (z * z)], axis=-1),
        jnp.stack([zeros, fy / z, -fy * p_cam[:, 1] / (z * z)], axis=-1),
    ], axis=1)
    T3 = jnp.einsum('nij,jk->nik', J, Rv)
    cov2d = jnp.einsum('nij,njk,nlk->nil', T3, Sigma, T3)
    a = cov2d[:, 0, 0] + KERNEL
    b = cov2d[:, 0, 1]
    c = cov2d[:, 1, 1] + KERNEL
    det = a * c - b * b
    det = jnp.where(det == 0, 1e-8, det)
    conA = c / det
    conB = b / det
    conC = a / det
    mid = 0.5 * (a + c)
    lam = mid + jnp.sqrt(jnp.maximum(mid * mid - det, 0.1))
    radii = jnp.ceil(3.0 * jnp.sqrt(lam))
    # pixel grid
    px = jnp.arange(W, dtype=jnp.float32) + 0.5
    py = jnp.arange(H, dtype=jnp.float32) + 0.5
    gx, gy = jnp.meshgrid(px, py, indexing='xy')
    pixx = gx.reshape(-1)
    pixy = gy.reshape(-1)
    dx = pixx[:, None] - x2d[None, :]
    dy = pixy[:, None] - y2d[None, :]
    power = -0.5 * (conA[None, :] * dx * dx + conC[None, :] * dy * dy) - conB[None, :] * dx * dy
    alpha = jnp.where(power > 0.0, 0.0, opacities[:, 0][None, :] * jnp.exp(power))
    alpha = jnp.minimum(alpha, 0.99)
    # depth-sorted front-to-back alpha compositing
    order = jnp.argsort(z)
    alpha_s = alpha[:, order]
    Tcum = jnp.cumprod(1.0 - alpha_s + 1e-10, axis=1)
    Texcl = jnp.concatenate([jnp.ones((alpha_s.shape[0], 1), alpha_s.dtype), Tcum[:, :-1]], axis=1)
    wgt = alpha_s * Texcl
    colors_s = colors_precomp[order]
    color = wgt @ colors_s
    z_s = z[order]
    mdepth = wgt @ z_s[:, None]
    alpha_img = jnp.sum(wgt, axis=1, keepdims=True)
    # per-pixel top-k contributing gaussians (enable_topk path)
    topk_weights, topk_idx = jax.lax.top_k(wgt, TOPK)
    topk_ids = order[topk_idx]
    topk_valid_count = jnp.sum(topk_weights > (1.0 / 255.0), axis=1).astype(jnp.int32)
    return (color.reshape(H, W, 3), radii, mdepth.reshape(H, W),
            alpha_img.reshape(H, W), topk_ids, topk_weights, topk_valid_count)


def reference(means3D, means2D, opacities, scales, rotations, colors_precomp, viewmatrix, campos):
    return _rasterize(means3D, opacities, scales, rotations, colors_precomp, viewmatrix)

if __name__ == "__main__":
    import jax
    _d = setup_inputs()
    print(jax.jit(kernel)(*tuple(_d.values())))

</pallas_src>

<mosaic_0001>
#map = affine_map<(d0, d1) -> (0, 0, 0)>
#map1 = affine_map<(d0, d1) -> (0, 0)>
module attributes {stable_mosaic.version = 14 : i64} {
  func.func @k(%arg0: i32, %arg1: i32, %arg2: memref<32x2x128xi32, #tpu.memory_space<hbm>>, %arg3: memref<8192x128xf32, #tpu.memory_space<hbm>>, %arg4: memref<8192x128xf32, #tpu.memory_space<hbm>>, %arg5: memref<2x128xi32, #tpu.memory_space<vmem>>, %arg6: memref<256x128xf32, #tpu.memory_space<vmem>>, %arg7: memref<!tpu.dma_semaphore, #tpu.memory_space<semaphore_mem>>) attributes {dimension_semantics = [#tpu.dimension_semantics<core_parallel>, #tpu.dimension_semantics<subcore_parallel>], iteration_bounds = array<i64: 2, 16>, scalar_prefetch = 0 : i64, scratch_operands = 3 : i64, tpu.core_type = #tpu.core_type<sc_vector_subcore>, window_params = [{transform_indices = #map}, {transform_indices = #map1}, {transform_indices = #map1}]} {
    %mul3A = arith.constant 2 : i32
    %mul3A_0 = arith.muli %arg1, %mul3A : i32
    %add3A = arith.addi %mul3A_0, %arg0 : i32
    %mul3A_1 = arith.constant 256 : i32
    %mul3A_2 = arith.muli %add3A, %mul3A_1 : i32
    "tpu.region"() ({
      %run_scoped3A = tpu.sem_alloc : memref<!tpu.dma_semaphore, #tpu.memory_space<semaphore_mem>>
      %dma_start3A_41 = arith.constant 0 : i32
      %dma_start3A_42 = arith.constant 0 : i32
      %dma_start3A_43 = tpu.memref_slice %arg2[%add3A, %dma_start3A_41, %dma_start3A_42] : memref<32x2x128xi32, #tpu.memory_space<hbm>> -> memref<1x2x128xi32, #tpu.memory_space<hbm>>
      %dma_start3A_44 = tpu.memref_squeeze %dma_start3A_43 : memref<1x2x128xi32, #tpu.memory_space<hbm>> -> memref<2x128xi32, #tpu.memory_space<hbm>>
      %dma_start3A_45 = arith.constant 0 : i32
      %dma_start3A_46 = arith.constant 0 : i32
      %dma_start3A_47 = tpu.memref_slice %arg2[%add3A, %dma_start3A_45, %dma_start3A_46] : memref<32x2x128xi32, #tpu.memory_space<hbm>> -> memref<1x2x128xi32, #tpu.memory_space<hbm>>
      %dma_start3A_48 = tpu.memref_squeeze %dma_start3A_47 : memref<1x2x128xi32, #tpu.memory_space<hbm>> -> memref<2x128xi32, #tpu.memory_space<hbm>>
      tpu.enqueue_dma source(%dma_start3A_48 : memref<2x128xi32, #tpu.memory_space<hbm>>) target(%arg5 : memref<2x128xi32, #tpu.memory_space<vmem>>) target_semaphore(%run_scoped3A : memref<!tpu.dma_semaphore, #tpu.memory_space<semaphore_mem>>)
      %dma_wait3A_49 = arith.constant 0 : i32
      %dma_wait3A_50 = arith.constant 0 : i32
      %dma_wait3A_51 = tpu.memref_slice %arg2[%add3A, %dma_wait3A_49, %dma_wait3A_50] : memref<32x2x128xi32, #tpu.memory_space<hbm>> -> memref<1x2x128xi32, #tpu.memory_space<hbm>>
      %dma_wait3A_52 = tpu.memref_squeeze %dma_wait3A_51 : memref<1x2x128xi32, #tpu.memory_space<hbm>> -> memref<2x128xi32, #tpu.memory_space<hbm>>
      %dma_wait3A_53 = arith.constant 0 : i32
      %dma_wait3A_54 = arith.constant 0 : i32
      %dma_wait3A_55 = tpu.memref_slice %arg2[%add3A, %dma_wait3A_53, %dma_wait3A_54] : memref<32x2x128xi32, #tpu.memory_space<hbm>> -> memref<1x2x128xi32, #tpu.memory_space<hbm>>
      %dma_wait3A_56 = tpu.memref_squeeze %dma_wait3A_55 : memref<1x2x128xi32, #tpu.memory_space<hbm>> -> memref<2x128xi32, #tpu.memory_space<hbm>>
      tpu.wait_dma2 semaphore(%run_scoped3A : memref<!tpu.dma_semaphore, #tpu.memory_space<semaphore_mem>>) src(%dma_wait3A_56 : memref<2x128xi32, #tpu.memory_space<hbm>>) dst(%arg5 : memref<2x128xi32, #tpu.memory_space<vmem>>)
      tpu.yield
    }) : () -> ()
    "tpu.region"() ({
      %run_scoped3A = tpu.sem_alloc : memref<!tpu.dma_semaphore, #tpu.memory_space<semaphore_mem>>
      %dma_start3A_41 = arith.constant 0 : i32
      %dma_start3A_42 = tpu.memref_slice %arg3[%mul3A_2, %dma_start3A_41] : memref<8192x128xf32, #tpu.memory_space<hbm>> -> memref<256x128xf32, #tpu.memory_space<hbm>>
      %dma_start3A_43 = arith.constant 0 : i32
      %dma_start3A_44 = tpu.memref_slice %arg3[%mul3A_2, %dma_start3A_43] : memref<8192x128xf32, #tpu.memory_space<hbm>> -> memref<256x128xf32, #tpu.memory_space<hbm>>
      tpu.enqueue_dma source(%dma_start3A_44 : memref<256x128xf32, #tpu.memory_space<hbm>>) target(%arg6 : memref<256x128xf32, #tpu.memory_space<vmem>>) target_semaphore(%run_scoped3A : memref<!tpu.dma_semaphore, #tpu.memory_space<semaphore_mem>>)
      %dma_wait3A_45 = arith.constant 0 : i32
      %dma_wait3A_46 = tpu.memref_slice %arg3[%mul3A_2, %dma_wait3A_45] : memref<8192x128xf32, #tpu.memory_space<hbm>> -> memref<256x128xf32, #tpu.memory_space<hbm>>
      %dma_wait3A_47 = arith.constant 0 : i32
      %dma_wait3A_48 = tpu.memref_slice %arg3[%mul3A_2, %dma_wait3A_47] : memref<8192x128xf32, #tpu.memory_space<hbm>> -> memref<256x128xf32, #tpu.memory_space<hbm>>
      tpu.wait_dma2 semaphore(%run_scoped3A : memref<!tpu.dma_semaphore, #tpu.memory_space<semaphore_mem>>) src(%dma_wait3A_48 : memref<256x128xf32, #tpu.memory_space<hbm>>) dst(%arg6 : memref<256x128xf32, #tpu.memory_space<vmem>>)
      tpu.yield
    }) : () -> ()
    %dma_start3A = arith.constant 0 : i32
    %dma_start3A_3 = arith.constant 0 : i32
    %dma_start3A_4 = arith.constant 0 : i32
    %dma_start3A_5 = tpu.memref_slice %arg6[%dma_start3A_3, %dma_start3A_4] : memref<256x128xf32, #tpu.memory_space<vmem>> -> memref<128x128xf32, #tpu.memory_space<vmem>>
    %dma_start3A_6 = arith.constant 0 : i32
    %dma_start3A_7 = tpu.memref_slice %arg5[%dma_start3A, %dma_start3A_6] : memref<2x128xi32, #tpu.memory_space<vmem>> -> memref<1x128xi32, #tpu.memory_space<vmem>>
    %dma_start3A_8 = tpu.memref_squeeze %dma_start3A_7 : memref<1x128xi32, #tpu.memory_space<vmem>> -> memref<128xi32, #tpu.memory_space<vmem>>
    %dma_start3A_9 = arith.constant 0 : i32
    %dma_start3A_10 = arith.constant 0 : i32
    %dma_start3A_11 = tpu.memref_slice %arg4[%dma_start3A_9, %dma_start3A_10] : memref<8192x128xf32, #tpu.memory_space<hbm>> -> memref<8192x128xf32, #tpu.memory_space<hbm>>
    tpu.enqueue_indirect_dma source(%dma_start3A_5 : memref<128x128xf32, #tpu.memory_space<vmem>>) target(%dma_start3A_11 : memref<8192x128xf32, #tpu.memory_space<hbm>>) offsets(%dma_start3A_8 : memref<128xi32, #tpu.memory_space<vmem>>) semaphore(%arg7 : memref<!tpu.dma_semaphore, #tpu.memory_space<semaphore_mem>>)
    %dma_wait3A = arith.constant 0 : i32
    %dma_wait3A_12 = arith.constant 0 : i32
    %dma_wait3A_13 = arith.constant 0 : i32
    %dma_wait3A_14 = tpu.memref_slice %arg6[%dma_wait3A_12, %dma_wait3A_13] : memref<256x128xf32, #tpu.memory_space<vmem>> -> memref<128x128xf32, #tpu.memory_space<vmem>>
    %dma_wait3A_15 = arith.constant 0 : i32
    %dma_wait3A_16 = tpu.memref_slice %arg5[%dma_wait3A, %dma_wait3A_15] : memref<2x128xi32, #tpu.memory_space<vmem>> -> memref<1x128xi32, #tpu.memory_space<vmem>>
    %dma_wait3A_17 = tpu.memref_squeeze %dma_wait3A_16 : memref<1x128xi32, #tpu.memory_space<vmem>> -> memref<128xi32, #tpu.memory_space<vmem>>
    %dma_wait3A_18 = arith.constant 0 : i32
    %dma_wait3A_19 = arith.constant 0 : i32
    %dma_wait3A_20 = tpu.memref_slice %arg4[%dma_wait3A_18, %dma_wait3A_19] : memref<8192x128xf32, #tpu.memory_space<hbm>> -> memref<8192x128xf32, #tpu.memory_space<hbm>>
    tpu.wait_indirect_dma semaphore(%arg7 : memref<!tpu.dma_semaphore, #tpu.memory_space<semaphore_mem>>) src(%dma_wait3A_14 : memref<128x128xf32, #tpu.memory_space<vmem>>) dst(%dma_wait3A_20 : memref<8192x128xf32, #tpu.memory_space<hbm>>)
    %dma_start3A_21 = arith.constant 1 : i32
    %dma_start3A_22 = arith.constant 128 : i32
    %dma_start3A_23 = arith.constant 0 : i32
    %dma_start3A_24 = tpu.memref_slice %arg6[%dma_start3A_22, %dma_start3A_23] : memref<256x128xf32, #tpu.memory_space<vmem>> -> memref<128x128xf32, #tpu.memory_space<vmem>>
    %dma_start3A_25 = arith.constant 0 : i32
    %dma_start3A_26 = tpu.memref_slice %arg5[%dma_start3A_21, %dma_start3A_25] : memref<2x128xi32, #tpu.memory_space<vmem>> -> memref<1x128xi32, #tpu.memory_space<vmem>>
    %dma_start3A_27 = tpu.memref_squeeze %dma_start3A_26 : memref<1x128xi32, #tpu.memory_space<vmem>> -> memref<128xi32, #tpu.memory_space<vmem>>
    %dma_start3A_28 = arith.constant 0 : i32
    %dma_start3A_29 = arith.constant 0 : i32
    %dma_start3A_30 = tpu.memref_slice %arg4[%dma_start3A_28, %dma_start3A_29] : memref<8192x128xf32, #tpu.memory_space<hbm>> -> memref<8192x128xf32, #tpu.memory_space<hbm>>
    tpu.enqueue_indirect_dma source(%dma_start3A_24 : memref<128x128xf32, #tpu.memory_space<vmem>>) target(%dma_start3A_30 : memref<8192x128xf32, #tpu.memory_space<hbm>>) offsets(%dma_start3A_27 : memref<128xi32, #tpu.memory_space<vmem>>) semaphore(%arg7 : memref<!tpu.dma_semaphore, #tpu.memory_space<semaphore_mem>>)
    %dma_wait3A_31 = arith.constant 1 : i32
    %dma_wait3A_32 = arith.constant 128 : i32
    %dma_wait3A_33 = arith.constant 0 : i32
    %dma_wait3A_34 = tpu.memref_slice %arg6[%dma_wait3A_32, %dma_wait3A_33] : memref<256x128xf32, #tpu.memory_space<vmem>> -> memref<128x128xf32, #tpu.memory_space<vmem>>
    %dma_wait3A_35 = arith.constant 0 : i32
    %dma_wait3A_36 = tpu.memref_slice %arg5[%dma_wait3A_31, %dma_wait3A_35] : memref<2x128xi32, #tpu.memory_space<vmem>> -> memref<1x128xi32, #tpu.memory_space<vmem>>
    %dma_wait3A_37 = tpu.memref_squeeze %dma_wait3A_36 : memref<1x128xi32, #tpu.memory_space<vmem>> -> memref<128xi32, #tpu.memory_space<vmem>>
    %dma_wait3A_38 = arith.constant 0 : i32
    %dma_wait3A_39 = arith.constant 0 : i32
    %dma_wait3A_40 = tpu.memref_slice %arg4[%dma_wait3A_38, %dma_wait3A_39] : memref<8192x128xf32, #tpu.memory_space<hbm>> -> memref<8192x128xf32, #tpu.memory_space<hbm>>
    tpu.wait_indirect_dma semaphore(%arg7 : memref<!tpu.dma_semaphore, #tpu.memory_space<semaphore_mem>>) src(%dma_wait3A_34 : memref<128x128xf32, #tpu.memory_space<vmem>>) dst(%dma_wait3A_40 : memref<8192x128xf32, #tpu.memory_space<hbm>>)
    return
  }
}

module attributes {stable_mosaic.version = 14 : i64} {
  func.func @_prep_body(%arg0: memref<12xf32, #tpu.memory_space<smem>>, %arg1: memref<64x128xf32, #tpu.memory_space<vmem>>, %arg2: memref<64x128xf32, #tpu.memory_space<vmem>>, %arg3: memref<64x128xf32, #tpu.memory_space<vmem>>, %arg4: memref<64x128xf32, #tpu.memory_space<vmem>>, %arg5: memref<64x128xf32, #tpu.memory_space<vmem>>, %arg6: memref<64x128xf32, #tpu.memory_space<vmem>>, %arg7: memref<64x128xf32, #tpu.memory_space<vmem>>, %arg8: memref<64x128xf32, #tpu.memory_space<vmem>>, %arg9: memref<64x128xf32, #tpu.memory_space<vmem>>, %arg10: memref<64x128xf32, #tpu.memory_space<vmem>>, %arg11: memref<64x128xf32, #tpu.memory_space<vmem>>, %arg12: memref<64x128xf32, #tpu.memory_space<vmem>>, %arg13: memref<64x128xf32, #tpu.memory_space<vmem>>, %arg14: memref<64x128xf32, #tpu.memory_space<vmem>>, %arg15: memref<64x128xf32, #tpu.memory_space<vmem>>, %arg16: memref<64x128xf32, #tpu.memory_space<vmem>>, %arg17: memref<64x128xf32, #tpu.memory_space<vmem>>) attributes {dimension_semantics = [], scalar_prefetch = 0 : i64, scratch_operands = 0 : i64, tpu.core_type = #tpu.core_type<tc>} {
    %get3A = arith.constant 0 : index
    %get3A_0 = memref.load %arg0[%get3A] : memref<12xf32, #tpu.memory_space<smem>>
    %get3A_1 = arith.constant 1 : index
    %get3A_2 = memref.load %arg0[%get3A_1] : memref<12xf32, #tpu.memory_space<smem>>
    %get3A_3 = arith.constant 2 : index
    %get3A_4 = memref.load %arg0[%get3A_3] : memref<12xf32, #tpu.memory_space<smem>>
    %get3A_5 = arith.constant 3 : index
    %get3A_6 = memref.load %arg0[%get3A_5] : memref<12xf32, #tpu.memory_space<smem>>
    %get3A_7 = arith.constant 4 : index
    %get3A_8 = memref.load %arg0[%get3A_7] : memref<12xf32, #tpu.memory_space<smem>>
    %get3A_9 = arith.constant 5 : index
    %get3A_10 = memref.load %arg0[%get3A_9] : memref<12xf32, #tpu.memory_space<smem>>
    %get3A_11 = arith.constant 6 : index
    %get3A_12 = memref.load %arg0[%get3A_11] : memref<12xf32, #tpu.memory_space<smem>>
    %get3A_13 = arith.constant 7 : index
    %get3A_14 = memref.load %arg0[%get3A_13] : memref<12xf32, #tpu.memory_space<smem>>
    %get3A_15 = arith.constant 8 : index
    %get3A_16 = memref.load %arg0[%get3A_15] : memref<12xf32, #tpu.memory_space<smem>>
    %get3A_17 = arith.constant 9 : index
    %get3A_18 = memref.load %arg0[%get3A_17] : memref<12xf32, #tpu.memory_space<smem>>
    %get3A_19 = arith.constant 10 : index
    %get3A_20 = memref.load %arg0[%get3A_19] : memref<12xf32, #tpu.memory_space<smem>>
    %get3A_21 = arith.constant 11 : index
    %get3A_22 = memref.load %arg0[%get3A_21] : memref<12xf32, #tpu.memory_space<smem>>
    %convert_element_type3A = arith.truncf %get3A_0 : f32 to bf16
    %convert_element_type3A_23 = arith.extf %convert_element_type3A : bf16 to f32
    %convert_element_type3A_24 = arith.truncf %get3A_2 : f32 to bf16
    %convert_element_type3A_25 = arith.extf %convert_element_type3A_24 : bf16 to f32
    %convert_element_type3A_26 = arith.truncf %get3A_4 : f32 to bf16
    %convert_element_type3A_27 = arith.extf %convert_element_type3A_26 : bf16 to f32
    %convert_element_type3A_28 = arith.truncf %get3A_8 : f32 to bf16
    %convert_element_type3A_29 = arith.extf %convert_element_type3A_28 : bf16 to f32
    %convert_element_type3A_30 = arith.truncf %get3A_10 : f32 to bf16
    %convert_element_type3A_31 = arith.extf %convert_element_type3A_30 : bf16 to f32
    %convert_element_type3A_32 = arith.truncf %get3A_12 : f32 to bf16
    %convert_element_type3A_33 = arith.extf %convert_element_type3A_32 : bf16 to f32
    %convert_element_type3A_34 = arith.truncf %get3A_16 : f32 to bf16
    %convert_element_type3A_35 = arith.extf %convert_element_type3A_34 : bf16 to f32
    %convert_element_type3A_36 = arith.truncf %get3A_18 : f32 to bf16
    %convert_element_type3A_37 = arith.extf %convert_element_type3A_36 : bf16 to f32
    %convert_element_type3A_38 = arith.truncf %get3A_20 : f32 to bf16
    %convert_element_type3A_39 = arith.extf %convert_element_type3A_38 : bf16 to f32
    %get3A_40 = arith.constant 0 : index
    %get3A_41 = arith.constant 0 : index
    %get3A_42 = vector.load %arg1[%get3A_40, %get3A_41] : memref<64x128xf32, #tpu.memory_space<vmem>>, vector<64x128xf32>
    %convert_element_type3A_43 = arith.truncf %get3A_42 : vector<64x128xf32> to vector<64x128xbf16>
    %convert_element_type3A_44 = arith.extf %convert_element_type3A_43 : vector<64x128xbf16> to vector<64x128xf32>
    %get3A_45 = arith.constant 0 : index
    %get3A_46 = arith.constant 0 : index
    %get3A_47 = vector.load %arg2[%get3A_45, %get3A_46] : memref<64x128xf32, #tpu.memory_space<vmem>>, vector<64x128xf32>
    %convert_element_type3A_48 = arith.truncf %get3A_47 : vector<64x128xf32> to vector<64x128xbf16>
    %convert_element_type3A_49 = arith.extf %convert_element_type3A_48 : vector<64x128xbf16> to vector<64x128xf32>
    %get3A_50 = arith.constant 0 : index
    %get3A_51 = arith.constant 0 : index
    %get3A_52 = vector.load %arg3[%get3A_50, %get3A_51] : memref<64x128xf32, #tpu.memory_space<vmem>>, vector<64x128xf32>
    %convert_element_type3A_53 = arith.truncf %get3A_52 : vector<64x128xf32> to vector<64x128xbf16>
    %convert_element_type3A_54 = arith.extf %convert_element_type3A_53 : vector<64x128xbf16> to vector<64x128xf32>
    %mul3A = vector.broadcast %convert_element_type3A_23 : f32 to vector<64x128xf32>
    %mul3A_55 = arith.mulf %convert_element_type3A_44, %mul3A : vector<64x128xf32>
    %mul3A_56 = vector.broadcast %convert_element_type3A_25 : f32 to vector<64x128xf32>
    %mul3A_57 = arith.mulf %convert_element_type3A_49, %mul3A_56 : vector<64x128xf32>
    %add3A = arith.addf %mul3A_55, %mul3A_57 : vector<64x128xf32>
    %mul3A_58 = vector.broadcast %convert_element_type3A_27 : f32 to vector<64x128xf32>
    %mul3A_59 = arith.mulf %convert_element_type3A_54, %mul3A_58 : vector<64x128xf32>
    %add3A_60 = arith.addf %add3A, %mul3A_59 : vector<64x128xf32>
    %add3A_61 = vector.broadcast %get3A_6 : f32 to vector<64x128xf32>
    %add3A_62 = arith.addf %add3A_60, %add3A_61 : vector<64x128xf32>
    %mul3A_63 = vector.broadcast %convert_element_type3A_29 : f32 to vector<64x128xf32>
    %mul3A_64 = arith.mulf %convert_element_type3A_44, %mul3A_63 : vector<64x128xf32>
    %mul3A_65 = vector.broadcast %convert_element_type3A_31 : f32 to vector<64x128xf32>
    %mul3A_66 = arith.mulf %convert_element_type3A_49, %mul3A_65 : vector<64x128xf32>
    %add3A_67 = arith.addf %mul3A_64, %mul3A_66 : vector<64x128xf32>
    %mul3A_68 = vector.broadcast %convert_element_type3A_33 : f32 to vector<64x128xf32>
    %mul3A_69 = arith.mulf %convert_element_type3A_54, %mul3A_68 : vector<64x128xf32>
    %add3A_70 = arith.addf %add3A_67, %mul3A_69 : vector<64x128xf32>
    %add3A_71 = vector.broadcast %get3A_14 : f32 to vector<64x128xf32>
    %add3A_72 = arith.addf %add3A_70, %add3A_71 : vector<64x128xf32>
    %mul3A_73 = vector.broadcast %convert_element_type3A_35 : f32 to vector<64x128xf32>
    %mul3A_74 = arith.mulf %convert_element_type3A_44, %mul3A_73 : vector<64x128xf32>
    %mul3A_75 = vector.broadcast %convert_element_type3A_37 : f32 to vector<64x128xf32>
    %mul3A_76 = arith.mulf %convert_element_type3A_49, %mul3A_75 : vector<64x128xf32>
    %add3A_77 = arith.addf %mul3A_74, %mul3A_76 : vector<64x128xf32>
    %mul3A_78 = vector.broadcast %convert_element_type3A_39 : f32 to vector<64x128xf32>
    %mul3A_79 = arith.mulf %convert_element_type3A_54, %mul3A_78 : vector<64x128xf32>
    %add3A_80 = arith.addf %add3A_77, %mul3A_79 : vector<64x128xf32>
    %add3A_81 = vector.broadcast %get3A_22 : f32 to vector<64x128xf32>
    %add3A_82 = arith.addf %add3A_80, %add3A_81 : vector<64x128xf32>
    %max3A = arith.constant 2.000000e-01 : f32
    %max3A_83 = vector.broadcast %max3A : f32 to vector<64x128xf32>
    %max3A_84 = arith.maximumf %add3A_82, %max3A_83 : vector<64x128xf32>
    %div3A = arith.divf %add3A_62, %max3A_84 : vector<64x128xf32>
    %mul3A_85 = arith.constant 3.200000e+01 : f32
    %mul3A_86 = vector.broadcast %mul3A_85 : f32 to vector<64x128xf32>
    %mul3A_87 = arith.mulf %div3A, %mul3A_86 : vector<64x128xf32>
    %add3A_88 = arith.constant 1.600000e+01 : f32
    %add3A_89 = vector.broadcast %add3A_88 : f32 to vector<64x128xf32>
    %add3A_90 = arith.addf %mul3A_87, %add3A_89 : vector<64x128xf32>
    %swap3A = arith.constant 0 : index
    %swap3A_91 = arith.constant 0 : index
    %swap3A_92 = vector.load %arg11[%swap3A, %swap3A_91] : memref<64x128xf32, #tpu.memory_space<vmem>>, vector<64x128xf32>
    tpu.vector_store %arg11[%swap3A, %swap3A_91], %add3A_90 {strides = array<i32>} : memref<64x128xf32, #tpu.memory_space<vmem>>, vector<64x128xf32>,
    %div3A_93 = arith.divf %add3A_72, %max3A_84 : vector<64x128xf32>
    %mul3A_94 = arith.constant 3.200000e+01 : f32
    %mul3A_95 = vector.broadcast %mul3A_94 : f32 to vector<64x128xf32>
    %mul3A_96 = arith.mulf %div3A_93, %mul3A_95 : vector<64x128xf32>
    %add3A_97 = arith.constant 1.600000e+01 : f32
    %add3A_98 = vector.broadcast %add3A_97 : f32 to vector<64x128xf32>
    %add3A_99 = arith.addf %mul3A_96, %add3A_98 : vector<64x128xf32>
    %swap3A_100 = arith.constant 0 : index
    %swap3A_101 = arith.constant 0 : index
    %swap3A_102 = vector.load %arg12[%swap3A_100, %swap3A_101] : memref<64x128xf32, #tpu.memory_space<vmem>>, vector<64x128xf32>
    tpu.vector_store %arg12[%swap3A_100, %swap3A_101], %add3A_99 {strides = array<i32>} : memref<64x128xf32, #tpu.memory_space<vmem>>, vector<64x128xf32>,
    %get3A_103 = arith.constant 0 : index
    %get3A_104 = arith.constant 0 : index
    %get3A_105 = vector.load %arg7[%get3A_103, %get3A_104] : memref<64x128xf32, #tpu.memory_space<vmem>>, vector<64x128xf32>
    %get3A_106 = arith.constant 0 : index
    %get3A_107 = arith.constant 0 : index
    %get3A_108 = vector.load %arg8[%get3A_106, %get3A_107] : memref<64x128xf32, #tpu.memory_space<vmem>>, vector<64x128xf32>
    %get3A_109 = arith.constant 0 : index
    %get3A_110 = arith.constant 0 : index
    %get3A_111 = vector.load %arg9[%get3A_109, %get3A_110] : memref<64x128xf32, #tpu.memory_space<vmem>>, vector<64x128xf32>
    %get3A_112 = arith.constant 0 : index
    %get3A_113 = arith.constant 0 : index
    %get3A_114 = vector.load %arg10[%get3A_112, %get3A_113] : memref<64x128xf32, #tpu.memory_space<vmem>>, vector<64x128xf32>
    %mul3A_115 = arith.mulf %get3A_105, %get3A_105 : vector<64x128xf32>
    %mul3A_116 = arith.mulf %get3A_108, %get3A_108 : vector<64x128xf32>
    %add3A_117 = arith.addf %mul3A_115, %mul3A_116 : vector<64x128xf32>
    %mul3A_118 = arith.mulf %get3A_111, %get3A_111 : vector<64x128xf32>
    %add3A_119 = arith.addf %add3A_117, %mul3A_118 : vector<64x128xf32>
    %mul3A_120 = arith.mulf %get3A_114, %get3A_114 : vector<64x128xf32>
    %add3A_121 = arith.addf %add3A_119, %mul3A_120 : vector<64x128xf32>
    %sqrt3A = math.sqrt %add3A_121 : vector<64x128xf32>
    %add3A_122 = arith.constant 9.99999993E-9 : f32
    %add3A_123 = vector.broadcast %add3A_122 : f32 to vector<64x128xf32>
    %add3A_124 = arith.addf %sqrt3A, %add3A_123 : vector<64x128xf32>
    %div3A_125 = arith.divf %get3A_105, %add3A_124 : vector<64x128xf32>
    %div3A_126 = arith.divf %get3A_108, %add3A_124 : vector<64x128xf32>
    %div3A_127 = arith.divf %get3A_111, %add3A_124 : vector<64x128xf32>
    %div3A_128 = arith.divf %get3A_114, %add3A_124 : vector<64x128xf32>
    %mul3A_129 = arith.mulf %div3A_127, %div3A_127 : vector<64x128xf32>
    %mul3A_130 = arith.mulf %div3A_128, %div3A_128 : vector<64x128xf32>
    %add3A_131 = arith.addf %mul3A_129, %mul3A_130 : vector<64x128xf32>
    %mul3A_132 = arith.constant 2.000000e+00 : f32
    %mul3A_133 = vector.broadcast %mul3A_132 : f32 to vector<64x128xf32>
    %mul3A_134 = arith.mulf %mul3A_133, %add3A_131 : vector<64x128xf32>
    %sub3A = arith.constant 1.000000e+00 : f32
    %sub3A_135 = vector.broadcast %sub3A : f32 to vector<64x128xf32>
    %sub3A_136 = arith.subf %sub3A_135, %mul3A_134 : vector<64x128xf32>
    %mul3A_137 = arith.mulf %div3A_126, %div3A_127 : vector<64x128xf32>
    %mul3A_138 = arith.mulf %div3A_125, %div3A_128 : vector<64x128xf32>
    %sub3A_139 = arith.subf %mul3A_137, %mul3A_138 : vector<64x128xf32>
    %mul3A_140 = arith.constant 2.000000e+00 : f32
    %mul3A_141 = vector.broadcast %mul3A_140 : f32 to vector<64x128xf32>
    %mul3A_142 = arith.mulf %mul3A_141, %sub3A_139 : vector<64x128xf32>
    %mul3A_143 = arith.mulf %div3A_126, %div3A_128 : vector<64x128xf32>
    %mul3A_144 = arith.mulf %div3A_125, %div3A_127 : vector<64x128xf32>
    %add3A_145 = arith.addf %mul3A_143, %mul3A_144 : vector<64x128xf32>
    %mul3A_146 = arith.constant 2.000000e+00 : f32
    %mul3A_147 = vector.broadcast %mul3A_146 : f32 to vector<64x128xf32>
    %mul3A_148 = arith.mulf %mul3A_147, %add3A_145 : vector<64x128xf32>
    %mul3A_149 = arith.mulf %div3A_126, %div3A_127 : vector<64x128xf32>
    %mul3A_150 = arith.mulf %div3A_125, %div3A_128 : vector<64x128xf32>
    %add3A_151 = arith.addf %mul3A_149, %mul3A_150 : vector<64x128xf32>
    %mul3A_152 = arith.constant 2.000000e+00 : f32
    %mul3A_153 = vector.broadcast %mul3A_152 : f32 to vector<64x128xf32>
    %mul3A_154 = arith.mulf %mul3A_153, %add3A_151 : vector<64x128xf32>
    %mul3A_155 = arith.mulf %div3A_126, %div3A_126 : vector<64x128xf32>
    %mul3A_156 = arith.mulf %div3A_128, %div3A_128 : vector<64x128xf32>
    %add3A_157 = arith.addf %mul3A_155, %mul3A_156 : vector<64x128xf32>
    %mul3A_158 = arith.constant 2.000000e+00 : f32
    %mul3A_159 = vector.broadcast %mul3A_158 : f32 to vector<64x128xf32>
    %mul3A_160 = arith.mulf %mul3A_159, %add3A_157 : vector<64x128xf32>
    %sub3A_161 = arith.constant 1.000000e+00 : f32
    %sub3A_162 = vector.broadcast %sub3A_161 : f32 to vector<64x128xf32>
    %sub3A_163 = arith.subf %sub3A_162, %mul3A_160 : vector<64x128xf32>
    %mul3A_164 = arith.mulf %div3A_127, %div3A_128 : vector<64x128xf32>
    %mul3A_165 = arith.mulf %div3A_125, %div3A_126 : vector<64x128xf32>
    %sub3A_166 = arith.subf %mul3A_164, %mul3A_165 : vector<64x128xf32>
    %mul3A_167 = arith.constant 2.000000e+00 : f32
    %mul3A_168 = vector.broadcast %mul3A_167 : f32 to vector<64x128xf32>
    %mul3A_169 = arith.mulf %mul3A_168, %sub3A_166 : vector<64x128xf32>
    %mul3A_170 = arith.mulf %div3A_126, %div3A_128 : vector<64x128xf32>
    %mul3A_171 = arith.mulf %div3A_125, %div3A_127 : vector<64x128xf32>
    %sub3A_172 = arith.subf %mul3A_170, %mul3A_171 : vector<64x128xf32>
    %mul3A_173 = arith.constant 2.000000e+00 : f32
    %mul3A_174 = vector.broadcast %mul3A_173 : f32 to vector<64x128xf32>
    %mul3A_175 = arith.mulf %mul3A_174, %sub3A_172 : vector<64x128xf32>
    %mul3A_176 = arith.mulf %div3A_127, %div3A_128 : vector<64x128xf32>
    %mul3A_177 = arith.mulf %div3A_125, %div3A_126 : vector<64x128xf32>
    %add3A_178 = arith.addf %mul3A_176, %mul3A_177 : vector<64x128xf32>
    %mul3A_179 = arith.constant 2.000000e+00 : f32
    %mul3A_180 = vector.broadcast %mul3A_179 : f32 to vector<64x128xf32>
    %mul3A_181 = arith.mulf %mul3A_180, %add3A_178 : vector<64x128xf32>
    %mul3A_182 = arith.mulf %div3A_126, %div3A_126 : vector<64x128xf32>
    %mul3A_183 = arith.mulf %div3A_127, %div3A_127 : vector<64x128xf32>
    %add3A_184 = arith.addf %mul3A_182, %mul3A_183 : vector<64x128xf32>
    %mul3A_185 = arith.constant 2.000000e+00 : f32
    %mul3A_186 = vector.broadcast %mul3A_185 : f32 to vector<64x128xf32>
    %mul3A_187 = arith.mulf %mul3A_186, %add3A_184 : vector<64x128xf32>
    %sub3A_188 = arith.constant 1.000000e+00 : f32
    %sub3A_189 = vector.broadcast %sub3A_188 : f32 to vector<64x128xf32>
    %sub3A_190 = arith.subf %sub3A_189, %mul3A_187 : vector<64x128xf32>
    %get3A_191 = arith.constant 0 : index
    %get3A_192 = arith.constant 0 : index
    %get3A_193 = vector.load %arg4[%get3A_191, %get3A_192] : memref<64x128xf32, #tpu.memory_space<vmem>>, vector<64x128xf32>
    %get3A_194 = arith.constant 0 : index
    %get3A_195 = arith.constant 0 : index
    %get3A_196 = vector.load %arg5[%get3A_194, %get3A_195] : memref<64x128xf32, #tpu.memory_space<vmem>>, vector<64x128xf32>
    %get3A_197 = arith.constant 0 : index
    %get3A_198 = arith.constant 0 : index
    %get3A_199 = vector.load %arg6[%get3A_197, %get3A_198] : memref<64x128xf32, #tpu.memory_space<vmem>>, vector<64x128xf32>
    %mul3A_200 = arith.mulf %sub3A_136, %get3A_193 : vector<64x128xf32>
    %convert_element_type3A_201 = arith.truncf %mul3A_200 : vector<64x128xf32> to vector<64x128xbf16>
    %convert_element_type3A_202 = arith.extf %convert_element_type3A_201 : vector<64x128xbf16> to vector<64x128xf32>
    %mul3A_203 = arith.mulf %mul3A_142, %get3A_196 : vector<64x128xf32>
    %convert_element_type3A_204 = arith.truncf %mul3A_203 : vector<64x128xf32> to vector<64x128xbf16>
    %convert_element_type3A_205 = arith.extf %convert_element_type3A_204 : vector<64x128xbf16> to vector<64x128xf32>
    %mul3A_206 = arith.mulf %mul3A_148, %get3A_199 : vector<64x128xf32>
    %convert_element_type3A_207 = arith.truncf %mul3A_206 : vector<64x128xf32> to vector<64x128xbf16>
    %convert_element_type3A_208 = arith.extf %convert_element_type3A_207 : vector<64x128xbf16> to vector<64x128xf32>
    %mul3A_209 = arith.mulf %mul3A_154, %get3A_193 : vector<64x128xf32>
    %convert_element_type3A_210 = arith.truncf %mul3A_209 : vector<64x128xf32> to vector<64x128xbf16>
    %convert_element_type3A_211 = arith.extf %convert_element_type3A_210 : vector<64x128xbf16> to vector<64x128xf32>
    %mul3A_212 = arith.mulf %sub3A_163, %get3A_196 : vector<64x128xf32>
    %convert_element_type3A_213 = arith.truncf %mul3A_212 : vector<64x128xf32> to vector<64x128xbf16>
    %convert_element_type3A_214 = arith.extf %convert_element_type3A_213 : vector<64x128xbf16> to vector<64x128xf32>
    %mul3A_215 = arith.mulf %mul3A_169, %get3A_199 : vector<64x128xf32>
    %convert_element_type3A_216 = arith.truncf %mul3A_215 : vector<64x128xf32> to vector<64x128xbf16>
    %convert_element_type3A_217 = arith.extf %convert_element_type3A_216 : vector<64x128xbf16> to vector<64x128xf32>
    %mul3A_218 = arith.mulf %mul3A_175, %get3A_193 : vector<64x128xf32>
    %convert_element_type3A_219 = arith.truncf %mul3A_218 : vector<64x128xf32> to vector<64x128xbf16>
    %convert_element_type3A_220 = arith.extf %convert_element_type3A_219 : vector<64x128xbf16> to vector<64x128xf32>
    %mul3A_221 = arith.mulf %mul3A_181, %get3A_196 : vector<64x128xf32>
    %convert_element_type3A_222 = arith.truncf %mul3A_221 : vector<64x128xf32> to vector<64x128xbf16>
    %convert_element_type3A_223 = arith.extf %convert_element_type3A_222 : vector<64x128xbf16> to vector<64x128xf32>
    %mul3A_224 = arith.mulf %sub3A_190, %get3A_199 : vector<64x128xf32>
    %convert_element_type3A_225 = arith.truncf %mul3A_224 : vector<64x128xf32> to vector<64x128xbf16>
    %convert_element_type3A_226 = arith.extf %convert_element_type3A_225 : vector<64x128xbf16> to vector<64x128xf32>
    %mul3A_227 = arith.mulf %convert_element_type3A_202, %convert_element_type3A_202 : vector<64x128xf32>
    %mul3A_228 = arith.mulf %convert_element_type3A_205, %convert_element_type3A_205 : vector<64x128xf32>
    %add3A_229 = arith.addf %mul3A_227, %mul3A_228 : vector<64x128xf32>
    %mul3A_230 = arith.mulf %convert_element_type3A_208, %convert_element_type3A_208 : vector<64x128xf32>
    %add3A_231 = arith.addf %add3A_229, %mul3A_230 : vector<64x128xf32>
    %mul3A_232 = arith.mulf %convert_element_type3A_202, %convert_element_type3A_211 : vector<64x128xf32>
    %mul3A_233 = arith.mulf %convert_element_type3A_205, %convert_element_type3A_214 : vector<64x128xf32>
    %add3A_234 = arith.addf %mul3A_232, %mul3A_233 : vector<64x128xf32>
    %mul3A_235 = arith.mulf %convert_element_type3A_208, %convert_element_type3A_217 : vector<64x128xf32>
    %add3A_236 = arith.addf %add3A_234, %mul3A_235 : vector<64x128xf32>
    %mul3A_237 = arith.mulf %convert_element_type3A_202, %convert_element_type3A_220 : vector<64x128xf32>
    %mul3A_238 = arith.mulf %convert_element_type3A_205, %convert_element_type3A_223 : vector<64x128xf32>
    %add3A_239 = arith.addf %mul3A_237, %mul3A_238 : vector<64x128xf32>
    %mul3A_240 = arith.mulf %convert_element_type3A_208, %convert_element_type3A_226 : vector<64x128xf32>
    %add3A_241 = arith.addf %add3A_239, %mul3A_240 : vector<64x128xf32>
    %mul3A_242 = arith.mulf %convert_element_type3A_211, %convert_element_type3A_211 : vector<64x128xf32>
    %mul3A_243 = arith.mulf %convert_element_type3A_214, %convert_element_type3A_214 : vector<64x128xf32>
    %add3A_244 = arith.addf %mul3A_242, %mul3A_243 : vector<64x128xf32>
    %mul3A_245 = arith.mulf %convert_element_type3A_217, %convert_element_type3A_217 : vector<64x128xf32>
    %add3A_246 = arith.addf %add3A_244, %mul3A_245 : vector<64x128xf32>
    %mul3A_247 = arith.mulf %convert_element_type3A_211, %convert_element_type3A_220 : vector<64x128xf32>
    %mul3A_248 = arith.mulf %convert_element_type3A_214, %convert_element_type3A_223 : vector<64x128xf32>
    %add3A_249 = arith.addf %mul3A_247, %mul3A_248 : vector<64x128xf32>
    %mul3A_250 = arith.mulf %convert_element_type3A_217, %convert_element_type3A_226 : vector<64x128xf32>
    %add3A_251 = arith.addf %add3A_249, %mul3A_250 : vector<64x128xf32>
    %mul3A_252 = arith.mulf %convert_element_type3A_220, %convert_element_type3A_220 : vector<64x128xf32>
    %mul3A_253 = arith.mulf %convert_element_type3A_223, %convert_element_type3A_223 : vector<64x128xf32>
    %add3A_254 = arith.addf %mul3A_252, %mul3A_253 : vector<64x128xf32>
    %mul3A_255 = arith.mulf %convert_element_type3A_226, %convert_element_type3A_226 : vector<64x128xf32>
    %add3A_256 = arith.addf %add3A_254, %mul3A_255 : vector<64x128xf32>
    %div3A_257 = arith.constant 3.200000e+01 : f32
    %div3A_258 = vector.broadcast %div3A_257 : f32 to vector<64x128xf32>
    %div3A_259 = arith.divf %div3A_258, %max3A_84 : vector<64x128xf32>
    %convert_element_type3A_260 = arith.truncf %div3A_259 : vector<64x128xf32> to vector<64x128xbf16>
    %convert_element_type3A_261 = arith.extf %convert_element_type3A_260 : vector<64x128xbf16> to vector<64x128xf32>
    %mul3A_262 = arith.constant -3.200000e+01 : f32
    %mul3A_263 = vector.broadcast %mul3A_262 : f32 to vector<64x128xf32>
    %mul3A_264 = arith.mulf %mul3A_263, %add3A_62 : vector<64x128xf32>
    %mul3A_265 = arith.mulf %max3A_84, %max3A_84 : vector<64x128xf32>
    %div3A_266 = arith.divf %mul3A_264, %mul3A_265 : vector<64x128xf32>
    %convert_element_type3A_267 = arith.truncf %div3A_266 : vector<64x128xf32> to vector<64x128xbf16>
    %convert_element_type3A_268 = arith.extf %convert_element_type3A_267 : vector<64x128xbf16> to vector<64x128xf32>
    %div3A_269 = arith.constant 3.200000e+01 : f32
    %div3A_270 = vector.broadcast %div3A_269 : f32 to vector<64x128xf32>
    %div3A_271 = arith.divf %div3A_270, %max3A_84 : vector<64x128xf32>
    %convert_element_type3A_272 = arith.truncf %div3A_271 : vector<64x128xf32> to vector<64x128xbf16>
    %convert_element_type3A_273 = arith.extf %convert_element_type3A_272 : vector<64x128xbf16> to vector<64x128xf32>
    %mul3A_274 = arith.constant -3.200000e+01 : f32
    %mul3A_275 = vector.broadcast %mul3A_274 : f32 to vector<64x128xf32>
    %mul3A_276 = arith.mulf %mul3A_275, %add3A_72 : vector<64x128xf32>
    %mul3A_277 = arith.mulf %max3A_84, %max3A_84 : vector<64x128xf32>
    %div3A_278 = arith.divf %mul3A_276, %mul3A_277 : vector<64x128xf32>
    %convert_element_type3A_279 = arith.truncf %div3A_278 : vector<64x128xf32> to vector<64x128xbf16>
    %convert_element_type3A_280 = arith.extf %convert_element_type3A_279 : vector<64x128xbf16> to vector<64x128xf32>
    %mul3A_281 = vector.broadcast %convert_element_type3A_23 : f32 to vector<64x128xf32>
    %mul3A_282 = arith.mulf %convert_element_type3A_261, %mul3A_281 : vector<64x128xf32>
    %mul3A_283 = vector.broadcast %convert_element_type3A_35 : f32 to vector<64x128xf32>
    %mul3A_284 = arith.mulf %convert_element_type3A_268, %mul3A_283 : vector<64x128xf32>
    %add3A_285 = arith.addf %mul3A_282, %mul3A_284 : vector<64x128xf32>
    %mul3A_286 = vector.broadcast %convert_element_type3A_25 : f32 to vector<64x128xf32>
    %mul3A_287 = arith.mulf %convert_element_type3A_261, %mul3A_286 : vector<64x128xf32>
    %mul3A_288 = vector.broadcast %convert_element_type3A_37 : f32 to vector<64x128xf32>
    %mul3A_289 = arith.mulf %convert_element_type3A_268, %mul3A_288 : vector<64x128xf32>
    %add3A_290 = arith.addf %mul3A_287, %mul3A_289 : vector<64x128xf32>
    %mul3A_291 = vector.broadcast %convert_element_type3A_27 : f32 to vector<64x128xf32>
    %mul3A_292 = arith.mulf %convert_element_type3A_261, %mul3A_291 : vector<64x128xf32>
    %mul3A_293 = vector.broadcast %convert_element_type3A_39 : f32 to vector<64x128xf32>
    %mul3A_294 = arith.mulf %convert_element_type3A_268, %mul3A_293 : vector<64x128xf32>
    %add3A_295 = arith.addf %mul3A_292, %mul3A_294 : vector<64x128xf32>
    %mul3A_296 = vector.broadcast %convert_element_type3A_29 : f32 to vector<64x128xf32>
    %mul3A_297 = arith.mulf %convert_element_type3A_273, %mul3A_296 : vector<64x128xf32>
    %mul3A_298 = vector.broadcast %convert_element_type3A_35 : f32 to vector<64x128xf32>
    %mul3A_299 = arith.mulf %convert_element_type3A_280, %mul3A_298 : vector<64x128xf32>
    %add3A_300 = arith.addf %mul3A_297, %mul3A_299 : vector<64x128xf32>
    %mul3A_301 = vector.broadcast %convert_element_type3A_31 : f32 to vector<64x128xf32>
    %mul3A_302 = arith.mulf %convert_element_type3A_273, %mul3A_301 : vector<64x128xf32>
    %mul3A_303 = vector.broadcast %convert_element_type3A_37 : f32 to vector<64x128xf32>
    %mul3A_304 = arith.mulf %convert_element_type3A_280, %mul3A_303 : vector<64x128xf32>
    %add3A_305 = arith.addf %mul3A_302, %mul3A_304 : vector<64x128xf32>
    %mul3A_306 = vector.broadcast %convert_element_type3A_33 : f32 to vector<64x128xf32>
    %mul3A_307 = arith.mulf %convert_element_type3A_273, %mul3A_306 : vector<64x128xf32>
    %mul3A_308 = vector.broadcast %convert_element_type3A_39 : f32 to vector<64x128xf32>
    %mul3A_309 = arith.mulf %convert_element_type3A_280, %mul3A_308 : vector<64x128xf32>
    %add3A_310 = arith.addf %mul3A_307, %mul3A_309 : vector<64x128xf32>
    %convert_element_type3A_311 = arith.truncf %add3A_285 : vector<64x128xf32> to vector<64x128xbf16>
    %convert_element_type3A_312 = arith.extf %convert_element_type3A_311 : vector<64x128xbf16> to vector<64x128xf32>
    %convert_element_type3A_313 = arith.truncf %add3A_290 : vector<64x128xf32> to vector<64x128xbf16>
    %convert_element_type3A_314 = arith.extf %convert_element_type3A_313 : vector<64x128xbf16> to vector<64x128xf32>
    %convert_element_type3A_315 = arith.truncf %add3A_295 : vector<64x128xf32> to vector<64x128xbf16>
    %convert_element_type3A_316 = arith.extf %convert_element_type3A_315 : vector<64x128xbf16> to vector<64x128xf32>
    %convert_element_type3A_317 = arith.truncf %add3A_300 : vector<64x128xf32> to vector<64x128xbf16>
    %convert_element_type3A_318 = arith.extf %convert_element_type3A_317 : vector<64x128xbf16> to vector<64x128xf32>
    %convert_element_type3A_319 = arith.truncf %add3A_305 : vector<64x128xf32> to vector<64x128xbf16>
    %convert_element_type3A_320 = arith.extf %convert_element_type3A_319 : vector<64x128xbf16> to vector<64x128xf32>
    %convert_element_type3A_321 = arith.truncf %add3A_310 : vector<64x128xf32> to vector<64x128xbf16>
    %convert_element_type3A_322 = arith.extf %convert_element_type3A_321 : vector<64x128xbf16> to vector<64x128xf32>
    %convert_element_type3A_323 = arith.truncf %add3A_231 : vector<64x128xf32> to vector<64x128xbf16>
    %convert_element_type3A_324 = arith.extf %convert_element_type3A_323 : vector<64x128xbf16> to vector<64x128xf32>
    %convert_element_type3A_325 = arith.truncf %add3A_236 : vector<64x128xf32> to vector<64x128xbf16>
    %convert_element_type3A_326 = arith.extf %convert_element_type3A_325 : vector<64x128xbf16> to vector<64x128xf32>
    %convert_element_type3A_327 = arith.truncf %add3A_241 : vector<64x128xf32> to vector<64x128xbf16>
    %convert_element_type3A_328 = arith.extf %convert_element_type3A_327 : vector<64x128xbf16> to vector<64x128xf32>
    %convert_element_type3A_329 = arith.truncf %add3A_246 : vector<64x128xf32> to vector<64x128xbf16>
    %convert_element_type3A_330 = arith.extf %convert_element_type3A_329 : vector<64x128xbf16> to vector<64x128xf32>
    %convert_element_type3A_331 = arith.truncf %add3A_251 : vector<64x128xf32> to vector<64x128xbf16>
    %convert_element_type3A_332 = arith.extf %convert_element_type3A_331 : vector<64x128xbf16> to vector<64x128xf32>
    %convert_element_type3A_333 = arith.truncf %add3A_256 : vector<64x128xf32> to vector<64x128xbf16>
    %convert_element_type3A_334 = arith.extf %convert_element_type3A_333 : vector<64x128xbf16> to vector<64x128xf32>
    %mul3A_335 = arith.mulf %convert_element_type3A_312, %convert_element_type3A_324 : vector<64x128xf32>
    %mul3A_336 = arith.mulf %convert_element_type3A_314, %convert_element_type3A_326 : vector<64x128xf32>
    %add3A_337 = arith.addf %mul3A_335, %mul3A_336 : vector<64x128xf32>
    %mul3A_338 = arith.mulf %convert_element_type3A_316, %convert_element_type3A_328 : vector<64x128xf32>
    %add3A_339 = arith.addf %add3A_337, %mul3A_338 : vector<64x128xf32>
    %mul3A_340 = arith.mulf %convert_element_type3A_312, %convert_element_type3A_326 : vector<64x128xf32>
    %mul3A_341 = arith.mulf %convert_element_type3A_314, %convert_element_type3A_330 : vector<64x128xf32>
    %add3A_342 = arith.addf %mul3A_340, %mul3A_341 : vector<64x128xf32>
    %mul3A_343 = arith.mulf %convert_element_type3A_316, %convert_element_type3A_332 : vector<64x128xf32>
    %add3A_344 = arith.addf %add3A_342, %mul3A_343 : vector<64x128xf32>
    %mul3A_345 = arith.mulf %convert_element_type3A_312, %convert_element_type3A_328 : vector<64x128xf32>
    %mul3A_346 = arith.mulf %convert_element_type3A_314, %convert_element_type3A_332 : vector<64x128xf32>
    %add3A_347 = arith.addf %mul3A_345, %mul3A_346 : vector<64x128xf32>
    %mul3A_348 = arith.mulf %convert_element_type3A_316, %convert_element_type3A_334 : vector<64x128xf32>
    %add3A_349 = arith.addf %add3A_347, %mul3A_348 : vector<64x128xf32>
    %mul3A_350 = arith.mulf %convert_element_type3A_318, %convert_element_type3A_324 : vector<64x128xf32>
    %mul3A_351 = arith.mulf %convert_element_type3A_320, %convert_element_type3A_326 : vector<64x128xf32>
    %add3A_352 = arith.addf %mul3A_350, %mul3A_351 : vector<64x128xf32>
    %mul3A_353 = arith.mulf %convert_element_type3A_322, %convert_element_type3A_328 : vector<64x128xf32>
    %add3A_354 = arith.addf %add3A_352, %mul3A_353 : vector<64x128xf32>
    %mul3A_355 = arith.mulf %convert_element_type3A_318, %convert_element_type3A_326 : vector<64x128xf32>
    %mul3A_356 = arith.mulf %convert_element_type3A_320, %convert_element_type3A_330 : vector<64x128xf32>
    %add3A_357 = arith.addf %mul3A_355, %mul3A_356 : vector<64x128xf32>
    %mul3A_358 = arith.mulf %convert_element_type3A_322, %convert_element_type3A_332 : vector<64x128xf32>
    %add3A_359 = arith.addf %add3A_357, %mul3A_358 : vector<64x128xf32>
    %mul3A_360 = arith.mulf %convert_element_type3A_318, %convert_element_type3A_328 : vector<64x128xf32>
    %mul3A_361 = arith.mulf %convert_element_type3A_320, %convert_element_type3A_332 : vector<64x128xf32>
    %add3A_362 = arith.addf %mul3A_360, %mul3A_361 : vector<64x128xf32>
    %mul3A_363 = arith.mulf %convert_element_type3A_322, %convert_element_type3A_334 : vector<64x128xf32>
    %add3A_364 = arith.addf %add3A_362, %mul3A_363 : vector<64x128xf32>
    %convert_element_type3A_365 = arith.truncf %add3A_339 : vector<64x128xf32> to vector<64x128xbf16>
    %convert_element_type3A_366 = arith.extf %convert_element_type3A_365 : vector<64x128xbf16> to vector<64x128xf32>
    %convert_element_type3A_367 = arith.truncf %add3A_344 : vector<64x128xf32> to vector<64x128xbf16>
    %convert_element_type3A_368 = arith.extf %convert_element_type3A_367 : vector<64x128xbf16> to vector<64x128xf32>
    %convert_element_type3A_369 = arith.truncf %add3A_349 : vector<64x128xf32> to vector<64x128xbf16>
    %convert_element_type3A_370 = arith.extf %convert_element_type3A_369 : vector<64x128xbf16> to vector<64x128xf32>
    %convert_element_type3A_371 = arith.truncf %add3A_354 : vector<64x128xf32> to vector<64x128xbf16>
    %convert_element_type3A_372 = arith.extf %convert_element_type3A_371 : vector<64x128xbf16> to vector<64x128xf32>
    %convert_element_type3A_373 = arith.truncf %add3A_359 : vector<64x128xf32> to vector<64x128xbf16>
    %convert_element_type3A_374 = arith.extf %convert_element_type3A_373 : vector<64x128xbf16> to vector<64x128xf32>
    %convert_element_type3A_375 = arith.truncf %add3A_364 : vector<64x128xf32> to vector<64x128xbf16>
    %convert_element_type3A_376 = arith.extf %convert_element_type3A_375 : vector<64x128xbf16> to vector<64x128xf32>
    %mul3A_377 = arith.mulf %convert_element_type3A_366, %convert_element_type3A_312 : vector<64x128xf32>
    %mul3A_378 = arith.mulf %convert_element_type3A_368, %convert_element_type3A_314 : vector<64x128xf32>
    %add3A_379 = arith.addf %mul3A_377, %mul3A_378 : vector<64x128xf32>
    %mul3A_380 = arith.mulf %convert_element_type3A_370, %convert_element_type3A_316 : vector<64x128xf32>
    %add3A_381 = arith.addf %add3A_379, %mul3A_380 : vector<64x128xf32>
    %mul3A_382 = arith.mulf %convert_element_type3A_366, %convert_element_type3A_318 : vector<64x128xf32>
    %mul3A_383 = arith.mulf %convert_element_type3A_368, %convert_element_type3A_320 : vector<64x128xf32>
    %add3A_384 = arith.addf %mul3A_382, %mul3A_383 : vector<64x128xf32>
    %mul3A_385 = arith.mulf %convert_element_type3A_370, %convert_element_type3A_322 : vector<64x128xf32>
    %add3A_386 = arith.addf %add3A_384, %mul3A_385 : vector<64x128xf32>
    %mul3A_387 = arith.mulf %convert_element_type3A_372, %convert_element_type3A_318 : vector<64x128xf32>
    %mul3A_388 = arith.mulf %convert_element_type3A_374, %convert_element_type3A_320 : vector<64x128xf32>
    %add3A_389 = arith.addf %mul3A_387, %mul3A_388 : vector<64x128xf32>
    %mul3A_390 = arith.mulf %convert_element_type3A_376, %convert_element_type3A_322 : vector<64x128xf32>
    %add3A_391 = arith.addf %add3A_389, %mul3A_390 : vector<64x128xf32>
    %add3A_392 = arith.constant 3.000000e-01 : f32
    %add3A_393 = vector.broadcast %add3A_392 : f32 to vector<64x128xf32>
    %add3A_394 = arith.addf %add3A_381, %add3A_393 : vector<64x128xf32>
    %add3A_395 = arith.constant 3.000000e-01 : f32
    %add3A_396 = vector.broadcast %add3A_395 : f32 to vector<64x128xf32>
    %add3A_397 = arith.addf %add3A_391, %add3A_396 : vector<64x128xf32>
    %mul3A_398 = arith.mulf %add3A_394, %add3A_397 : vector<64x128xf32>
    %mul3A_399 = arith.mulf %add3A_386, %add3A_386 : vector<64x128xf32>
    %sub3A_400 = arith.subf %mul3A_398, %mul3A_399 : vector<64x128xf32>
    %eq3A = arith.constant 0.000000e+00 : f32
    %eq3A_401 = vector.broadcast %eq3A : f32 to vector<64x128xf32>
    %eq3A_402 = arith.cmpf oeq, %sub3A_400, %eq3A_401 : vector<64x128xf32>
    %jit3A = arith.constant 9.99999993E-9 : f32
    %broadcast_in_dim3A = vector.broadcast %jit3A : f32 to vector<64x128xf32>
    %select_n3A = arith.select %eq3A_402, %broadcast_in_dim3A, %sub3A_400 : vector<64x128xi1>, vector<64x128xf32>
    %div3A_403 = arith.divf %add3A_397, %select_n3A : vector<64x128xf32>
    %swap3A_404 = arith.constant 0 : index
    %swap3A_405 = arith.constant 0 : index
    %swap3A_406 = vector.load %arg13[%swap3A_404, %swap3A_405] : memref<64x128xf32, #tpu.memory_space<vmem>>, vector<64x128xf32>
    tpu.vector_store %arg13[%swap3A_404, %swap3A_405], %div3A_403 {strides = array<i32>} : memref<64x128xf32, #tpu.memory_space<vmem>>, vector<64x128xf32>,
    %div3A_407 = arith.divf %add3A_386, %select_n3A : vector<64x128xf32>
    %swap3A_408 = arith.constant 0 : index
    %swap3A_409 = arith.constant 0 : index
    %swap3A_410 = vector.load %arg14[%swap3A_408, %swap3A_409] : memref<64x128xf32, #tpu.memory_space<vmem>>, vector<64x128xf32>
    tpu.vector_store %arg14[%swap3A_408, %swap3A_409], %div3A_407 {strides = array<i32>} : memref<64x128xf32, #tpu.memory_space<vmem>>, vector<64x128xf32>,
    %div3A_411 = arith.divf %add3A_394, %select_n3A : vector<64x128xf32>
    %swap3A_412 = arith.constant 0 : index
    %swap3A_413 = arith.constant 0 : index
    %swap3A_414 = vector.load %arg15[%swap3A_412, %swap3A_413] : memref<64x128xf32, #tpu.memory_space<vmem>>, vector<64x128xf32>
    tpu.vector_store %arg15[%swap3A_412, %swap3A_413], %div3A_411 {strides = array<i32>} : memref<64x128xf32, #tpu.memory_space<vmem>>, vector<64x128xf32>,
    %add3A_415 = arith.addf %add3A_394, %add3A_397 : vector<64x128xf32>
    %mul3A_416 = arith.constant 5.000000e-01 : f32
    %mul3A_417 = vector.broadcast %mul3A_416 : f32 to vector<64x128xf32>
    %mul3A_418 = arith.mulf %mul3A_417, %add3A_415 : vector<64x128xf32>
    %mul3A_419 = arith.mulf %mul3A_418, %mul3A_418 : vector<64x128xf32>
    %sub3A_420 = arith.subf %mul3A_419, %select_n3A : vector<64x128xf32>
    %max3A_421 = arith.constant 1.000000e-01 : f32
    %max3A_422 = vector.broadcast %max3A_421 : f32 to vector<64x128xf32>
    %max3A_423 = arith.maximumf %sub3A_420, %max3A_422 : vector<64x128xf32>
    %sqrt3A_424 = math.sqrt %max3A_423 : vector<64x128xf32>
    %add3A_425 = arith.addf %mul3A_418, %sqrt3A_424 : vector<64x128xf32>
    %sqrt3A_426 = math.sqrt %add3A_425 : vector<64x128xf32>
    %mul3A_427 = arith.constant 3.000000e+00 : f32
    %mul3A_428 = vector.broadcast %mul3A_427 : f32 to vector<64x128xf32>
    %mul3A_429 = arith.mulf %mul3A_428, %sqrt3A_426 : vector<64x128xf32>
    %ceil3A = math.ceil %mul3A_429 : vector<64x128xf32>
    %swap3A_430 = arith.constant 0 : index
    %swap3A_431 = arith.constant 0 : index
    %swap3A_432 = vector.load %arg17[%swap3A_430, %swap3A_431] : memref<64x128xf32, #tpu.memory_space<vmem>>, vector<64x128xf32>
    tpu.vector_store %arg17[%swap3A_430, %swap3A_431], %ceil3A {strides = array<i32>} : memref<64x128xf32, #tpu.memory_space<vmem>>, vector<64x128xf32>,
    %swap3A_433 = arith.constant 0 : index
    %swap3A_434 = arith.constant 0 : index
    %swap3A_435 = vector.load %arg16[%swap3A_433, %swap3A_434] : memref<64x128xf32, #tpu.memory_space<vmem>>, vector<64x128xf32>
    tpu.vector_store %arg16[%swap3A_433, %swap3A_434], %max3A_84 {strides = array<i32>} : memref<64x128xf32, #tpu.memory_space<vmem>>, vector<64x128xf32>,
    return
  }
}

module attributes {stable_mosaic.version = 14 : i64} {
  func.func @_rank_body(%arg0: i32, %arg1: memref<1024x1xf32, #tpu.memory_space<vmem>>, %arg2: memref<1x8192xf32, #tpu.memory_space<vmem>>, %arg3: memref<1024x1xi32, #tpu.memory_space<vmem>>) attributes {dimension_semantics = [#tpu.dimension_semantics<arbitrary>], iteration_bounds = array<i64: 8>, scalar_prefetch = 0 : i64, scratch_operands = 0 : i64, tpu.core_type = #tpu.core_type<tc>, window_params = [{transform_indices = @transform_0, window_bounds = array<i64: 1024, 1>}, {pipeline_mode = #tpu.pipeline_mode<synchronous>, transform_indices = @transform_1, window_bounds = array<i64: 1, 8192>}, {transform_indices = @transform_2, window_bounds = array<i64: 1024, 1>}]} {
    %get3A = arith.constant 0 : index
    %get3A_0 = arith.constant 0 : index
    %get3A_1 = vector.load %arg1[%get3A, %get3A_0] : memref<1024x1xf32, #tpu.memory_space<vmem>>, vector<1024x1xf32>
    %get3A_2 = arith.constant 0 : index
    %get3A_3 = arith.constant 0 : index
    %get3A_4 = vector.load %arg2[%get3A_2, %get3A_3] : memref<1x8192xf32, #tpu.memory_space<vmem>>, vector<1x8192xf32>
    %iota3A = tpu.iota {dimensions = array<i32: 0>} : vector<1024x8192xi32>
    %mul3A = arith.constant 1024 : i32
    %mul3A_5 = arith.muli %arg0, %mul3A : i32
    %add3A = vector.broadcast %mul3A_5 : i32 to vector<1024x8192xi32>
    %add3A_6 = arith.addi %iota3A, %add3A : vector<1024x8192xi32>
    %iota3A_7 = tpu.iota {dimensions = array<i32: 1>} : vector<1024x8192xi32>
    %lt3A = vector.broadcast %get3A_4 : vector<1x8192xf32> to vector<1024x8192xf32>
    %lt3A_8 = vector.broadcast %get3A_1 : vector<1024x1xf32> to vector<1024x8192xf32>
    %lt3A_9 = arith.cmpf olt, %lt3A, %lt3A_8 : vector<1024x8192xf32>
    %eq3A = vector.broadcast %get3A_4 : vector<1x8192xf32> to vector<1024x8192xf32>
    %eq3A_10 = vector.broadcast %get3A_1 : vector<1024x1xf32> to vector<1024x8192xf32>
    %eq3A_11 = arith.cmpf oeq, %eq3A, %eq3A_10 : vector<1024x8192xf32>
    %lt3A_12 = arith.cmpi slt, %iota3A_7, %add3A_6 : vector<1024x8192xi32>
    %and3A = arith.andi %eq3A_11, %lt3A_12 : vector<1024x8192xi1>
    %or3A = arith.ori %lt3A_9, %and3A : vector<1024x8192xi1>
    %convert_element_type3A = arith.extui %or3A : vector<1024x8192xi1> to vector<1024x8192xi32>
    %convert_element_type3A_13 = arith.sitofp %convert_element_type3A : vector<1024x8192xi32> to vector<1024x8192xf32>
    %reduce_sum3A = arith.constant dense<0.000000e+00> : vector<1024xf32>
    %reduce_sum3A_14 = vector.multi_reduction <add>, %convert_element_type3A_13, %reduce_sum3A [1] : vector<1024x8192xf32> to vector<1024xf32>
    %broadcast_in_dim3A = vector.shape_cast %reduce_sum3A_14 : vector<1024xf32> to vector<1024x1xf32>
    %convert_element_type3A_15 = arith.fptosi %broadcast_in_dim3A : vector<1024x1xf32> to vector<1024x1xi32>
    %swap3A = arith.constant 0 : index
    %swap3A_16 = arith.constant 0 : index
    %swap3A_17 = vector.load %arg3[%swap3A, %swap3A_16] : memref<1024x1xi32, #tpu.memory_space<vmem>>, vector<1024x1xi32>
    tpu.vector_store %arg3[%swap3A, %swap3A_16], %convert_element_type3A_15 {strides = array<i32>} : memref<1024x1xi32, #tpu.memory_space<vmem>>, vector<1024x1xi32>,
    return
  }
  func.func @transform_0(%arg0: i32) -> (i32, i32) {
    %c0_i32 = arith.constant 0 : i32
    %c0_i32_0 = arith.constant 0 : i32
    return %arg0, %c0_i32 : i32, i32
  }
  func.func @transform_1(%arg0: i32) -> (i32, i32) {
    %c0_i32 = arith.constant 0 : i32
    %c0_i32_0 = arith.constant 0 : i32
    %c0_i32_1 = arith.constant 0 : i32
    return %c0_i32, %c0_i32_0 : i32, i32
  }
  func.func @transform_2(%arg0: i32) -> (i32, i32) {
    %c0_i32 = arith.constant 0 : i32
    %c0_i32_0 = arith.constant 0 : i32
    return %arg0, %c0_i32 : i32, i32
  }
}

module attributes {stable_mosaic.version = 14 : i64} {
  func.func @_raster_body(%arg0: i32, %arg1: memref<16x8192xf32, #tpu.memory_space<vmem>>, %arg2: memref<128x3xf32, #tpu.memory_space<vmem>>, %arg3: memref<128x1xf32, #tpu.memory_space<vmem>>, %arg4: memref<128x1xf32, #tpu.memory_space<vmem>>, %arg5: memref<128x16xf32, #tpu.memory_space<vmem>>, %arg6: memref<128x16xi32, #tpu.memory_space<vmem>>, %arg7: memref<128x1xi32, #tpu.memory_space<vmem>>, %arg8: memref<128x8192xf32, #tpu.memory_space<vmem>>) attributes {dimension_semantics = [#tpu.dimension_semantics<arbitrary>], iteration_bounds = array<i64: 8>, scalar_prefetch = 0 : i64, scratch_operands = 1 : i64, tpu.core_type = #tpu.core_type<tc>, window_params = [{pipeline_mode = #tpu.pipeline_mode<synchronous>, transform_indices = @transform_0, window_bounds = array<i64: 16, 8192>}, {transform_indices = @transform_1, window_bounds = array<i64: 128, 3>}, {transform_indices = @transform_2, window_bounds = array<i64: 128, 1>}, {transform_indices = @transform_3, window_bounds = array<i64: 128, 1>}, {transform_indices = @transform_4, window_bounds = array<i64: 128, 16>}, {transform_indices = @transform_5, window_bounds = array<i64: 128, 16>}, {transform_indices = @transform_6, window_bounds = array<i64: 128, 1>}]} {
    %iota3A = tpu.iota {dimensions = array<i32: 0>} : vector<128x1xi32>
    %mul3A = arith.constant 128 : i32
    %mul3A_0 = arith.muli %arg0, %mul3A : i32
    %add3A = vector.broadcast %mul3A_0 : i32 to vector<128x1xi32>
    %add3A_1 = arith.addi %iota3A, %add3A : vector<128x1xi32>
    %jit3A = arith.constant 32 : i32
    %eq3A = arith.constant 0 : i32
    %eq3A_2 = arith.cmpi eq, %jit3A, %eq3A : i32
    %jit3A_3 = arith.constant 1 : i32
    %select_n3A = arith.select %eq3A_2, %jit3A_3, %jit3A : i32
    %rem3A = vector.broadcast %select_n3A : i32 to vector<128x1xi32>
    %rem3A_4 = arith.remsi %add3A_1, %rem3A : vector<128x1xi32>
    %ne3A = arith.constant 0 : i32
    %ne3A_5 = vector.broadcast %ne3A : i32 to vector<128x1xi32>
    %ne3A_6 = arith.cmpi ne, %rem3A_4, %ne3A_5 : vector<128x1xi32>
    %lt3A = arith.constant 0 : i32
    %lt3A_7 = vector.broadcast %lt3A : i32 to vector<128x1xi32>
    %lt3A_8 = arith.cmpi slt, %rem3A_4, %lt3A_7 : vector<128x1xi32>
    %lt3A_9 = arith.constant 0 : i32
    %lt3A_10 = arith.cmpi slt, %select_n3A, %lt3A_9 : i32
    %ne3A_11 = vector.broadcast %lt3A_10 : i1 to vector<128x1xi1>
    %ne3A_12 = vector.broadcast %ne3A_11 : vector<128x1xi1> to vector<128x1xi1>
    %ne3A_13 = arith.xori %lt3A_8, %ne3A_12 : vector<128x1xi1>
    %and3A = arith.andi %ne3A_13, %ne3A_6 : vector<128x1xi1>
    %add3A_14 = vector.broadcast %select_n3A : i32 to vector<128x1xi32>
    %add3A_15 = arith.addi %rem3A_4, %add3A_14 : vector<128x1xi32>
    %select_n3A_16 = arith.select %and3A, %add3A_15, %rem3A_4 : vector<128x1xi1>, vector<128x1xi32>
    %convert_element_type3A = arith.sitofp %select_n3A_16 : vector<128x1xi32> to vector<128x1xf32>
    %add3A_17 = arith.constant 5.000000e-01 : f32
    %add3A_18 = vector.broadcast %add3A_17 : f32 to vector<128x1xf32>
    %add3A_19 = arith.addf %convert_element_type3A, %add3A_18 : vector<128x1xf32>
    %jit3A_20 = arith.constant 32 : i32
    %div3A = vector.broadcast %jit3A_20 : i32 to vector<128x1xi32>
    %div3A_21 = arith.divsi %add3A_1, %div3A : vector<128x1xi32>
    %sign3A = arith.constant 0 : i32
    %sign3A_22 = vector.broadcast %sign3A : i32 to vector<128x1xi32>
    %sign3A_23 = arith.cmpi sgt, %add3A_1, %sign3A_22 : vector<128x1xi32>
    %sign3A_24 = arith.extui %sign3A_23 : vector<128x1xi1> to vector<128x1xi32>
    %sign3A_25 = arith.constant 0 : i32
    %sign3A_26 = vector.broadcast %sign3A_25 : i32 to vector<128x1xi32>
    %sign3A_27 = arith.cmpi slt, %add3A_1, %sign3A_26 : vector<128x1xi32>
    %sign3A_28 = arith.extui %sign3A_27 : vector<128x1xi1> to vector<128x1xi32>
    %sign3A_29 = arith.subi %sign3A_24, %sign3A_28 : vector<128x1xi32>
    %sign3A_30 = arith.constant 0 : i32
    %sign3A_31 = arith.cmpi sgt, %jit3A_20, %sign3A_30 : i32
    %sign3A_32 = arith.extui %sign3A_31 : i1 to i32
    %sign3A_33 = arith.constant 0 : i32
    %sign3A_34 = arith.cmpi slt, %jit3A_20, %sign3A_33 : i32
    %sign3A_35 = arith.extui %sign3A_34 : i1 to i32
    %sign3A_36 = arith.subi %sign3A_32, %sign3A_35 : i32
    %ne3A_37 = vector.broadcast %sign3A_36 : i32 to vector<128x1xi32>
    %ne3A_38 = arith.cmpi ne, %sign3A_29, %ne3A_37 : vector<128x1xi32>
    %rem3A_39 = vector.broadcast %jit3A_20 : i32 to vector<128x1xi32>
    %rem3A_40 = arith.remsi %add3A_1, %rem3A_39 : vector<128x1xi32>
    %ne3A_41 = arith.constant 0 : i32
    %ne3A_42 = vector.broadcast %ne3A_41 : i32 to vector<128x1xi32>
    %ne3A_43 = arith.cmpi ne, %rem3A_40, %ne3A_42 : vector<128x1xi32>
    %and3A_44 = arith.andi %ne3A_38, %ne3A_43 : vector<128x1xi1>
    %sub3A = arith.constant 1 : i32
    %sub3A_45 = vector.broadcast %sub3A : i32 to vector<128x1xi32>
    %sub3A_46 = arith.subi %div3A_21, %sub3A_45 : vector<128x1xi32>
    %select_n3A_47 = arith.select %and3A_44, %sub3A_46, %div3A_21 : vector<128x1xi1>, vector<128x1xi32>
    %convert_element_type3A_48 = arith.sitofp %select_n3A_47 : vector<128x1xi32> to vector<128x1xf32>
    %add3A_49 = arith.constant 5.000000e-01 : f32
    %add3A_50 = vector.broadcast %add3A_49 : f32 to vector<128x1xf32>
    %add3A_51 = arith.addf %convert_element_type3A_48, %add3A_50 : vector<128x1xf32>
    %broadcast_in_dim3A = arith.constant 1.000000e+00 : f32
    %broadcast_in_dim3A_52 = vector.broadcast %broadcast_in_dim3A : f32 to vector<128x1xf32>
    %broadcast_in_dim3A_53 = arith.constant 0.000000e+00 : f32
    %broadcast_in_dim3A_54 = vector.broadcast %broadcast_in_dim3A_53 : f32 to vector<128x1xf32>
    %broadcast_in_dim3A_55 = arith.constant 0.000000e+00 : f32
    %broadcast_in_dim3A_56 = vector.broadcast %broadcast_in_dim3A_55 : f32 to vector<128x1xf32>
    %broadcast_in_dim3A_57 = arith.constant 0.000000e+00 : f32
    %broadcast_in_dim3A_58 = vector.broadcast %broadcast_in_dim3A_57 : f32 to vector<128x1xf32>
    %broadcast_in_dim3A_59 = arith.constant 0.000000e+00 : f32
    %broadcast_in_dim3A_60 = vector.broadcast %broadcast_in_dim3A_59 : f32 to vector<128x1xf32>
    %broadcast_in_dim3A_61 = arith.constant 0.000000e+00 : f32
    %broadcast_in_dim3A_62 = vector.broadcast %broadcast_in_dim3A_61 : f32 to vector<128x1xf32>
    %get3A = arith.constant 0 : index
    %get3A_63 = arith.constant 0 : index
    %get3A_64 = vector.load %arg1[%get3A, %get3A_63] : memref<16x8192xf32, #tpu.memory_space<vmem>>, vector<1x1024xf32>
    %get3A_65 = arith.constant 1 : index
    %get3A_66 = arith.constant 0 : index
    %get3A_67 = vector.load %arg1[%get3A_65, %get3A_66] : memref<16x8192xf32, #tpu.memory_space<vmem>>, vector<1x1024xf32>
    %get3A_68 = arith.constant 2 : index
    %get3A_69 = arith.constant 0 : index
    %get3A_70 = vector.load %arg1[%get3A_68, %get3A_69] : memref<16x8192xf32, #tpu.memory_space<vmem>>, vector<1x1024xf32>
    %get3A_71 = arith.constant 3 : index
    %get3A_72 = arith.constant 0 : index
    %get3A_73 = vector.load %arg1[%get3A_71, %get3A_72] : memref<16x8192xf32, #tpu.memory_space<vmem>>, vector<1x1024xf32>
    %get3A_74 = arith.constant 4 : index
    %get3A_75 = arith.constant 0 : index
    %get3A_76 = vector.load %arg1[%get3A_74, %get3A_75] : memref<16x8192xf32, #tpu.memory_space<vmem>>, vector<1x1024xf32>
    %get3A_77 = arith.constant 5 : index
    %get3A_78 = arith.constant 0 : index
    %get3A_79 = vector.load %arg1[%get3A_77, %get3A_78] : memref<16x8192xf32, #tpu.memory_space<vmem>>, vector<1x1024xf32>
    %get3A_80 = arith.constant 6 : index
    %get3A_81 = arith.constant 0 : index
    %get3A_82 = vector.load %arg1[%get3A_80, %get3A_81] : memref<16x8192xf32, #tpu.memory_space<vmem>>, vector<1x1024xf32>
    %get3A_83 = arith.constant 7 : index
    %get3A_84 = arith.constant 0 : index
    %get3A_85 = vector.load %arg1[%get3A_83, %get3A_84] : memref<16x8192xf32, #tpu.memory_space<vmem>>, vector<1x1024xf32>
    %get3A_86 = arith.constant 8 : index
    %get3A_87 = arith.constant 0 : index
    %get3A_88 = vector.load %arg1[%get3A_86, %get3A_87] : memref<16x8192xf32, #tpu.memory_space<vmem>>, vector<1x1024xf32>
    %get3A_89 = arith.constant 9 : index
    %get3A_90 = arith.constant 0 : index
    %get3A_91 = vector.load %arg1[%get3A_89, %get3A_90] : memref<16x8192xf32, #tpu.memory_space<vmem>>, vector<1x1024xf32>
    %sub3A_92 = vector.broadcast %add3A_19 : vector<128x1xf32> to vector<128x1024xf32>
    %sub3A_93 = vector.broadcast %get3A_64 : vector<1x1024xf32> to vector<128x1024xf32>
    %sub3A_94 = arith.subf %sub3A_92, %sub3A_93 : vector<128x1024xf32>
    %sub3A_95 = vector.broadcast %add3A_51 : vector<128x1xf32> to vector<128x1024xf32>
    %sub3A_96 = vector.broadcast %get3A_67 : vector<1x1024xf32> to vector<128x1024xf32>
    %sub3A_97 = arith.subf %sub3A_95, %sub3A_96 : vector<128x1024xf32>
    %mul3A_98 = vector.broadcast %get3A_70 : vector<1x1024xf32> to vector<128x1024xf32>
    %mul3A_99 = arith.mulf %mul3A_98, %sub3A_94 : vector<128x1024xf32>
    %mul3A_100 = arith.mulf %mul3A_99, %sub3A_94 : vector<128x1024xf32>
    %mul3A_101 = vector.broadcast %get3A_76 : vector<1x1024xf32> to vector<128x1024xf32>
    %mul3A_102 = arith.mulf %mul3A_101, %sub3A_97 : vector<128x1024xf32>
    %mul3A_103 = arith.mulf %mul3A_102, %sub3A_97 : vector<128x1024xf32>
    %add3A_104 = arith.addf %mul3A_100, %mul3A_103 : vector<128x1024xf32>
    %mul3A_105 = arith.constant -5.000000e-01 : f32
    %mul3A_106 = vector.broadcast %mul3A_105 : f32 to vector<128x1024xf32>
    %mul3A_107 = arith.mulf %mul3A_106, %add3A_104 : vector<128x1024xf32>
    %mul3A_108 = vector.broadcast %get3A_73 : vector<1x1024xf32> to vector<128x1024xf32>
    %mul3A_109 = arith.mulf %mul3A_108, %sub3A_94 : vector<128x1024xf32>
    %mul3A_110 = arith.mulf %mul3A_109, %sub3A_97 : vector<128x1024xf32>
    %sub3A_111 = arith.subf %mul3A_107, %mul3A_110 : vector<128x1024xf32>
    %gt3A = arith.constant 0.000000e+00 : f32
    %gt3A_112 = vector.broadcast %gt3A : f32 to vector<128x1024xf32>
    %gt3A_113 = arith.cmpf ogt, %sub3A_111, %gt3A_112 : vector<128x1024xf32>
    %exp3A = math.exp %sub3A_111 : vector<128x1024xf32>
    %mul3A_114 = vector.broadcast %get3A_79 : vector<1x1024xf32> to vector<128x1024xf32>
    %mul3A_115 = arith.mulf %mul3A_114, %exp3A : vector<128x1024xf32>
    %jit3A_116 = arith.constant 0.000000e+00 : f32
    %broadcast_in_dim3A_117 = vector.broadcast %jit3A_116 : f32 to vector<128x1024xf32>
    %select_n3A_118 = arith.select %gt3A_113, %broadcast_in_dim3A_117, %mul3A_115 : vector<128x1024xi1>, vector<128x1024xf32>
    %min3A = arith.constant 9.900000e-01 : f32
    %min3A_119 = vector.broadcast %min3A : f32 to vector<128x1024xf32>
    %min3A_120 = arith.minimumf %select_n3A_118, %min3A_119 : vector<128x1024xf32>
    %sub3A_121 = arith.constant 1.000000e+00 : f32
    %sub3A_122 = vector.broadcast %sub3A_121 : f32 to vector<128x1024xf32>
    %sub3A_123 = arith.subf %sub3A_122, %min3A_120 : vector<128x1024xf32>
    %add3A_124 = arith.constant 1.000000e-10 : f32
    %add3A_125 = vector.broadcast %add3A_124 : f32 to vector<128x1024xf32>
    %add3A_126 = arith.addf %sub3A_123, %add3A_125 : vector<128x1024xf32>
    %broadcast_in_dim3A_127 = arith.constant 1.000000e+00 : f32
    %broadcast_in_dim3A_128 = vector.broadcast %broadcast_in_dim3A_127 : f32 to vector<128x1xf32>
    %slice3A = vector.extract_strided_slice %add3A_126 {offsets = [0, 0], sizes = [128, 1023], strides = [1, 1]} : vector<128x1024xf32> to vector<128x1023xf32>
    %concatenate3A = tpu.concatenate %broadcast_in_dim3A_128, %slice3A in 1 : vector<128x1xf32>, vector<128x1023xf32> -> vector<128x1024xf32>
    %mul3A_129 = arith.mulf %add3A_126, %concatenate3A : vector<128x1024xf32>
    %broadcast_in_dim3A_130 = arith.constant 1.000000e+00 : f32
    %broadcast_in_dim3A_131 = vector.broadcast %broadcast_in_dim3A_130 : f32 to vector<128x2xf32>
    %slice3A_132 = vector.extract_strided_slice %mul3A_129 {offsets = [0, 0], sizes = [128, 1022], strides = [1, 1]} : vector<128x1024xf32> to vector<128x1022xf32>
    %concatenate3A_133 = tpu.concatenate %broadcast_in_dim3A_131, %slice3A_132 in 1 : vector<128x2xf32>, vector<128x1022xf32> -> vector<128x1024xf32>
    %mul3A_134 = arith.mulf %mul3A_129, %concatenate3A_133 : vector<128x1024xf32>
    %broadcast_in_dim3A_135 = arith.constant 1.000000e+00 : f32
    %broadcast_in_dim3A_136 = vector.broadcast %broadcast_in_dim3A_135 : f32 to vector<128x4xf32>
    %slice3A_137 = vector.extract_strided_slice %mul3A_134 {offsets = [0, 0], sizes = [128, 1020], strides = [1, 1]} : vector<128x1024xf32> to vector<128x1020xf32>
    %concatenate3A_138 = tpu.concatenate %broadcast_in_dim3A_136, %slice3A_137 in 1 : vector<128x4xf32>, vector<128x1020xf32> -> vector<128x1024xf32>
    %mul3A_139 = arith.mulf %mul3A_134, %concatenate3A_138 : vector<128x1024xf32>
    %broadcast_in_dim3A_140 = arith.constant 1.000000e+00 : f32
    %broadcast_in_dim3A_141 = vector.broadcast %broadcast_in_dim3A_140 : f32 to vector<128x8xf32>
    %slice3A_142 = vector.extract_strided_slice %mul3A_139 {offsets = [0, 0], sizes = [128, 1016], strides = [1, 1]} : vector<128x1024xf32> to vector<128x1016xf32>
    %concatenate3A_143 = tpu.concatenate %broadcast_in_dim3A_141, %slice3A_142 in 1 : vector<128x8xf32>, vector<128x1016xf32> -> vector<128x1024xf32>
    %mul3A_144 = arith.mulf %mul3A_139, %concatenate3A_143 : vector<128x1024xf32>
    %broadcast_in_dim3A_145 = arith.constant 1.000000e+00 : f32
    %broadcast_in_dim3A_146 = vector.broadcast %broadcast_in_dim3A_145 : f32 to vector<128x16xf32>
    %slice3A_147 = vector.extract_strided_slice %mul3A_144 {offsets = [0, 0], sizes = [128, 1008], strides = [1, 1]} : vector<128x1024xf32> to vector<128x1008xf32>
    %concatenate3A_148 = tpu.concatenate %broadcast_in_dim3A_146, %slice3A_147 in 1 : vector<128x16xf32>, vector<128x1008xf32> -> vector<128x1024xf32>
    %mul3A_149 = arith.mulf %mul3A_144, %concatenate3A_148 : vector<128x1024xf32>
    %broadcast_in_dim3A_150 = arith.constant 1.000000e+00 : f32
    %broadcast_in_dim3A_151 = vector.broadcast %broadcast_in_dim3A_150 : f32 to vector<128x32xf32>
    %slice3A_152 = vector.extract_strided_slice %mul3A_149 {offsets = [0, 0], sizes = [128, 992], strides = [1, 1]} : vector<128x1024xf32> to vector<128x992xf32>
    %concatenate3A_153 = tpu.concatenate %broadcast_in_dim3A_151, %slice3A_152 in 1 : vector<128x32xf32>, vector<128x992xf32> -> vector<128x1024xf32>
    %mul3A_154 = arith.mulf %mul3A_149, %concatenate3A_153 : vector<128x1024xf32>
    %broadcast_in_dim3A_155 = arith.constant 1.000000e+00 : f32
    %broadcast_in_dim3A_156 = vector.broadcast %broadcast_in_dim3A_155 : f32 to vector<128x64xf32>
    %slice3A_157 = vector.extract_strided_slice %mul3A_154 {offsets = [0, 0], sizes = [128, 960], strides = [1, 1]} : vector<128x1024xf32> to vector<128x960xf32>
    %concatenate3A_158 = tpu.concatenate %broadcast_in_dim3A_156, %slice3A_157 in 1 : vector<128x64xf32>, vector<128x960xf32> -> vector<128x1024xf32>
    %mul3A_159 = arith.mulf %mul3A_154, %concatenate3A_158 : vector<128x1024xf32>
    %broadcast_in_dim3A_160 = arith.constant 1.000000e+00 : f32
    %broadcast_in_dim3A_161 = vector.broadcast %broadcast_in_dim3A_160 : f32 to vector<128x128xf32>
    %slice3A_162 = vector.extract_strided_slice %mul3A_159 {offsets = [0, 0], sizes = [128, 896], strides = [1, 1]} : vector<128x1024xf32> to vector<128x896xf32>
    %concatenate3A_163 = tpu.concatenate %broadcast_in_dim3A_161, %slice3A_162 in 1 : vector<128x128xf32>, vector<128x896xf32> -> vector<128x1024xf32>
    %mul3A_164 = arith.mulf %mul3A_159, %concatenate3A_163 : vector<128x1024xf32>
    %broadcast_in_dim3A_165 = arith.constant 1.000000e+00 : f32
    %broadcast_in_dim3A_166 = vector.broadcast %broadcast_in_dim3A_165 : f32 to vector<128x256xf32>
    %slice3A_167 = vector.extract_strided_slice %mul3A_164 {offsets = [0, 0], sizes = [128, 768], strides = [1, 1]} : vector<128x1024xf32> to vector<128x768xf32>
    %concatenate3A_168 = tpu.concatenate %broadcast_in_dim3A_166, %slice3A_167 in 1 : vector<128x256xf32>, vector<128x768xf32> -> vector<128x1024xf32>
    %mul3A_169 = arith.mulf %mul3A_164, %concatenate3A_168 : vector<128x1024xf32>
    %broadcast_in_dim3A_170 = arith.constant 1.000000e+00 : f32
    %broadcast_in_dim3A_171 = vector.broadcast %broadcast_in_dim3A_170 : f32 to vector<128x512xf32>
    %slice3A_172 = vector.extract_strided_slice %mul3A_169 {offsets = [0, 0], sizes = [128, 512], strides = [1, 1]} : vector<128x1024xf32> to vector<128x512xf32>
    %concatenate3A_173 = tpu.concatenate %broadcast_in_dim3A_171, %slice3A_172 in 1 : vector<128x512xf32>, vector<128x512xf32> -> vector<128x1024xf32>
    %mul3A_174 = arith.mulf %mul3A_169, %concatenate3A_173 : vector<128x1024xf32>
    %broadcast_in_dim3A_175 = arith.constant 1.000000e+00 : f32
    %broadcast_in_dim3A_176 = vector.broadcast %broadcast_in_dim3A_175 : f32 to vector<128x1xf32>
    %slice3A_177 = vector.extract_strided_slice %mul3A_174 {offsets = [0, 0], sizes = [128, 1023], strides = [1, 1]} : vector<128x1024xf32> to vector<128x1023xf32>
    %concatenate3A_178 = tpu.concatenate %broadcast_in_dim3A_176, %slice3A_177 in 1 : vector<128x1xf32>, vector<128x1023xf32> -> vector<128x1024xf32>
    %mul3A_179 = vector.broadcast %broadcast_in_dim3A_52 : vector<128x1xf32> to vector<128x1024xf32>
    %mul3A_180 = arith.mulf %concatenate3A_178, %mul3A_179 : vector<128x1024xf32>
    %mul3A_181 = arith.mulf %min3A_120, %mul3A_180 : vector<128x1024xf32>
    %swap3A = arith.constant 0 : index
    %swap3A_182 = arith.constant 0 : index
    %swap3A_183 = vector.load %arg8[%swap3A, %swap3A_182] : memref<128x8192xf32, #tpu.memory_space<vmem>>, vector<128x1024xf32>
    tpu.vector_store %arg8[%swap3A, %swap3A_182], %mul3A_181 {strides = array<i32>} : memref<128x8192xf32, #tpu.memory_space<vmem>>, vector<128x1024xf32>,
    %convert_element_type3A_184 = arith.truncf %mul3A_181 : vector<128x1024xf32> to vector<128x1024xbf16>
    %convert_element_type3A_185 = arith.extf %convert_element_type3A_184 : vector<128x1024xbf16> to vector<128x1024xf32>
    %convert_element_type3A_186 = arith.truncf %get3A_82 : vector<1x1024xf32> to vector<1x1024xbf16>
    %convert_element_type3A_187 = arith.extf %convert_element_type3A_186 : vector<1x1024xbf16> to vector<1x1024xf32>
    %mul3A_188 = vector.broadcast %convert_element_type3A_187 : vector<1x1024xf32> to vector<128x1024xf32>
    %mul3A_189 = arith.mulf %convert_element_type3A_185, %mul3A_188 : vector<128x1024xf32>
    %reduce_sum3A = arith.constant dense<0.000000e+00> : vector<128xf32>
    %reduce_sum3A_190 = vector.multi_reduction <add>, %mul3A_189, %reduce_sum3A [1] : vector<128x1024xf32> to vector<128xf32>
    %broadcast_in_dim3A_191 = vector.shape_cast %reduce_sum3A_190 : vector<128xf32> to vector<128x1xf32>
    %add3A_192 = arith.addf %broadcast_in_dim3A_54, %broadcast_in_dim3A_191 : vector<128x1xf32>
    %convert_element_type3A_193 = arith.truncf %get3A_85 : vector<1x1024xf32> to vector<1x1024xbf16>
    %convert_element_type3A_194 = arith.extf %convert_element_type3A_193 : vector<1x1024xbf16> to vector<1x1024xf32>
    %mul3A_195 = vector.broadcast %convert_element_type3A_194 : vector<1x1024xf32> to vector<128x1024xf32>
    %mul3A_196 = arith.mulf %convert_element_type3A_185, %mul3A_195 : vector<128x1024xf32>
    %reduce_sum3A_197 = arith.constant dense<0.000000e+00> : vector<128xf32>
    %reduce_sum3A_198 = vector.multi_reduction <add>, %mul3A_196, %reduce_sum3A_197 [1] : vector<128x1024xf32> to vector<128xf32>
    %broadcast_in_dim3A_199 = vector.shape_cast %reduce_sum3A_198 : vector<128xf32> to vector<128x1xf32>
    %add3A_200 = arith.addf %broadcast_in_dim3A_56, %broadcast_in_dim3A_199 : vector<128x1xf32>
    %convert_element_type3A_201 = arith.truncf %get3A_88 : vector<1x1024xf32> to vector<1x1024xbf16>
    %convert_element_type3A_202 = arith.extf %convert_element_type3A_201 : vector<1x1024xbf16> to vector<1x1024xf32>
    %mul3A_203 = vector.broadcast %convert_element_type3A_202 : vector<1x1024xf32> to vector<128x1024xf32>
    %mul3A_204 = arith.mulf %convert_element_type3A_185, %mul3A_203 : vector<128x1024xf32>
    %reduce_sum3A_205 = arith.constant dense<0.000000e+00> : vector<128xf32>
    %reduce_sum3A_206 = vector.multi_reduction <add>, %mul3A_204, %reduce_sum3A_205 [1] : vector<128x1024xf32> to vector<128xf32>
    %broadcast_in_dim3A_207 = vector.shape_cast %reduce_sum3A_206 : vector<128xf32> to vector<128x1xf32>
    %add3A_208 = arith.addf %broadcast_in_dim3A_58, %broadcast_in_dim3A_207 : vector<128x1xf32>
    %convert_element_type3A_209 = arith.truncf %get3A_91 : vector<1x1024xf32> to vector<1x1024xbf16>
    %convert_element_type3A_210 = arith.extf %convert_element_type3A_209 : vector<1x1024xbf16> to vector<1x1024xf32>
    %mul3A_211 = vector.broadcast %convert_element_type3A_210 : vector<1x1024xf32> to vector<128x1024xf32>
    %mul3A_212 = arith.mulf %convert_element_type3A_185, %mul3A_211 : vector<128x1024xf32>
    %reduce_sum3A_213 = arith.constant dense<0.000000e+00> : vector<128xf32>
    %reduce_sum3A_214 = vector.multi_reduction <add>, %mul3A_212, %reduce_sum3A_213 [1] : vector<128x1024xf32> to vector<128xf32>
    %broadcast_in_dim3A_215 = vector.shape_cast %reduce_sum3A_214 : vector<128xf32> to vector<128x1xf32>
    %add3A_216 = arith.addf %broadcast_in_dim3A_60, %broadcast_in_dim3A_215 : vector<128x1xf32>
    %reduce_sum3A_217 = arith.constant dense<0.000000e+00> : vector<128xf32>
    %reduce_sum3A_218 = vector.multi_reduction <add>, %mul3A_181, %reduce_sum3A_217 [1] : vector<128x1024xf32> to vector<128xf32>
    %broadcast_in_dim3A_219 = vector.shape_cast %reduce_sum3A_218 : vector<128xf32> to vector<128x1xf32>
    %add3A_220 = arith.addf %broadcast_in_dim3A_62, %broadcast_in_dim3A_219 : vector<128x1xf32>
    %slice3A_221 = vector.extract_strided_slice %mul3A_174 {offsets = [0, 1023], sizes = [128, 1], strides = [1, 1]} : vector<128x1024xf32> to vector<128x1xf32>
    %mul3A_222 = arith.mulf %broadcast_in_dim3A_52, %slice3A_221 : vector<128x1xf32>
    %get3A_223 = arith.constant 0 : index
    %get3A_224 = arith.constant 1024 : index
    %get3A_225 = vector.load %arg1[%get3A_223, %get3A_224] : memref<16x8192xf32, #tpu.memory_space<vmem>>, vector<1x1024xf32>
    %get3A_226 = arith.constant 1 : index
    %get3A_227 = arith.constant 1024 : index
    %get3A_228 = vector.load %arg1[%get3A_226, %get3A_227] : memref<16x8192xf32, #tpu.memory_space<vmem>>, vector<1x1024xf32>
    %get3A_229 = arith.constant 2 : index
    %get3A_230 = arith.constant 1024 : index
    %get3A_231 = vector.load %arg1[%get3A_229, %get3A_230] : memref<16x8192xf32, #tpu.memory_space<vmem>>, vector<1x1024xf32>
    %get3A_232 = arith.constant 3 : index
    %get3A_233 = arith.constant 1024 : index
    %get3A_234 = vector.load %arg1[%get3A_232, %get3A_233] : memref<16x8192xf32, #tpu.memory_space<vmem>>, vector<1x1024xf32>
    %get3A_235 = arith.constant 4 : index
    %get3A_236 = arith.constant 1024 : index
    %get3A_237 = vector.load %arg1[%get3A_235, %get3A_236] : memref<16x8192xf32, #tpu.memory_space<vmem>>, vector<1x1024xf32>
    %get3A_238 = arith.constant 5 : index
    %get3A_239 = arith.constant 1024 : index
    %get3A_240 = vector.load %arg1[%get3A_238, %get3A_239] : memref<16x8192xf32, #tpu.memory_space<vmem>>, vector<1x1024xf32>
    %get3A_241 = arith.constant 6 : index
    %get3A_242 = arith.constant 1024 : index
    %get3A_243 = vector.load %arg1[%get3A_241, %get3A_242] : memref<16x8192xf32, #tpu.memory_space<vmem>>, vector<1x1024xf32>
    %get3A_244 = arith.constant 7 : index
    %get3A_245 = arith.constant 1024 : index
    %get3A_246 = vector.load %arg1[%get3A_244, %get3A_245] : memref<16x8192xf32, #tpu.memory_space<vmem>>, vector<1x1024xf32>
    %get3A_247 = arith.constant 8 : index
    %get3A_248 = arith.constant 1024 : index
    %get3A_249 = vector.load %arg1[%get3A_247, %get3A_248] : memref<16x8192xf32, #tpu.memory_space<vmem>>, vector<1x1024xf32>
    %get3A_250 = arith.constant 9 : index
    %get3A_251 = arith.constant 1024 : index
    %get3A_252 = vector.load %arg1[%get3A_250, %get3A_251] : memref<16x8192xf32, #tpu.memory_space<vmem>>, vector<1x1024xf32>
    %sub3A_253 = vector.broadcast %add3A_19 : vector<128x1xf32> to vector<128x1024xf32>
    %sub3A_254 = vector.broadcast %get3A_225 : vector<1x1024xf32> to vector<128x1024xf32>
    %sub3A_255 = arith.subf %sub3A_253, %sub3A_254 : vector<128x1024xf32>
    %sub3A_256 = vector.broadcast %add3A_51 : vector<128x1xf32> to vector<128x1024xf32>
    %sub3A_257 = vector.broadcast %get3A_228 : vector<1x1024xf32> to vector<128x1024xf32>
    %sub3A_258 = arith.subf %sub3A_256, %sub3A_257 : vector<128x1024xf32>
    %mul3A_259 = vector.broadcast %get3A_231 : vector<1x1024xf32> to vector<128x1024xf32>
    %mul3A_260 = arith.mulf %mul3A_259, %sub3A_255 : vector<128x1024xf32>
    %mul3A_261 = arith.mulf %mul3A_260, %sub3A_255 : vector<128x1024xf32>
    %mul3A_262 = vector.broadcast %get3A_237 : vector<1x1024xf32> to vector<128x1024xf32>
    %mul3A_263 = arith.mulf %mul3A_262, %sub3A_258 : vector<128x1024xf32>
    %mul3A_264 = arith.mulf %mul3A_263, %sub3A_258 : vector<128x1024xf32>
    %add3A_265 = arith.addf %mul3A_261, %mul3A_264 : vector<128x1024xf32>
    %mul3A_266 = arith.constant -5.000000e-01 : f32
    %mul3A_267 = vector.broadcast %mul3A_266 : f32 to vector<128x1024xf32>
    %mul3A_268 = arith.mulf %mul3A_267, %add3A_265 : vector<128x1024xf32>
    %mul3A_269 = vector.broadcast %get3A_234 : vector<1x1024xf32> to vector<128x1024xf32>
    %mul3A_270 = arith.mulf %mul3A_269, %sub3A_255 : vector<128x1024xf32>
    %mul3A_271 = arith.mulf %mul3A_270, %sub3A_258 : vector<128x1024xf32>
    %sub3A_272 = arith.subf %mul3A_268, %mul3A_271 : vector<128x1024xf32>
    %gt3A_273 = arith.constant 0.000000e+00 : f32
    %gt3A_274 = vector.broadcast %gt3A_273 : f32 to vector<128x1024xf32>
    %gt3A_275 = arith.cmpf ogt, %sub3A_272, %gt3A_274 : vector<128x1024xf32>
    %exp3A_276 = math.exp %sub3A_272 : vector<128x1024xf32>
    %mul3A_277 = vector.broadcast %get3A_240 : vector<1x1024xf32> to vector<128x1024xf32>
    %mul3A_278 = arith.mulf %mul3A_277, %exp3A_276 : vector<128x1024xf32>
    %jit3A_279 = arith.constant 0.000000e+00 : f32
    %broadcast_in_dim3A_280 = vector.broadcast %jit3A_279 : f32 to vector<128x1024xf32>
    %select_n3A_281 = arith.select %gt3A_275, %broadcast_in_dim3A_280, %mul3A_278 : vector<128x1024xi1>, vector<128x1024xf32>
    %min3A_282 = arith.constant 9.900000e-01 : f32
    %min3A_283 = vector.broadcast %min3A_282 : f32 to vector<128x1024xf32>
    %min3A_284 = arith.minimumf %select_n3A_281, %min3A_283 : vector<128x1024xf32>
    %sub3A_285 = arith.constant 1.000000e+00 : f32
    %sub3A_286 = vector.broadcast %sub3A_285 : f32 to vector<128x1024xf32>
    %sub3A_287 = arith.subf %sub3A_286, %min3A_284 : vector<128x1024xf32>
    %add3A_288 = arith.constant 1.000000e-10 : f32
    %add3A_289 = vector.broadcast %add3A_288 : f32 to vector<128x1024xf32>
    %add3A_290 = arith.addf %sub3A_287, %add3A_289 : vector<128x1024xf32>
    %broadcast_in_dim3A_291 = arith.constant 1.000000e+00 : f32
    %broadcast_in_dim3A_292 = vector.broadcast %broadcast_in_dim3A_291 : f32 to vector<128x1xf32>
    %slice3A_293 = vector.extract_strided_slice %add3A_290 {offsets = [0, 0], sizes = [128, 1023], strides = [1, 1]} : vector<128x1024xf32> to vector<128x1023xf32>
    %concatenate3A_294 = tpu.concatenate %broadcast_in_dim3A_292, %slice3A_293 in 1 : vector<128x1xf32>, vector<128x1023xf32> -> vector<128x1024xf32>
    %mul3A_295 = arith.mulf %add3A_290, %concatenate3A_294 : vector<128x1024xf32>
    %broadcast_in_dim3A_296 = arith.constant 1.000000e+00 : f32
    %broadcast_in_dim3A_297 = vector.broadcast %broadcast_in_dim3A_296 : f32 to vector<128x2xf32>
    %slice3A_298 = vector.extract_strided_slice %mul3A_295 {offsets = [0, 0], sizes = [128, 1022], strides = [1, 1]} : vector<128x1024xf32> to vector<128x1022xf32>
    %concatenate3A_299 = tpu.concatenate %broadcast_in_dim3A_297, %slice3A_298 in 1 : vector<128x2xf32>, vector<128x1022xf32> -> vector<128x1024xf32>
    %mul3A_300 = arith.mulf %mul3A_295, %concatenate3A_299 : vector<128x1024xf32>
    %broadcast_in_dim3A_301 = arith.constant 1.000000e+00 : f32
    %broadcast_in_dim3A_302 = vector.broadcast %broadcast_in_dim3A_301 : f32 to vector<128x4xf32>
    %slice3A_303 = vector.extract_strided_slice %mul3A_300 {offsets = [0, 0], sizes = [128, 1020], strides = [1, 1]} : vector<128x1024xf32> to vector<128x1020xf32>
    %concatenate3A_304 = tpu.concatenate %broadcast_in_dim3A_302, %slice3A_303 in 1 : vector<128x4xf32>, vector<128x1020xf32> -> vector<128x1024xf32>
    %mul3A_305 = arith.mulf %mul3A_300, %concatenate3A_304 : vector<128x1024xf32>
    %broadcast_in_dim3A_306 = arith.constant 1.000000e+00 : f32
    %broadcast_in_dim3A_307 = vector.broadcast %broadcast_in_dim3A_306 : f32 to vector<128x8xf32>
    %slice3A_308 = vector.extract_strided_slice %mul3A_305 {offsets = [0, 0], sizes = [128, 1016], strides = [1, 1]} : vector<128x1024xf32> to vector<128x1016xf32>
    %concatenate3A_309 = tpu.concatenate %broadcast_in_dim3A_307, %slice3A_308 in 1 : vector<128x8xf32>, vector<128x1016xf32> -> vector<128x1024xf32>
    %mul3A_310 = arith.mulf %mul3A_305, %concatenate3A_309 : vector<128x1024xf32>
    %broadcast_in_dim3A_311 = arith.constant 1.000000e+00 : f32
    %broadcast_in_dim3A_312 = vector.broadcast %broadcast_in_dim3A_311 : f32 to vector<128x16xf32>
    %slice3A_313 = vector.extract_strided_slice %mul3A_310 {offsets = [0, 0], sizes = [128, 1008], strides = [1, 1]} : vector<128x1024xf32> to vector<128x1008xf32>
    %concatenate3A_314 = tpu.concatenate %broadcast_in_dim3A_312, %slice3A_313 in 1 : vector<128x16xf32>, vector<128x1008xf32> -> vector<128x1024xf32>
    %mul3A_315 = arith.mulf %mul3A_310, %concatenate3A_314 : vector<128x1024xf32>
    %broadcast_in_dim3A_316 = arith.constant 1.000000e+00 : f32
    %broadcast_in_dim3A_317 = vector.broadcast %broadcast_in_dim3A_316 : f32 to vector<128x32xf32>
    %slice3A_318 = vector.extract_strided_slice %mul3A_315 {offsets = [0, 0], sizes = [128, 992], strides = [1, 1]} : vector<128x1024xf32> to vector<128x992xf32>
    %concatenate3A_319 = tpu.concatenate %broadcast_in_dim3A_317, %slice3A_318 in 1 : vector<128x32xf32>, vector<128x992xf32> -> vector<128x1024xf32>
    %mul3A_320 = arith.mulf %mul3A_315, %concatenate3A_319 : vector<128x1024xf32>
    %broadcast_in_dim3A_321 = arith.constant 1.000000e+00 : f32
    %broadcast_in_dim3A_322 = vector.broadcast %broadcast_in_dim3A_321 : f32 to vector<128x64xf32>
    %slice3A_323 = vector.extract_strided_slice %mul3A_320 {offsets = [0, 0], sizes = [128, 960], strides = [1, 1]} : vector<128x1024xf32> to vector<128x960xf32>
    %concatenate3A_324 = tpu.concatenate %broadcast_in_dim3A_322, %slice3A_323 in 1 : vector<128x64xf32>, vector<128x960xf32> -> vector<128x1024xf32>
    %mul3A_325 = arith.mulf %mul3A_320, %concatenate3A_324 : vector<128x1024xf32>
    %broadcast_in_dim3A_326 = arith.constant 1.000000e+00 : f32
    %broadcast_in_dim3A_327 = vector.broadcast %broadcast_in_dim3A_326 : f32 to vector<128x128xf32>
    %slice3A_328 = vector.extract_strided_slice %mul3A_325 {offsets = [0, 0], sizes = [128, 896], strides = [1, 1]} : vector<128x1024xf32> to vector<128x896xf32>
    %concatenate3A_329 = tpu.concatenate %broadcast_in_dim3A_327, %slice3A_328 in 1 : vector<128x128xf32>, vector<128x896xf32> -> vector<128x1024xf32>
    %mul3A_330 = arith.mulf %mul3A_325, %concatenate3A_329 : vector<128x1024xf32>
    %broadcast_in_dim3A_331 = arith.constant 1.000000e+00 : f32
    %broadcast_in_dim3A_332 = vector.broadcast %broadcast_in_dim3A_331 : f32 to vector<128x256xf32>
    %slice3A_333 = vector.extract_strided_slice %mul3A_330 {offsets = [0, 0], sizes = [128, 768], strides = [1, 1]} : vector<128x1024xf32> to vector<128x768xf32>
    %concatenate3A_334 = tpu.concatenate %broadcast_in_dim3A_332, %slice3A_333 in 1 : vector<128x256xf32>, vector<128x768xf32> -> vector<128x1024xf32>
    %mul3A_335 = arith.mulf %mul3A_330, %concatenate3A_334 : vector<128x1024xf32>
    %broadcast_in_dim3A_336 = arith.constant 1.000000e+00 : f32
    %broadcast_in_dim3A_337 = vector.broadcast %broadcast_in_dim3A_336 : f32 to vector<128x512xf32>
    %slice3A_338 = vector.extract_strided_slice %mul3A_335 {offsets = [0, 0], sizes = [128, 512], strides = [1, 1]} : vector<128x1024xf32> to vector<128x512xf32>
    %concatenate3A_339 = tpu.concatenate %broadcast_in_dim3A_337, %slice3A_338 in 1 : vector<128x512xf32>, vector<128x512xf32> -> vector<128x1024xf32>
    %mul3A_340 = arith.mulf %mul3A_335, %concatenate3A_339 : vector<128x1024xf32>
    %broadcast_in_dim3A_341 = arith.constant 1.000000e+00 : f32
    %broadcast_in_dim3A_342 = vector.broadcast %broadcast_in_dim3A_341 : f32 to vector<128x1xf32>
    %slice3A_343 = vector.extract_strided_slice %mul3A_340 {offsets = [0, 0], sizes = [128, 1023], strides = [1, 1]} : vector<128x1024xf32> to vector<128x1023xf32>
    %concatenate3A_344 = tpu.concatenate %broadcast_in_dim3A_342, %slice3A_343 in 1 : vector<128x1xf32>, vector<128x1023xf32> -> vector<128x1024xf32>
    %mul3A_345 = vector.broadcast %mul3A_222 : vector<128x1xf32> to vector<128x1024xf32>
    %mul3A_346 = arith.mulf %concatenate3A_344, %mul3A_345 : vector<128x1024xf32>
    %mul3A_347 = arith.mulf %min3A_284, %mul3A_346 : vector<128x1024xf32>
    %swap3A_348 = arith.constant 0 : index
    %swap3A_349 = arith.constant 1024 : index
    %swap3A_350 = vector.load %arg8[%swap3A_348, %swap3A_349] : memref<128x8192xf32, #tpu.memory_space<vmem>>, vector<128x1024xf32>
    tpu.vector_store %arg8[%swap3A_348, %swap3A_349], %mul3A_347 {strides = array<i32>} : memref<128x8192xf32, #tpu.memory_space<vmem>>, vector<128x1024xf32>,
    %convert_element_type3A_351 = arith.truncf %mul3A_347 : vector<128x1024xf32> to vector<128x1024xbf16>
    %convert_element_type3A_352 = arith.extf %convert_element_type3A_351 : vector<128x1024xbf16> to vector<128x1024xf32>
    %convert_element_type3A_353 = arith.truncf %get3A_243 : vector<1x1024xf32> to vector<1x1024xbf16>
    %convert_element_type3A_354 = arith.extf %convert_element_type3A_353 : vector<1x1024xbf16> to vector<1x1024xf32>
    %mul3A_355 = vector.broadcast %convert_element_type3A_354 : vector<1x1024xf32> to vector<128x1024xf32>
    %mul3A_356 = arith.mulf %convert_element_type3A_352, %mul3A_355 : vector<128x1024xf32>
    %reduce_sum3A_357 = arith.constant dense<0.000000e+00> : vector<128xf32>
    %reduce_sum3A_358 = vector.multi_reduction <add>, %mul3A_356, %reduce_sum3A_357 [1] : vector<128x1024xf32> to vector<128xf32>
    %broadcast_in_dim3A_359 = vector.shape_cast %reduce_sum3A_358 : vector<128xf32> to vector<128x1xf32>
    %add3A_360 = arith.addf %add3A_192, %broadcast_in_dim3A_359 : vector<128x1xf32>
    %convert_element_type3A_361 = arith.truncf %get3A_246 : vector<1x1024xf32> to vector<1x1024xbf16>
    %convert_element_type3A_362 = arith.extf %convert_element_type3A_361 : vector<1x1024xbf16> to vector<1x1024xf32>
    %mul3A_363 = vector.broadcast %convert_element_type3A_362 : vector<1x1024xf32> to vector<128x1024xf32>
    %mul3A_364 = arith.mulf %convert_element_type3A_352, %mul3A_363 : vector<128x1024xf32>
    %reduce_sum3A_365 = arith.constant dense<0.000000e+00> : vector<128xf32>
    %reduce_sum3A_366 = vector.multi_reduction <add>, %mul3A_364, %reduce_sum3A_365 [1] : vector<128x1024xf32> to vector<128xf32>
    %broadcast_in_dim3A_367 = vector.shape_cast %reduce_sum3A_366 : vector<128xf32> to vector<128x1xf32>
    %add3A_368 = arith.addf %add3A_200, %broadcast_in_dim3A_367 : vector<128x1xf32>
    %convert_element_type3A_369 = arith.truncf %get3A_249 : vector<1x1024xf32> to vector<1x1024xbf16>
    %convert_element_type3A_370 = arith.extf %convert_element_type3A_369 : vector<1x1024xbf16> to vector<1x1024xf32>
    %mul3A_371 = vector.broadcast %convert_element_type3A_370 : vector<1x1024xf32> to vector<128x1024xf32>
    %mul3A_372 = arith.mulf %convert_element_type3A_352, %mul3A_371 : vector<128x1024xf32>
    %reduce_sum3A_373 = arith.constant dense<0.000000e+00> : vector<128xf32>
    %reduce_sum3A_374 = vector.multi_reduction <add>, %mul3A_372, %reduce_sum3A_373 [1] : vector<128x1024xf32> to vector<128xf32>
    %broadcast_in_dim3A_375 = vector.shape_cast %reduce_sum3A_374 : vector<128xf32> to vector<128x1xf32>
    %add3A_376 = arith.addf %add3A_208, %broadcast_in_dim3A_375 : vector<128x1xf32>
    %convert_element_type3A_377 = arith.truncf %get3A_252 : vector<1x1024xf32> to vector<1x1024xbf16>
    %convert_element_type3A_378 = arith.extf %convert_element_type3A_377 : vector<1x1024xbf16> to vector<1x1024xf32>
    %mul3A_379 = vector.broadcast %convert_element_type3A_378 : vector<1x1024xf32> to vector<128x1024xf32>
    %mul3A_380 = arith.mulf %convert_element_type3A_352, %mul3A_379 : vector<128x1024xf32>
    %reduce_sum3A_381 = arith.constant dense<0.000000e+00> : vector<128xf32>
    %reduce_sum3A_382 = vector.multi_reduction <add>, %mul3A_380, %reduce_sum3A_381 [1] : vector<128x1024xf32> to vector<128xf32>
    %broadcast_in_dim3A_383 = vector.shape_cast %reduce_sum3A_382 : vector<128xf32> to vector<128x1xf32>
    %add3A_384 = arith.addf %add3A_216, %broadcast_in_dim3A_383 : vector<128x1xf32>
    %reduce_sum3A_385 = arith.constant dense<0.000000e+00> : vector<128xf32>
    %reduce_sum3A_386 = vector.multi_reduction <add>, %mul3A_347, %reduce_sum3A_385 [1] : vector<128x1024xf32> to vector<128xf32>
    %broadcast_in_dim3A_387 = vector.shape_cast %reduce_sum3A_386 : vector<128xf32> to vector<128x1xf32>
    %add3A_388 = arith.addf %add3A_220, %broadcast_in_dim3A_387 : vector<128x1xf32>
    %slice3A_389 = vector.extract_strided_slice %mul3A_340 {offsets = [0, 1023], sizes = [128, 1], strides = [1, 1]} : vector<128x1024xf32> to vector<128x1xf32>
    %mul3A_390 = arith.mulf %mul3A_222, %slice3A_389 : vector<128x1xf32>
    %get3A_391 = arith.constant 0 : index
    %get3A_392 = arith.constant 2048 : index
    %get3A_393 = vector.load %arg1[%get3A_391, %get3A_392] : memref<16x8192xf32, #tpu.memory_space<vmem>>, vector<1x1024xf32>
    %get3A_394 = arith.constant 1 : index
    %get3A_395 = arith.constant 2048 : index
    %get3A_396 = vector.load %arg1[%get3A_394, %get3A_395] : memref<16x8192xf32, #tpu.memory_space<vmem>>, vector<1x1024xf32>
    %get3A_397 = arith.constant 2 : index
    %get3A_398 = arith.constant 2048 : index
    %get3A_399 = vector.load %arg1[%get3A_397, %get3A_398] : memref<16x8192xf32, #tpu.memory_space<vmem>>, vector<1x1024xf32>
    %get3A_400 = arith.constant 3 : index
    %get3A_401 = arith.constant 2048 : index
    %get3A_402 = vector.load %arg1[%get3A_400, %get3A_401] : memref<16x8192xf32, #tpu.memory_space<vmem>>, vector<1x1024xf32>
    %get3A_403 = arith.constant 4 : index
    %get3A_404 = arith.constant 2048 : index
    %get3A_405 = vector.load %arg1[%get3A_403, %get3A_404] : memref<16x8192xf32, #tpu.memory_space<vmem>>, vector<1x1024xf32>
    %get3A_406 = arith.constant 5 : index
    %get3A_407 = arith.constant 2048 : index
    %get3A_408 = vector.load %arg1[%get3A_406, %get3A_407] : memref<16x8192xf32, #tpu.memory_space<vmem>>, vector<1x1024xf32>
    %get3A_409 = arith.constant 6 : index
    %get3A_410 = arith.constant 2048 : index
    %get3A_411 = vector.load %arg1[%get3A_409, %get3A_410] : memref<16x8192xf32, #tpu.memory_space<vmem>>, vector<1x1024xf32>
    %get3A_412 = arith.constant 7 : index
    %get3A_413 = arith.constant 2048 : index
    %get3A_414 = vector.load %arg1[%get3A_412, %get3A_413] : memref<16x8192xf32, #tpu.memory_space<vmem>>, vector<1x1024xf32>
    %get3A_415 = arith.constant 8 : index
    %get3A_416 = arith.constant 2048 : index
    %get3A_417 = vector.load %arg1[%get3A_415, %get3A_416] : memref<16x8192xf32, #tpu.memory_space<vmem>>, vector<1x1024xf32>
    %get3A_418 = arith.constant 9 : index
    %get3A_419 = arith.constant 2048 : index
    %get3A_420 = vector.load %arg1[%get3A_418, %get3A_419] : memref<16x8192xf32, #tpu.memory_space<vmem>>, vector<1x1024xf32>
    %sub3A_421 = vector.broadcast %add3A_19 : vector<128x1xf32> to vector<128x1024xf32>
    %sub3A_422 = vector.broadcast %get3A_393 : vector<1x1024xf32> to vector<128x1024xf32>
    %sub3A_423 = arith.subf %sub3A_421, %sub3A_422 : vector<128x1024xf32>
    %sub3A_424 = vector.broadcast %add3A_51 : vector<128x1xf32> to vector<128x1024xf32>
    %sub3A_425 = vector.broadcast %get3A_396 : vector<1x1024xf32> to vector<128x1024xf32>
    %sub3A_426 = arith.subf %sub3A_424, %sub3A_425 : vector<128x1024xf32>
    %mul3A_427 = vector.broadcast %get3A_399 : vector<1x1024xf32> to vector<128x1024xf32>
    %mul3A_428 = arith.mulf %mul3A_427, %sub3A_423 : vector<128x1024xf32>
    %mul3A_429 = arith.mulf %mul3A_428, %sub3A_423 : vector<128x1024xf32>
    %mul3A_430 = vector.broadcast %get3A_405 : vector<1x1024xf32> to vector<128x1024xf32>
    %mul3A_431 = arith.mulf %mul3A_430, %sub3A_426 : vector<128x1024xf32>
    %mul3A_432 = arith.mulf %mul3A_431, %sub3A_426 : vector<128x1024xf32>
    %add3A_433 = arith.addf %mul3A_429, %mul3A_432 : vector<128x1024xf32>
    %mul3A_434 = arith.constant -5.000000e-01 : f32
    %mul3A_435 = vector.broadcast %mul3A_434 : f32 to vector<128x1024xf32>
    %mul3A_436 = arith.mulf %mul3A_435, %add3A_433 : vector<128x1024xf32>
    %mul3A_437 = vector.broadcast %get3A_402 : vector<1x1024xf32> to vector<128x1024xf32>
    %mul3A_438 = arith.mulf %mul3A_437, %sub3A_423 : vector<128x1024xf32>
    %mul3A_439 = arith.mulf %mul3A_438, %sub3A_426 : vector<128x1024xf32>
    %sub3A_440 = arith.subf %mul3A_436, %mul3A_439 : vector<128x1024xf32>
    %gt3A_441 = arith.constant 0.000000e+00 : f32
    %gt3A_442 = vector.broadcast %gt3A_441 : f32 to vector<128x1024xf32>
    %gt3A_443 = arith.cmpf ogt, %sub3A_440, %gt3A_442 : vector<128x1024xf32>
    %exp3A_444 = math.exp %sub3A_440 : vector<128x1024xf32>
    %mul3A_445 = vector.broadcast %get3A_408 : vector<1x1024xf32> to vector<128x1024xf32>
    %mul3A_446 = arith.mulf %mul3A_445, %exp3A_444 : vector<128x1024xf32>
    %jit3A_447 = arith.constant 0.000000e+00 : f32
    %broadcast_in_dim3A_448 = vector.broadcast %jit3A_447 : f32 to vector<128x1024xf32>
    %select_n3A_449 = arith.select %gt3A_443, %broadcast_in_dim3A_448, %mul3A_446 : vector<128x1024xi1>, vector<128x1024xf32>
    %min3A_450 = arith.constant 9.900000e-01 : f32
    %min3A_451 = vector.broadcast %min3A_450 : f32 to vector<128x1024xf32>
    %min3A_452 = arith.minimumf %select_n3A_449, %min3A_451 : vector<128x1024xf32>
    %sub3A_453 = arith.constant 1.000000e+00 : f32
    %sub3A_454 = vector.broadcast %sub3A_453 : f32 to vector<128x1024xf32>
    %sub3A_455 = arith.subf %sub3A_454, %min3A_452 : vector<128x1024xf32>
    %add3A_456 = arith.constant 1.000000e-10 : f32
    %add3A_457 = vector.broadcast %add3A_456 : f32 to vector<128x1024xf32>
    %add3A_458 = arith.addf %sub3A_455, %add3A_457 : vector<128x1024xf32>
    %broadcast_in_dim3A_459 = arith.constant 1.000000e+00 : f32
    %broadcast_in_dim3A_460 = vector.broadcast %broadcast_in_dim3A_459 : f32 to vector<128x1xf32>
    %slice3A_461 = vector.extract_strided_slice %add3A_458 {offsets = [0, 0], sizes = [128, 1023], strides = [1, 1]} : vector<128x1024xf32> to vector<128x1023xf32>
    %concatenate3A_462 = tpu.concatenate %broadcast_in_dim3A_460, %slice3A_461 in 1 : vector<128x1xf32>, vector<128x1023xf32> -> vector<128x1024xf32>
    %mul3A_463 = arith.mulf %add3A_458, %concatenate3A_462 : vector<128x1024xf32>
    %broadcast_in_dim3A_464 = arith.constant 1.000000e+00 : f32
    %broadcast_in_dim3A_465 = vector.broadcast %broadcast_in_dim3A_464 : f32 to vector<128x2xf32>
    %slice3A_466 = vector.extract_strided_slice %mul3A_463 {offsets = [0, 0], sizes = [128, 1022], strides = [1, 1]} : vector<128x1024xf32> to vector<128x1022xf32>
    %concatenate3A_467 = tpu.concatenate %broadcast_in_dim3A_465, %slice3A_466 in 1 : vector<128x2xf32>, vector<128x1022xf32> -> vector<128x1024xf32>
    %mul3A_468 = arith.mulf %mul3A_463, %concatenate3A_467 : vector<128x1024xf32>
    %broadcast_in_dim3A_469 = arith.constant 1.000000e+00 : f32
    %broadcast_in_dim3A_470 = vector.broadcast %broadcast_in_dim3A_469 : f32 to vector<128x4xf32>
    %slice3A_471 = vector.extract_strided_slice %mul3A_468 {offsets = [0, 0], sizes = [128, 1020], strides = [1, 1]} : vector<128x1024xf32> to vector<128x1020xf32>
    %concatenate3A_472 = tpu.concatenate %broadcast_in_dim3A_470, %slice3A_471 in 1 : vector<128x4xf32>, vector<128x1020xf32> -> vector<128x1024xf32>
    %mul3A_473 = arith.mulf %mul3A_468, %concatenate3A_472 : vector<128x1024xf32>
    %broadcast_in_dim3A_474 = arith.constant 1.000000e+00 : f32
    %broadcast_in_dim3A_475 = vector.broadcast %broadcast_in_dim3A_474 : f32 to vector<128x8xf32>
    %slice3A_476 = vector.extract_strided_slice %mul3A_473 {offsets = [0, 0], sizes = [128, 1016], strides = [1, 1]} : vector<128x1024xf32> to vector<128x1016xf32>
    %concatenate3A_477 = tpu.concatenate %broadcast_in_dim3A_475, %slice3A_476 in 1 : vector<128x8xf32>, vector<128x1016xf32> -> vector<128x1024xf32>
    %mul3A_478 = arith.mulf %mul3A_473, %concatenate3A_477 : vector<128x1024xf32>
    %broadcast_in_dim3A_479 = arith.constant 1.000000e+00 : f32
    %broadcast_in_dim3A_480 = vector.broadcast %broadcast_in_dim3A_479 : f32 to vector<128x16xf32>
    %slice3A_481 = vector.extract_strided_slice %mul3A_478 {offsets = [0, 0], sizes = [128, 1008], strides = [1, 1]} : vector<128x1024xf32> to vector<128x1008xf32>
    %concatenate3A_482 = tpu.concatenate %broadcast_in_dim3A_480, %slice3A_481 in 1 : vector<128x16xf32>, vector<128x1008xf32> -> vector<128x1024xf32>
    %mul3A_483 = arith.mulf %mul3A_478, %concatenate3A_482 : vector<128x1024xf32>
    %broadcast_in_dim3A_484 = arith.constant 1.000000e+00 : f32
    %broadcast_in_dim3A_485 = vector.broadcast %broadcast_in_dim3A_484 : f32 to vector<128x32xf32>
    %slice3A_486 = vector.extract_strided_slice %mul3A_483 {offsets = [0, 0], sizes = [128, 992], strides = [1, 1]} : vector<128x1024xf32> to vector<128x992xf32>
    %concatenate3A_487 = tpu.concatenate %broadcast_in_dim3A_485, %slice3A_486 in 1 : vector<128x32xf32>, vector<128x992xf32> -> vector<128x1024xf32>
    %mul3A_488 = arith.mulf %mul3A_483, %concatenate3A_487 : vector<128x1024xf32>
    %broadcast_in_dim3A_489 = arith.constant 1.000000e+00 : f32
    %broadcast_in_dim3A_490 = vector.broadcast %broadcast_in_dim3A_489 : f32 to vector<128x64xf32>
    %slice3A_491 = vector.extract_strided_slice %mul3A_488 {offsets = [0, 0], sizes = [128, 960], strides = [1, 1]} : vector<128x1024xf32> to vector<128x960xf32>
    %concatenate3A_492 = tpu.concatenate %broadcast_in_dim3A_490, %slice3A_491 in 1 : vector<128x64xf32>, vector<128x960xf32> -> vector<128x1024xf32>
    %mul3A_493 = arith.mulf %mul3A_488, %concatenate3A_492 : vector<128x1024xf32>
    %broadcast_in_dim3A_494 = arith.constant 1.000000e+00 : f32
    %broadcast_in_dim3A_495 = vector.broadcast %broadcast_in_dim3A_494 : f32 to vector<128x128xf32>
    %slice3A_496 = vector.extract_strided_slice %mul3A_493 {offsets = [0, 0], sizes = [128, 896], strides = [1, 1]} : vector<128x1024xf32> to vector<128x896xf32>
    %concatenate3A_497 = tpu.concatenate %broadcast_in_dim3A_495, %slice3A_496 in 1 : vector<128x128xf32>, vector<128x896xf32> -> vector<128x1024xf32>
    %mul3A_498 = arith.mulf %mul3A_493, %concatenate3A_497 : vector<128x1024xf32>
    %broadcast_in_dim3A_499 = arith.constant 1.000000e+00 : f32
    %broadcast_in_dim3A_500 = vector.broadcast %broadcast_in_dim3A_499 : f32 to vector<128x256xf32>
    %slice3A_501 = vector.extract_strided_slice %mul3A_498 {offsets = [0, 0], sizes = [128, 768], strides = [1, 1]} : vector<128x1024xf32> to vector<128x768xf32>
    %concatenate3A_502 = tpu.concatenate %broadcast_in_dim3A_500, %slice3A_501 in 1 : vector<128x256xf32>, vector<128x768xf32> -> vector<128x1024xf32>
    %mul3A_503 = arith.mulf %mul3A_498, %concatenate3A_502 : vector<128x1024xf32>
    %broadcast_in_dim3A_504 = arith.constant 1.000000e+00 : f32
    %broadcast_in_dim3A_505 = vector.broadcast %broadcast_in_dim3A_504 : f32 to vector<128x512xf32>
    %slice3A_506 = vector.extract_strided_slice %mul3A_503 {offsets = [0, 0], sizes = [128, 512], strides = [1, 1]} : vector<128x1024xf32> to vector<128x512xf32>
    %concatenate3A_507 = tpu.concatenate %broadcast_in_dim3A_505, %slice3A_506 in 1 : vector<128x512xf32>, vector<128x512xf32> -> vector<128x1024xf32>
    %mul3A_508 = arith.mulf %mul3A_503, %concatenate3A_507 : vector<128x1024xf32>
    %broadcast_in_dim3A_509 = arith.constant 1.000000e+00 : f32
    %broadcast_in_dim3A_510 = vector.broadcast %broadcast_in_dim3A_509 : f32 to vector<128x1xf32>
    %slice3A_511 = vector.extract_strided_slice %mul3A_508 {offsets = [0, 0], sizes = [128, 1023], strides = [1, 1]} : vector<128x1024xf32> to vector<128x1023xf32>
    %concatenate3A_512 = tpu.concatenate %broadcast_in_dim3A_510, %slice3A_511 in 1 : vector<128x1xf32>, vector<128x1023xf32> -> vector<128x1024xf32>
    %mul3A_513 = vector.broadcast %mul3A_390 : vector<128x1xf32> to vector<128x1024xf32>
    %mul3A_514 = arith.mulf %concatenate3A_512, %mul3A_513 : vector<128x1024xf32>
    %mul3A_515 = arith.mulf %min3A_452, %mul3A_514 : vector<128x1024xf32>
    %swap3A_516 = arith.constant 0 : index
    %swap3A_517 = arith.constant 2048 : index
    %swap3A_518 = vector.load %arg8[%swap3A_516, %swap3A_517] : memref<128x8192xf32, #tpu.memory_space<vmem>>, vector<128x1024xf32>
    tpu.vector_store %arg8[%swap3A_516, %swap3A_517], %mul3A_515 {strides = array<i32>} : memref<128x8192xf32, #tpu.memory_space<vmem>>, vector<128x1024xf32>,
    %convert_element_type3A_519 = arith.truncf %mul3A_515 : vector<128x1024xf32> to vector<128x1024xbf16>
    %convert_element_type3A_520 = arith.extf %convert_element_type3A_519 : vector<128x1024xbf16> to vector<128x1024xf32>
    %convert_element_type3A_521 = arith.truncf %get3A_411 : vector<1x1024xf32> to vector<1x1024xbf16>
    %convert_element_type3A_522 = arith.extf %convert_element_type3A_521 : vector<1x1024xbf16> to vector<1x1024xf32>
    %mul3A_523 = vector.broadcast %convert_element_type3A_522 : vector<1x1024xf32> to vector<128x1024xf32>
    %mul3A_524 = arith.mulf %convert_element_type3A_520, %mul3A_523 : vector<128x1024xf32>
    %reduce_sum3A_525 = arith.constant dense<0.000000e+00> : vector<128xf32>
    %reduce_sum3A_526 = vector.multi_reduction <add>, %mul3A_524, %reduce_sum3A_525 [1] : vector<128x1024xf32> to vector<128xf32>
    %broadcast_in_dim3A_527 = vector.shape_cast %reduce_sum3A_526 : vector<128xf32> to vector<128x1xf32>
    %add3A_528 = arith.addf %add3A_360, %broadcast_in_dim3A_527 : vector<128x1xf32>
    %convert_element_type3A_529 = arith.truncf %get3A_414 : vector<1x1024xf32> to vector<1x1024xbf16>
    %convert_element_type3A_530 = arith.extf %convert_element_type3A_529 : vector<1x1024xbf16> to vector<1x1024xf32>
    %mul3A_531 = vector.broadcast %convert_element_type3A_530 : vector<1x1024xf32> to vector<128x1024xf32>
    %mul3A_532 = arith.mulf %convert_element_type3A_520, %mul3A_531 : vector<128x1024xf32>
    %reduce_sum3A_533 = arith.constant dense<0.000000e+00> : vector<128xf32>
    %reduce_sum3A_534 = vector.multi_reduction <add>, %mul3A_532, %reduce_sum3A_533 [1] : vector<128x1024xf32> to vector<128xf32>
    %broadcast_in_dim3A_535 = vector.shape_cast %reduce_sum3A_534 : vector<128xf32> to vector<128x1xf32>
    %add3A_536 = arith.addf %add3A_368, %broadcast_in_dim3A_535 : vector<128x1xf32>
    %convert_element_type3A_537 = arith.truncf %get3A_417 : vector<1x1024xf32> to vector<1x1024xbf16>
    %convert_element_type3A_538 = arith.extf %convert_element_type3A_537 : vector<1x1024xbf16> to vector<1x1024xf32>
    %mul3A_539 = vector.broadcast %convert_element_type3A_538 : vector<1x1024xf32> to vector<128x1024xf32>
    %mul3A_540 = arith.mulf %convert_element_type3A_520, %mul3A_539 : vector<128x1024xf32>
    %reduce_sum3A_541 = arith.constant dense<0.000000e+00> : vector<128xf32>
    %reduce_sum3A_542 = vector.multi_reduction <add>, %mul3A_540, %reduce_sum3A_541 [1] : vector<128x1024xf32> to vector<128xf32>
    %broadcast_in_dim3A_543 = vector.shape_cast %reduce_sum3A_542 : vector<128xf32> to vector<128x1xf32>
    %add3A_544 = arith.addf %add3A_376, %broadcast_in_dim3A_543 : vector<128x1xf32>
    %convert_element_type3A_545 = arith.truncf %get3A_420 : vector<1x1024xf32> to vector<1x1024xbf16>
    %convert_element_type3A_546 = arith.extf %convert_element_type3A_545 : vector<1x1024xbf16> to vector<1x1024xf32>
    %mul3A_547 = vector.broadcast %convert_element_type3A_546 : vector<1x1024xf32> to vector<128x1024xf32>
    %mul3A_548 = arith.mulf %convert_element_type3A_520, %mul3A_547 : vector<128x1024xf32>
    %reduce_sum3A_549 = arith.constant dense<0.000000e+00> : vector<128xf32>
    %reduce_sum3A_550 = vector.multi_reduction <add>, %mul3A_548, %reduce_sum3A_549 [1] : vector<128x1024xf32> to vector<128xf32>
    %broadcast_in_dim3A_551 = vector.shape_cast %reduce_sum3A_550 : vector<128xf32> to vector<128x1xf32>
    %add3A_552 = arith.addf %add3A_384, %broadcast_in_dim3A_551 : vector<128x1xf32>
    %reduce_sum3A_553 = arith.constant dense<0.000000e+00> : vector<128xf32>
    %reduce_sum3A_554 = vector.multi_reduction <add>, %mul3A_515, %reduce_sum3A_553 [1] : vector<128x1024xf32> to vector<128xf32>
    %broadcast_in_dim3A_555 = vector.shape_cast %reduce_sum3A_554 : vector<128xf32> to vector<128x1xf32>
    %add3A_556 = arith.addf %add3A_388, %broadcast_in_dim3A_555 : vector<128x1xf32>
    %slice3A_557 = vector.extract_strided_slice %mul3A_508 {offsets = [0, 1023], sizes = [128, 1], strides = [1, 1]} : vector<128x1024xf32> to vector<128x1xf32>
    %mul3A_558 = arith.mulf %mul3A_390, %slice3A_557 : vector<128x1xf32>
    %get3A_559 = arith.constant 0 : index
    %get3A_560 = arith.constant 3072 : index
    %get3A_561 = vector.load %arg1[%get3A_559, %get3A_560] : memref<16x8192xf32, #tpu.memory_space<vmem>>, vector<1x1024xf32>
    %get3A_562 = arith.constant 1 : index
    %get3A_563 = arith.constant 3072 : index
    %get3A_564 = vector.load %arg1[%get3A_562, %get3A_563] : memref<16x8192xf32, #tpu.memory_space<vmem>>, vector<1x1024xf32>
    %get3A_565 = arith.constant 2 : index
    %get3A_566 = arith.constant 3072 : index
    %get3A_567 = vector.load %arg1[%get3A_565, %get3A_566] : memref<16x8192xf32, #tpu.memory_space<vmem>>, vector<1x1024xf32>
    %get3A_568 = arith.constant 3 : index
    %get3A_569 = arith.constant 3072 : index
    %get3A_570 = vector.load %arg1[%get3A_568, %get3A_569] : memref<16x8192xf32, #tpu.memory_space<vmem>>, vector<1x1024xf32>
    %get3A_571 = arith.constant 4 : index
    %get3A_572 = arith.constant 3072 : index
    %get3A_573 = vector.load %arg1[%get3A_571, %get3A_572] : memref<16x8192xf32, #tpu.memory_space<vmem>>, vector<1x1024xf32>
    %get3A_574 = arith.constant 5 : index
    %get3A_575 = arith.constant 3072 : index
    %get3A_576 = vector.load %arg1[%get3A_574, %get3A_575] : memref<16x8192xf32, #tpu.memory_space<vmem>>, vector<1x1024xf32>
    %get3A_577 = arith.constant 6 : index
    %get3A_578 = arith.constant 3072 : index
    %get3A_579 = vector.load %arg1[%get3A_577, %get3A_578] : memref<16x8192xf32, #tpu.memory_space<vmem>>, vector<1x1024xf32>
    %get3A_580 = arith.constant 7 : index
    %get3A_581 = arith.constant 3072 : index
    %get3A_582 = vector.load %arg1[%get3A_580, %get3A_581] : memref<16x8192xf32, #tpu.memory_space<vmem>>, vector<1x1024xf32>
    %get3A_583 = arith.constant 8 : index
    %get3A_584 = arith.constant 3072 : index
    %get3A_585 = vector.load %arg1[%get3A_583, %get3A_584] : memref<16x8192xf32, #tpu.memory_space<vmem>>, vector<1x1024xf32>
    %get3A_586 = arith.constant 9 : index
    %get3A_587 = arith.constant 3072 : index
    %get3A_588 = vector.load %arg1[%get3A_586, %get3A_587] : memref<16x8192xf32, #tpu.memory_space<vmem>>, vector<1x1024xf32>
    %sub3A_589 = vector.broadcast %add3A_19 : vector<128x1xf32> to vector<128x1024xf32>
    %sub3A_590 = vector.broadcast %get3A_561 : vector<1x1024xf32> to vector<128x1024xf32>
    %sub3A_591 = arith.subf %sub3A_589, %sub3A_590 : vector<128x1024xf32>
    %sub3A_592 = vector.broadcast %add3A_51 : vector<128x1xf32> to vector<128x1024xf32>
    %sub3A_593 = vector.broadcast %get3A_564 : vector<1x1024xf32> to vector<128x1024xf32>
    %sub3A_594 = arith.subf %sub3A_592, %sub3A_593 : vector<128x1024xf32>
    %mul3A_595 = vector.broadcast %get3A_567 : vector<1x1024xf32> to vector<128x1024xf32>
    %mul3A_596 = arith.mulf %mul3A_595, %sub3A_591 : vector<128x1024xf32>
    %mul3A_597 = arith.mulf %mul3A_596, %sub3A_591 : vector<128x1024xf32>
    %mul3A_598 = vector.broadcast %get3A_573 : vector<1x1024xf32> to vector<128x1024xf32>
    %mul3A_599 = arith.mulf %mul3A_598, %sub3A_594 : vector<128x1024xf32>
    %mul3A_600 = arith.mulf %mul3A_599, %sub3A_594 : vector<128x1024xf32>
    %add3A_601 = arith.addf %mul3A_597, %mul3A_600 : vector<128x1024xf32>
    %mul3A_602 = arith.constant -5.000000e-01 : f32
    %mul3A_603 = vector.broadcast %mul3A_602 : f32 to vector<128x1024xf32>
    %mul3A_604 = arith.mulf %mul3A_603, %add3A_601 : vector<128x1024xf32>
    %mul3A_605 = vector.broadcast %get3A_570 : vector<1x1024xf32> to vector<128x1024xf32>
    %mul3A_606 = arith.mulf %mul3A_605, %sub3A_591 : vector<128x1024xf32>
    %mul3A_607 = arith.mulf %mul3A_606, %sub3A_594 : vector<128x1024xf32>
    %sub3A_608 = arith.subf %mul3A_604, %mul3A_607 : vector<128x1024xf32>
    %gt3A_609 = arith.constant 0.000000e+00 : f32
    %gt3A_610 = vector.broadcast %gt3A_609 : f32 to vector<128x1024xf32>
    %gt3A_611 = arith.cmpf ogt, %sub3A_608, %gt3A_610 : vector<128x1024xf32>
    %exp3A_612 = math.exp %sub3A_608 : vector<128x1024xf32>
    %mul3A_613 = vector.broadcast %get3A_576 : vector<1x1024xf32> to vector<128x1024xf32>
    %mul3A_614 = arith.mulf %mul3A_613, %exp3A_612 : vector<128x1024xf32>
    %jit3A_615 = arith.constant 0.000000e+00 : f32
    %broadcast_in_dim3A_616 = vector.broadcast %jit3A_615 : f32 to vector<128x1024xf32>
    %select_n3A_617 = arith.select %gt3A_611, %broadcast_in_dim3A_616, %mul3A_614 : vector<128x1024xi1>, vector<128x1024xf32>
    %min3A_618 = arith.constant 9.900000e-01 : f32
    %min3A_619 = vector.broadcast %min3A_618 : f32 to vector<128x1024xf32>
    %min3A_620 = arith.minimumf %select_n3A_617, %min3A_619 : vector<128x1024xf32>
    %sub3A_621 = arith.constant 1.000000e+00 : f32
    %sub3A_622 = vector.broadcast %sub3A_621 : f32 to vector<128x1024xf32>
    %sub3A_623 = arith.subf %sub3A_622, %min3A_620 : vector<128x1024xf32>
    %add3A_624 = arith.constant 1.000000e-10 : f32
    %add3A_625 = vector.broadcast %add3A_624 : f32 to vector<128x1024xf32>
    %add3A_626 = arith.addf %sub3A_623, %add3A_625 : vector<128x1024xf32>
    %broadcast_in_dim3A_627 = arith.constant 1.000000e+00 : f32
    %broadcast_in_dim3A_628 = vector.broadcast %broadcast_in_dim3A_627 : f32 to vector<128x1xf32>
    %slice3A_629 = vector.extract_strided_slice %add3A_626 {offsets = [0, 0], sizes = [128, 1023], strides = [1, 1]} : vector<128x1024xf32> to vector<128x1023xf32>
    %concatenate3A_630 = tpu.concatenate %broadcast_in_dim3A_628, %slice3A_629 in 1 : vector<128x1xf32>, vector<128x1023xf32> -> vector<128x1024xf32>
    %mul3A_631 = arith.mulf %add3A_626, %concatenate3A_630 : vector<128x1024xf32>
    %broadcast_in_dim3A_632 = arith.constant 1.000000e+00 : f32
    %broadcast_in_dim3A_633 = vector.broadcast %broadcast_in_dim3A_632 : f32 to vector<128x2xf32>
    %slice3A_634 = vector.extract_strided_slice %mul3A_631 {offsets = [0, 0], sizes = [128, 1022], strides = [1, 1]} : vector<128x1024xf32> to vector<128x1022xf32>
    %concatenate3A_635 = tpu.concatenate %broadcast_in_dim3A_633, %slice3A_634 in 1 : vector<128x2xf32>, vector<128x1022xf32> -> vector<128x1024xf32>
    %mul3A_636 = arith.mulf %mul3A_631, %concatenate3A_635 : vector<128x1024xf32>
    %broadcast_in_dim3A_637 = arith.constant 1.000000e+00 : f32
    %broadcast_in_dim3A_638 = vector.broadcast %broadcast_in_dim3A_637 : f32 to vector<128x4xf32>
    %slice3A_639 = vector.extract_strided_slice %mul3A_636 {offsets = [0, 0], sizes = [128, 1020], strides = [1, 1]} : vector<128x1024xf32> to vector<128x1020xf32>
    %concatenate3A_640 = tpu.concatenate %broadcast_in_dim3A_638, %slice3A_639 in 1 : vector<128x4xf32>, vector<128x1020xf32> -> vector<128x1024xf32>
    %mul3A_641 = arith.mulf %mul3A_636, %concatenate3A_640 : vector<128x1024xf32>
    %broadcast_in_dim3A_642 = arith.constant 1.000000e+00 : f32
    %broadcast_in_dim3A_643 = vector.broadcast %broadcast_in_dim3A_642 : f32 to vector<128x8xf32>
    %slice3A_644 = vector.extract_strided_slice %mul3A_641 {offsets = [0, 0], sizes = [128, 1016], strides = [1, 1]} : vector<128x1024xf32> to vector<128x1016xf32>
    %concatenate3A_645 = tpu.concatenate %broadcast_in_dim3A_643, %slice3A_644 in 1 : vector<128x8xf32>, vector<128x1016xf32> -> vector<128x1024xf32>
    %mul3A_646 = arith.mulf %mul3A_641, %concatenate3A_645 : vector<128x1024xf32>
    %broadcast_in_dim3A_647 = arith.constant 1.000000e+00 : f32
    %broadcast_in_dim3A_648 = vector.broadcast %broadcast_in_dim3A_647 : f32 to vector<128x16xf32>
    %slice3A_649 = vector.extract_strided_slice %mul3A_646 {offsets = [0, 0], sizes = [128, 1008], strides = [1, 1]} : vector<128x1024xf32> to vector<128x1008xf32>
    %concatenate3A_650 = tpu.concatenate %broadcast_in_dim3A_648, %slice3A_649 in 1 : vector<128x16xf32>, vector<128x1008xf32> -> vector<128x1024xf32>
    %mul3A_651 = arith.mulf %mul3A_646, %concatenate3A_650 : vector<128x1024xf32>
    %broadcast_in_dim3A_652 = arith.constant 1.000000e+00 : f32
    %broadcast_in_dim3A_653 = vector.broadcast %broadcast_in_dim3A_652 : f32 to vector<128x32xf32>
    %slice3A_654 = vector.extract_strided_slice %mul3A_651 {offsets = [0, 0], sizes = [128, 992], strides = [1, 1]} : vector<128x1024xf32> to vector<128x992xf32>
    %concatenate3A_655 = tpu.concatenate %broadcast_in_dim3A_653, %slice3A_654 in 1 : vector<128x32xf32>, vector<128x992xf32> -> vector<128x1024xf32>
    %mul3A_656 = arith.mulf %mul3A_651, %concatenate3A_655 : vector<128x1024xf32>
    %broadcast_in_dim3A_657 = arith.constant 1.000000e+00 : f32
    %broadcast_in_dim3A_658 = vector.broadcast %broadcast_in_dim3A_657 : f32 to vector<128x64xf32>
    %slice3A_659 = vector.extract_strided_slice %mul3A_656 {offsets = [0, 0], sizes = [128, 960], strides = [1, 1]} : vector<128x1024xf32> to vector<128x960xf32>
    %concatenate3A_660 = tpu.concatenate %broadcast_in_dim3A_658, %slice3A_659 in 1 : vector<128x64xf32>, vector<128x960xf32> -> vector<128x1024xf32>
    %mul3A_661 = arith.mulf %mul3A_656, %concatenate3A_660 : vector<128x1024xf32>
    %broadcast_in_dim3A_662 = arith.constant 1.000000e+00 : f32
    %broadcast_in_dim3A_663 = vector.broadcast %broadcast_in_dim3A_662 : f32 to vector<128x128xf32>
    %slice3A_664 = vector.extract_strided_slice %mul3A_661 {offsets = [0, 0], sizes = [128, 896], strides = [1, 1]} : vector<128x1024xf32> to vector<128x896xf32>
    %concatenate3A_665 = tpu.concatenate %broadcast_in_dim3A_663, %slice3A_664 in 1 : vector<128x128xf32>, vector<128x896xf32> -> vector<128x1024xf32>
    %mul3A_666 = arith.mulf %mul3A_661, %concatenate3A_665 : vector<128x1024xf32>
    %broadcast_in_dim3A_667 = arith.constant 1.000000e+00 : f32
    %broadcast_in_dim3A_668 = vector.broadcast %broadcast_in_dim3A_667 : f32 to vector<128x256xf32>
    %slice3A_669 = vector.extract_strided_slice %mul3A_666 {offsets = [0, 0], sizes = [128, 768], strides = [1, 1]} : vector<128x1024xf32> to vector<128x768xf32>
    %concatenate3A_670 = tpu.concatenate %broadcast_in_dim3A_668, %slice3A_669 in 1 : vector<128x256xf32>, vector<128x768xf32> -> vector<128x1024xf32>
    %mul3A_671 = arith.mulf %mul3A_666, %concatenate3A_670 : vector<128x1024xf32>
    %broadcast_in_dim3A_672 = arith.constant 1.000000e+00 : f32
    %broadcast_in_dim3A_673 = vector.broadcast %broadcast_in_dim3A_672 : f32 to vector<128x512xf32>
    %slice3A_674 = vector.extract_strided_slice %mul3A_671 {offsets = [0, 0], sizes = [128, 512], strides = [1, 1]} : vector<128x1024xf32> to vector<128x512xf32>
    %concatenate3A_675 = tpu.concatenate %broadcast_in_dim3A_673, %slice3A_674 in 1 : vector<128x512xf32>, vector<128x512xf32> -> vector<128x1024xf32>
    %mul3A_676 = arith.mulf %mul3A_671, %concatenate3A_675 : vector<128x1024xf32>
    %broadcast_in_dim3A_677 = arith.constant 1.000000e+00 : f32
    %broadcast_in_dim3A_678 = vector.broadcast %broadcast_in_dim3A_677 : f32 to vector<128x1xf32>
    %slice3A_679 = vector.extract_strided_slice %mul3A_676 {offsets = [0, 0], sizes = [128, 1023], strides = [1, 1]} : vector<128x1024xf32> to vector<128x1023xf32>
    %concatenate3A_680 = tpu.concatenate %broadcast_in_dim3A_678, %slice3A_679 in 1 : vector<128x1xf32>, vector<128x1023xf32> -> vector<128x1024xf32>
    %mul3A_681 = vector.broadcast %mul3A_558 : vector<128x1xf32> to vector<128x1024xf32>
    %mul3A_682 = arith.mulf %concatenate3A_680, %mul3A_681 : vector<128x1024xf32>
    %mul3A_683 = arith.mulf %min3A_620, %mul3A_682 : vector<128x1024xf32>
    %swap3A_684 = arith.constant 0 : index
    %swap3A_685 = arith.constant 3072 : index
    %swap3A_686 = vector.load %arg8[%swap3A_684, %swap3A_685] : memref<128x8192xf32, #tpu.memory_space<vmem>>, vector<128x1024xf32>
    tpu.vector_store %arg8[%swap3A_684, %swap3A_685], %mul3A_683 {strides = array<i32>} : memref<128x8192xf32, #tpu.memory_space<vmem>>, vector<128x1024xf32>,
    %convert_element_type3A_687 = arith.truncf %mul3A_683 : vector<128x1024xf32> to vector<128x1024xbf16>
    %convert_element_type3A_688 = arith.extf %convert_element_type3A_687 : vector<128x1024xbf16> to vector<128x1024xf32>
    %convert_element_type3A_689 = arith.truncf %get3A_579 : vector<1x1024xf32> to vector<1x1024xbf16>
    %convert_element_type3A_690 = arith.extf %convert_element_type3A_689 : vector<1x1024xbf16> to vector<1x1024xf32>
    %mul3A_691 = vector.broadcast %convert_element_type3A_690 : vector<1x1024xf32> to vector<128x1024xf32>
    %mul3A_692 = arith.mulf %convert_element_type3A_688, %mul3A_691 : vector<128x1024xf32>
    %reduce_sum3A_693 = arith.constant dense<0.000000e+00> : vector<128xf32>
    %reduce_sum3A_694 = vector.multi_reduction <add>, %mul3A_692, %reduce_sum3A_693 [1] : vector<128x1024xf32> to vector<128xf32>
    %broadcast_in_dim3A_695 = vector.shape_cast %reduce_sum3A_694 : vector<128xf32> to vector<128x1xf32>
    %add3A_696 = arith.addf %add3A_528, %broadcast_in_dim3A_695 : vector<128x1xf32>
    %convert_element_type3A_697 = arith.truncf %get3A_582 : vector<1x1024xf32> to vector<1x1024xbf16>
    %convert_element_type3A_698 = arith.extf %convert_element_type3A_697 : vector<1x1024xbf16> to vector<1x1024xf32>
    %mul3A_699 = vector.broadcast %convert_element_type3A_698 : vector<1x1024xf32> to vector<128x1024xf32>
    %mul3A_700 = arith.mulf %convert_element_type3A_688, %mul3A_699 : vector<128x1024xf32>
    %reduce_sum3A_701 = arith.constant dense<0.000000e+00> : vector<128xf32>
    %reduce_sum3A_702 = vector.multi_reduction <add>, %mul3A_700, %reduce_sum3A_701 [1] : vector<128x1024xf32> to vector<128xf32>
    %broadcast_in_dim3A_703 = vector.shape_cast %reduce_sum3A_702 : vector<128xf32> to vector<128x1xf32>
    %add3A_704 = arith.addf %add3A_536, %broadcast_in_dim3A_703 : vector<128x1xf32>
    %convert_element_type3A_705 = arith.truncf %get3A_585 : vector<1x1024xf32> to vector<1x1024xbf16>
    %convert_element_type3A_706 = arith.extf %convert_element_type3A_705 : vector<1x1024xbf16> to vector<1x1024xf32>
    %mul3A_707 = vector.broadcast %convert_element_type3A_706 : vector<1x1024xf32> to vector<128x1024xf32>
    %mul3A_708 = arith.mulf %convert_element_type3A_688, %mul3A_707 : vector<128x1024xf32>
    %reduce_sum3A_709 = arith.constant dense<0.000000e+00> : vector<128xf32>
    %reduce_sum3A_710 = vector.multi_reduction <add>, %mul3A_708, %reduce_sum3A_709 [1] : vector<128x1024xf32> to vector<128xf32>
    %broadcast_in_dim3A_711 = vector.shape_cast %reduce_sum3A_710 : vector<128xf32> to vector<128x1xf32>
    %add3A_712 = arith.addf %add3A_544, %broadcast_in_dim3A_711 : vector<128x1xf32>
    %convert_element_type3A_713 = arith.truncf %get3A_588 : vector<1x1024xf32> to vector<1x1024xbf16>
    %convert_element_type3A_714 = arith.extf %convert_element_type3A_713 : vector<1x1024xbf16> to vector<1x1024xf32>
    %mul3A_715 = vector.broadcast %convert_element_type3A_714 : vector<1x1024xf32> to vector<128x1024xf32>
    %mul3A_716 = arith.mulf %convert_element_type3A_688, %mul3A_715 : vector<128x1024xf32>
    %reduce_sum3A_717 = arith.constant dense<0.000000e+00> : vector<128xf32>
    %reduce_sum3A_718 = vector.multi_reduction <add>, %mul3A_716, %reduce_sum3A_717 [1] : vector<128x1024xf32> to vector<128xf32>
    %broadcast_in_dim3A_719 = vector.shape_cast %reduce_sum3A_718 : vector<128xf32> to vector<128x1xf32>
    %add3A_720 = arith.addf %add3A_552, %broadcast_in_dim3A_719 : vector<128x1xf32>
    %reduce_sum3A_721 = arith.constant dense<0.000000e+00> : vector<128xf32>
    %reduce_sum3A_722 = vector.multi_reduction <add>, %mul3A_683, %reduce_sum3A_721 [1] : vector<128x1024xf32> to vector<128xf32>
    %broadcast_in_dim3A_723 = vector.shape_cast %reduce_sum3A_722 : vector<128xf32> to vector<128x1xf32>
    %add3A_724 = arith.addf %add3A_556, %broadcast_in_dim3A_723 : vector<128x1xf32>
    %slice3A_725 = vector.extract_strided_slice %mul3A_676 {offsets = [0, 1023], sizes = [128, 1], strides = [1, 1]} : vector<128x1024xf32> to vector<128x1xf32>
    %mul3A_726 = arith.mulf %mul3A_558, %slice3A_725 : vector<128x1xf32>
    %get3A_727 = arith.constant 0 : index
    %get3A_728 = arith.constant 4096 : index
    %get3A_729 = vector.load %arg1[%get3A_727, %get3A_728] : memref<16x8192xf32, #tpu.memory_space<vmem>>, vector<1x1024xf32>
    %get3A_730 = arith.constant 1 : index
    %get3A_731 = arith.constant 4096 : index
    %get3A_732 = vector.load %arg1[%get3A_730, %get3A_731] : memref<16x8192xf32, #tpu.memory_space<vmem>>, vector<1x1024xf32>
    %get3A_733 = arith.constant 2 : index
    %get3A_734 = arith.constant 4096 : index
    %get3A_735 = vector.load %arg1[%get3A_733, %get3A_734] : memref<16x8192xf32, #tpu.memory_space<vmem>>, vector<1x1024xf32>
    %get3A_736 = arith.constant 3 : index
    %get3A_737 = arith.constant 4096 : index
    %get3A_738 = vector.load %arg1[%get3A_736, %get3A_737] : memref<16x8192xf32, #tpu.memory_space<vmem>>, vector<1x1024xf32>
    %get3A_739 = arith.constant 4 : index
    %get3A_740 = arith.constant 4096 : index
    %get3A_741 = vector.load %arg1[%get3A_739, %get3A_740] : memref<16x8192xf32, #tpu.memory_space<vmem>>, vector<1x1024xf32>
    %get3A_742 = arith.constant 5 : index
    %get3A_743 = arith.constant 4096 : index
    %get3A_744 = vector.load %arg1[%get3A_742, %get3A_743] : memref<16x8192xf32, #tpu.memory_space<vmem>>, vector<1x1024xf32>
    %get3A_745 = arith.constant 6 : index
    %get3A_746 = arith.constant 4096 : index
    %get3A_747 = vector.load %arg1[%get3A_745, %get3A_746] : memref<16x8192xf32, #tpu.memory_space<vmem>>, vector<1x1024xf32>
    %get3A_748 = arith.constant 7 : index
    %get3A_749 = arith.constant 4096 : index
    %get3A_750 = vector.load %arg1[%get3A_748, %get3A_749] : memref<16x8192xf32, #tpu.memory_space<vmem>>, vector<1x1024xf32>
    %get3A_751 = arith.constant 8 : index
    %get3A_752 = arith.constant 4096 : index
    %get3A_753 = vector.load %arg1[%get3A_751, %get3A_752] : memref<16x8192xf32, #tpu.memory_space<vmem>>, vector<1x1024xf32>
    %get3A_754 = arith.constant 9 : index
    %get3A_755 = arith.constant 4096 : index
    %get3A_756 = vector.load %arg1[%get3A_754, %get3A_755] : memref<16x8192xf32, #tpu.memory_space<vmem>>, vector<1x1024xf32>
    %sub3A_757 = vector.broadcast %add3A_19 : vector<128x1xf32> to vector<128x1024xf32>
    %sub3A_758 = vector.broadcast %get3A_729 : vector<1x1024xf32> to vector<128x1024xf32>
    %sub3A_759 = arith.subf %sub3A_757, %sub3A_758 : vector<128x1024xf32>
    %sub3A_760 = vector.broadcast %add3A_51 : vector<128x1xf32> to vector<128x1024xf32>
    %sub3A_761 = vector.broadcast %get3A_732 : vector<1x1024xf32> to vector<128x1024xf32>
    %sub3A_762 = arith.subf %sub3A_760, %sub3A_761 : vector<128x1024xf32>
    %mul3A_763 = vector.broadcast %get3A_735 : vector<1x1024xf32> to vector<128x1024xf32>
    %mul3A_764 = arith.mulf %mul3A_763, %sub3A_759 : vector<128x1024xf32>
    %mul3A_765 = arith.mulf %mul3A_764, %sub3A_759 : vector<128x1024xf32>
    %mul3A_766 = vector.broadcast %get3A_741 : vector<1x1024xf32> to vector<128x1024xf32>
    %mul3A_767 = arith.mulf %mul3A_766, %sub3A_762 : vector<128x1024xf32>
    %mul3A_768 = arith.mulf %mul3A_767, %sub3A_762 : vector<128x1024xf32>
    %add3A_769 = arith.addf %mul3A_765, %mul3A_768 : vector<128x1024xf32>
    %mul3A_770 = arith.constant -5.000000e-01 : f32
    %mul3A_771 = vector.broadcast %mul3A_770 : f32 to vector<128x1024xf32>
    %mul3A_772 = arith.mulf %mul3A_771, %add3A_769 : vector<128x1024xf32>
    %mul3A_773 = vector.broadcast %get3A_738 : vector<1x1024xf32> to vector<128x1024xf32>
    %mul3A_774 = arith.mulf %mul3A_773, %sub3A_759 : vector<128x1024xf32>
    %mul3A_775 = arith.mulf %mul3A_774, %sub3A_762 : vector<128x1024xf32>
    %sub3A_776 = arith.subf %mul3A_772, %mul3A_775 : vector<128x1024xf32>
    %gt3A_777 = arith.constant 0.000000e+00 : f32
    %gt3A_778 = vector.broadcast %gt3A_777 : f32 to vector<128x1024xf32>
    %gt3A_779 = arith.cmpf ogt, %sub3A_776, %gt3A_778 : vector<128x1024xf32>
    %exp3A_780 = math.exp %sub3A_776 : vector<128x1024xf32>
    %mul3A_781 = vector.broadcast %get3A_744 : vector<1x1024xf32> to vector<128x1024xf32>
    %mul3A_782 = arith.mulf %mul3A_781, %exp3A_780 : vector<128x1024xf32>
    %jit3A_783 = arith.constant 0.000000e+00 : f32
    %broadcast_in_dim3A_784 = vector.broadcast %jit3A_783 : f32 to vector<128x1024xf32>
    %select_n3A_785 = arith.select %gt3A_779, %broadcast_in_dim3A_784, %mul3A_782 : vector<128x1024xi1>, vector<128x1024xf32>
    %min3A_786 = arith.constant 9.900000e-01 : f32
    %min3A_787 = vector.broadcast %min3A_786 : f32 to vector<128x1024xf32>
    %min3A_788 = arith.minimumf %select_n3A_785, %min3A_787 : vector<128x1024xf32>
    %sub3A_789 = arith.constant 1.000000e+00 : f32
    %sub3A_790 = vector.broadcast %sub3A_789 : f32 to vector<128x1024xf32>
    %sub3A_791 = arith.subf %sub3A_790, %min3A_788 : vector<128x1024xf32>
    %add3A_792 = arith.constant 1.000000e-10 : f32
    %add3A_793 = vector.broadcast %add3A_792 : f32 to vector<128x1024xf32>
    %add3A_794 = arith.addf %sub3A_791, %add3A_793 : vector<128x1024xf32>
    %broadcast_in_dim3A_795 = arith.constant 1.000000e+00 : f32
    %broadcast_in_dim3A_796 = vector.broadcast %broadcast_in_dim3A_795 : f32 to vector<128x1xf32>
    %slice3A_797 = vector.extract_strided_slice %add3A_794 {offsets = [0, 0], sizes = [128, 1023], strides = [1, 1]} : vector<128x1024xf32> to vector<128x1023xf32>
    %concatenate3A_798 = tpu.concatenate %broadcast_in_dim3A_796, %slice3A_797 in 1 : vector<128x1xf32>, vector<128x1023xf32> -> vector<128x1024xf32>
    %mul3A_799 = arith.mulf %add3A_794, %concatenate3A_798 : vector<128x1024xf32>
    %broadcast_in_dim3A_800 = arith.constant 1.000000e+00 : f32
    %broadcast_in_dim3A_801 = vector.broadcast %broadcast_in_dim3A_800 : f32 to vector<128x2xf32>
    %slice3A_802 = vector.extract_strided_slice %mul3A_799 {offsets = [0, 0], sizes = [128, 1022], strides = [1, 1]} : vector<128x1024xf32> to vector<128x1022xf32>
    %concatenate3A_803 = tpu.concatenate %broadcast_in_dim3A_801, %slice3A_802 in 1 : vector<128x2xf32>, vector<128x1022xf32> -> vector<128x1024xf32>
    %mul3A_804 = arith.mulf %mul3A_799, %concatenate3A_803 : vector<128x1024xf32>
    %broadcast_in_dim3A_805 = arith.constant 1.000000e+00 : f32
    %broadcast_in_dim3A_806 = vector.broadcast %broadcast_in_dim3A_805 : f32 to vector<128x4xf32>
    %slice3A_807 = vector.extract_strided_slice %mul3A_804 {offsets = [0, 0], sizes = [128, 1020], strides = [1, 1]} : vector<128x1024xf32> to vector<128x1020xf32>
    %concatenate3A_808 = tpu.concatenate %broadcast_in_dim3A_806, %slice3A_807 in 1 : vector<128x4xf32>, vector<128x1020xf32> -> vector<128x1024xf32>
    %mul3A_809 = arith.mulf %mul3A_804, %concatenate3A_808 : vector<128x1024xf32>
    %broadcast_in_dim3A_810 = arith.constant 1.000000e+00 : f32
    %broadcast_in_dim3A_811 = vector.broadcast %broadcast_in_dim3A_810 : f32 to vector<128x8xf32>
    %slice3A_812 = vector.extract_strided_slice %mul3A_809 {offsets = [0, 0], sizes = [128, 1016], strides = [1, 1]} : vector<128x1024xf32> to vector<128x1016xf32>
    %concatenate3A_813 = tpu.concatenate %broadcast_in_dim3A_811, %slice3A_812 in 1 : vector<128x8xf32>, vector<128x1016xf32> -> vector<128x1024xf32>
    %mul3A_814 = arith.mulf %mul3A_809, %concatenate3A_813 : vector<128x1024xf32>
    %broadcast_in_dim3A_815 = arith.constant 1.000000e+00 : f32
    %broadcast_in_dim3A_816 = vector.broadcast %broadcast_in_dim3A_815 : f32 to vector<128x16xf32>
    %slice3A_817 = vector.extract_strided_slice %mul3A_814 {offsets = [0, 0], sizes = [128, 1008], strides = [1, 1]} : vector<128x1024xf32> to vector<128x1008xf32>
    %concatenate3A_818 = tpu.concatenate %broadcast_in_dim3A_816, %slice3A_817 in 1 : vector<128x16xf32>, vector<128x1008xf32> -> vector<128x1024xf32>
    %mul3A_819 = arith.mulf %mul3A_814, %concatenate3A_818 : vector<128x1024xf32>
    %broadcast_in_dim3A_820 = arith.constant 1.000000e+00 : f32
    %broadcast_in_dim3A_821 = vector.broadcast %broadcast_in_dim3A_820 : f32 to vector<128x32xf32>
    %slice3A_822 = vector.extract_strided_slice %mul3A_819 {offsets = [0, 0], sizes = [128, 992], strides = [1, 1]} : vector<128x1024xf32> to vector<128x992xf32>
    %concatenate3A_823 = tpu.concatenate %broadcast_in_dim3A_821, %slice3A_822 in 1 : vector<128x32xf32>, vector<128x992xf32> -> vector<128x1024xf32>
    %mul3A_824 = arith.mulf %mul3A_819, %concatenate3A_823 : vector<128x1024xf32>
    %broadcast_in_dim3A_825 = arith.constant 1.000000e+00 : f32
    %broadcast_in_dim3A_826 = vector.broadcast %broadcast_in_dim3A_825 : f32 to vector<128x64xf32>
    %slice3A_827 = vector.extract_strided_slice %mul3A_824 {offsets = [0, 0], sizes = [128, 960], strides = [1, 1]} : vector<128x1024xf32> to vector<128x960xf32>
    %concatenate3A_828 = tpu.concatenate %broadcast_in_dim3A_826, %slice3A_827 in 1 : vector<128x64xf32>, vector<128x960xf32> -> vector<128x1024xf32>
    %mul3A_829 = arith.mulf %mul3A_824, %concatenate3A_828 : vector<128x1024xf32>
    %broadcast_in_dim3A_830 = arith.constant 1.000000e+00 : f32
    %broadcast_in_dim3A_831 = vector.broadcast %broadcast_in_dim3A_830 : f32 to vector<128x128xf32>
    %slice3A_832 = vector.extract_strided_slice %mul3A_829 {offsets = [0, 0], sizes = [128, 896], strides = [1, 1]} : vector<128x1024xf32> to vector<128x896xf32>
    %concatenate3A_833 = tpu.concatenate %broadcast_in_dim3A_831, %slice3A_832 in 1 : vector<128x128xf32>, vector<128x896xf32> -> vector<128x1024xf32>
    %mul3A_834 = arith.mulf %mul3A_829, %concatenate3A_833 : vector<128x1024xf32>
    %broadcast_in_dim3A_835 = arith.constant 1.000000e+00 : f32
    %broadcast_in_dim3A_836 = vector.broadcast %broadcast_in_dim3A_835 : f32 to vector<128x256xf32>
    %slice3A_837 = vector.extract_strided_slice %mul3A_834 {offsets = [0, 0], sizes = [128, 768], strides = [1, 1]} : vector<128x1024xf32> to vector<128x768xf32>
    %concatenate3A_838 = tpu.concatenate %broadcast_in_dim3A_836, %slice3A_837 in 1 : vector<128x256xf32>, vector<128x768xf32> -> vector<128x1024xf32>
    %mul3A_839 = arith.mulf %mul3A_834, %concatenate3A_838 : vector<128x1024xf32>
    %broadcast_in_dim3A_840 = arith.constant 1.000000e+00 : f32
    %broadcast_in_dim3A_841 = vector.broadcast %broadcast_in_dim3A_840 : f32 to vector<128x512xf32>
    %slice3A_842 = vector.extract_strided_slice %mul3A_839 {offsets = [0, 0], sizes = [128, 512], strides = [1, 1]} : vector<128x1024xf32> to vector<128x512xf32>
    %concatenate3A_843 = tpu.concatenate %broadcast_in_dim3A_841, %slice3A_842 in 1 : vector<128x512xf32>, vector<128x512xf32> -> vector<128x1024xf32>
    %mul3A_844 = arith.mulf %mul3A_839, %concatenate3A_843 : vector<128x1024xf32>
    %broadcast_in_dim3A_845 = arith.constant 1.000000e+00 : f32
    %broadcast_in_dim3A_846 = vector.broadcast %broadcast_in_dim3A_845 : f32 to vector<128x1xf32>
    %slice3A_847 = vector.extract_strided_slice %mul3A_844 {offsets = [0, 0], sizes = [128, 1023], strides = [1, 1]} : vector<128x1024xf32> to vector<128x1023xf32>
    %concatenate3A_848 = tpu.concatenate %broadcast_in_dim3A_846, %slice3A_847 in 1 : vector<128x1xf32>, vector<128x1023xf32> -> vector<128x1024xf32>
    %mul3A_849 = vector.broadcast %mul3A_726 : vector<128x1xf32> to vector<128x1024xf32>
    %mul3A_850 = arith.mulf %concatenate3A_848, %mul3A_849 : vector<128x1024xf32>
    %mul3A_851 = arith.mulf %min3A_788, %mul3A_850 : vector<128x1024xf32>
    %swap3A_852 = arith.constant 0 : index
    %swap3A_853 = arith.constant 4096 : index
    %swap3A_854 = vector.load %arg8[%swap3A_852, %swap3A_853] : memref<128x8192xf32, #tpu.memory_space<vmem>>, vector<128x1024xf32>
    tpu.vector_store %arg8[%swap3A_852, %swap3A_853], %mul3A_851 {strides = array<i32>} : memref<128x8192xf32, #tpu.memory_space<vmem>>, vector<128x1024xf32>,
    %convert_element_type3A_855 = arith.truncf %mul3A_851 : vector<128x1024xf32> to vector<128x1024xbf16>
    %convert_element_type3A_856 = arith.extf %convert_element_type3A_855 : vector<128x1024xbf16> to vector<128x1024xf32>
    %convert_element_type3A_857 = arith.truncf %get3A_747 : vector<1x1024xf32> to vector<1x1024xbf16>
    %convert_element_type3A_858 = arith.extf %convert_element_type3A_857 : vector<1x1024xbf16> to vector<1x1024xf32>
    %mul3A_859 = vector.broadcast %convert_element_type3A_858 : vector<1x1024xf32> to vector<128x1024xf32>
    %mul3A_860 = arith.mulf %convert_element_type3A_856, %mul3A_859 : vector<128x1024xf32>
    %reduce_sum3A_861 = arith.constant dense<0.000000e+00> : vector<128xf32>
    %reduce_sum3A_862 = vector.multi_reduction <add>, %mul3A_860, %reduce_sum3A_861 [1] : vector<128x1024xf32> to vector<128xf32>
    %broadcast_in_dim3A_863 = vector.shape_cast %reduce_sum3A_862 : vector<128xf32> to vector<128x1xf32>
    %add3A_864 = arith.addf %add3A_696, %broadcast_in_dim3A_863 : vector<128x1xf32>
    %convert_element_type3A_865 = arith.truncf %get3A_750 : vector<1x1024xf32> to vector<1x1024xbf16>
    %convert_element_type3A_866 = arith.extf %convert_element_type3A_865 : vector<1x1024xbf16> to vector<1x1024xf32>
    %mul3A_867 = vector.broadcast %convert_element_type3A_866 : vector<1x1024xf32> to vector<128x1024xf32>
    %mul3A_868 = arith.mulf %convert_element_type3A_856, %mul3A_867 : vector<128x1024xf32>
    %reduce_sum3A_869 = arith.constant dense<0.000000e+00> : vector<128xf32>
    %reduce_sum3A_870 = vector.multi_reduction <add>, %mul3A_868, %reduce_sum3A_869 [1] : vector<128x1024xf32> to vector<128xf32>
    %broadcast_in_dim3A_871 = vector.shape_cast %reduce_sum3A_870 : vector<128xf32> to vector<128x1xf32>
    %add3A_872 = arith.addf %add3A_704, %broadcast_in_dim3A_871 : vector<128x1xf32>
    %convert_element_type3A_873 = arith.truncf %get3A_753 : vector<1x1024xf32> to vector<1x1024xbf16>
    %convert_element_type3A_874 = arith.extf %convert_element_type3A_873 : vector<1x1024xbf16> to vector<1x1024xf32>
    %mul3A_875 = vector.broadcast %convert_element_type3A_874 : vector<1x1024xf32> to vector<128x1024xf32>
    %mul3A_876 = arith.mulf %convert_element_type3A_856, %mul3A_875 : vector<128x1024xf32>
    %reduce_sum3A_877 = arith.constant dense<0.000000e+00> : vector<128xf32>
    %reduce_sum3A_878 = vector.multi_reduction <add>, %mul3A_876, %reduce_sum3A_877 [1] : vector<128x1024xf32> to vector<128xf32>
    %broadcast_in_dim3A_879 = vector.shape_cast %reduce_sum3A_878 : vector<128xf32> to vector<128x1xf32>
    %add3A_880 = arith.addf %add3A_712, %broadcast_in_dim3A_879 : vector<128x1xf32>
    %convert_element_type3A_881 = arith.truncf %get3A_756 : vector<1x1024xf32> to vector<1x1024xbf16>
    %convert_element_type3A_882 = arith.extf %convert_element_type3A_881 : vector<1x1024xbf16> to vector<1x1024xf32>
    %mul3A_883 = vector.broadcast %convert_element_type3A_882 : vector<1x1024xf32> to vector<128x1024xf32>
    %mul3A_884 = arith.mulf %convert_element_type3A_856, %mul3A_883 : vector<128x1024xf32>
    %reduce_sum3A_885 = arith.constant dense<0.000000e+00> : vector<128xf32>
    %reduce_sum3A_886 = vector.multi_reduction <add>, %mul3A_884, %reduce_sum3A_885 [1] : vector<128x1024xf32> to vector<128xf32>
    %broadcast_in_dim3A_887 = vector.shape_cast %reduce_sum3A_886 : vector<128xf32> to vector<128x1xf32>
    %add3A_888 = arith.addf %add3A_720, %broadcast_in_dim3A_887 : vector<128x1xf32>
    %reduce_sum3A_889 = arith.constant dense<0.000000e+00> : vector<128xf32>
    %reduce_sum3A_890 = vector.multi_reduction <add>, %mul3A_851, %reduce_sum3A_889 [1] : vector<128x1024xf32> to vector<128xf32>
    %broadcast_in_dim3A_891 = vector.shape_cast %reduce_sum3A_890 : vector<128xf32> to vector<128x1xf32>
    %add3A_892 = arith.addf %add3A_724, %broadcast_in_dim3A_891 : vector<128x1xf32>
    %slice3A_893 = vector.extract_strided_slice %mul3A_844 {offsets = [0, 1023], sizes = [128, 1], strides = [1, 1]} : vector<128x1024xf32> to vector<128x1xf32>
    %mul3A_894 = arith.mulf %mul3A_726, %slice3A_893 : vector<128x1xf32>
    %get3A_895 = arith.constant 0 : index
    %get3A_896 = arith.constant 5120 : index
    %get3A_897 = vector.load %arg1[%get3A_895, %get3A_896] : memref<16x8192xf32, #tpu.memory_space<vmem>>, vector<1x1024xf32>
    %get3A_898 = arith.constant 1 : index
    %get3A_899 = arith.constant 5120 : index
    %get3A_900 = vector.load %arg1[%get3A_898, %get3A_899] : memref<16x8192xf32, #tpu.memory_space<vmem>>, vector<1x1024xf32>
    %get3A_901 = arith.constant 2 : index
    %get3A_902 = arith.constant 5120 : index
    %get3A_903 = vector.load %arg1[%get3A_901, %get3A_902] : memref<16x8192xf32, #tpu.memory_space<vmem>>, vector<1x1024xf32>
    %get3A_904 = arith.constant 3 : index
    %get3A_905 = arith.constant 5120 : index
    %get3A_906 = vector.load %arg1[%get3A_904, %get3A_905] : memref<16x8192xf32, #tpu.memory_space<vmem>>, vector<1x1024xf32>
    %get3A_907 = arith.constant 4 : index
    %get3A_908 = arith.constant 5120 : index
    %get3A_909 = vector.load %arg1[%get3A_907, %get3A_908] : memref<16x8192xf32, #tpu.memory_space<vmem>>, vector<1x1024xf32>
    %get3A_910 = arith.constant 5 : index
    %get3A_911 = arith.constant 5120 : index
    %get3A_912 = vector.load %arg1[%get3A_910, %get3A_911] : memref<16x8192xf32, #tpu.memory_space<vmem>>, vector<1x1024xf32>
    %get3A_913 = arith.constant 6 : index
    %get3A_914 = arith.constant 5120 : index
    %get3A_915 = vector.load %arg1[%get3A_913, %get3A_914] : memref<16x8192xf32, #tpu.memory_space<vmem>>, vector<1x1024xf32>
    %get3A_916 = arith.constant 7 : index
    %get3A_917 = arith.constant 5120 : index
    %get3A_918 = vector.load %arg1[%get3A_916, %get3A_917] : memref<16x8192xf32, #tpu.memory_space<vmem>>, vector<1x1024xf32>
    %get3A_919 = arith.constant 8 : index
    %get3A_920 = arith.constant 5120 : index
    %get3A_921 = vector.load %arg1[%get3A_919, %get3A_920] : memref<16x8192xf32, #tpu.memory_space<vmem>>, vector<1x1024xf32>
    %get3A_922 = arith.constant 9 : index
    %get3A_923 = arith.constant 5120 : index
    %get3A_924 = vector.load %arg1[%get3A_922, %get3A_923] : memref<16x8192xf32, #tpu.memory_space<vmem>>, vector<1x1024xf32>
    %sub3A_925 = vector.broadcast %add3A_19 : vector<128x1xf32> to vector<128x1024xf32>
    %sub3A_926 = vector.broadcast %get3A_897 : vector<1x1024xf32> to vector<128x1024xf32>
    %sub3A_927 = arith.subf %sub3A_925, %sub3A_926 : vector<128x1024xf32>
    %sub3A_928 = vector.broadcast %add3A_51 : vector<128x1xf32> to vector<128x1024xf32>
    %sub3A_929 = vector.broadcast %get3A_900 : vector<1x1024xf32> to vector<128x1024xf32>
    %sub3A_930 = arith.subf %sub3A_928, %sub3A_929 : vector<128x1024xf32>
    %mul3A_931 = vector.broadcast %get3A_903 : vector<1x1024xf32> to vector<128x1024xf32>
    %mul3A_932 = arith.mulf %mul3A_931, %sub3A_927 : vector<128x1024xf32>
    %mul3A_933 = arith.mulf %mul3A_932, %sub3A_927 : vector<128x1024xf32>
    %mul3A_934 = vector.broadcast %get3A_909 : vector<1x1024xf32> to vector<128x1024xf32>
    %mul3A_935 = arith.mulf %mul3A_934, %sub3A_930 : vector<128x1024xf32>
    %mul3A_936 = arith.mulf %mul3A_935, %sub3A_930 : vector<128x1024xf32>
    %add3A_937 = arith.addf %mul3A_933, %mul3A_936 : vector<128x1024xf32>
    %mul3A_938 = arith.constant -5.000000e-01 : f32
    %mul3A_939 = vector.broadcast %mul3A_938 : f32 to vector<128x1024xf32>
    %mul3A_940 = arith.mulf %mul3A_939, %add3A_937 : vector<128x1024xf32>
    %mul3A_941 = vector.broadcast %get3A_906 : vector<1x1024xf32> to vector<128x1024xf32>
    %mul3A_942 = arith.mulf %mul3A_941, %sub3A_927 : vector<128x1024xf32>
    %mul3A_943 = arith.mulf %mul3A_942, %sub3A_930 : vector<128x1024xf32>
    %sub3A_944 = arith.subf %mul3A_940, %mul3A_943 : vector<128x1024xf32>
    %gt3A_945 = arith.constant 0.000000e+00 : f32
    %gt3A_946 = vector.broadcast %gt3A_945 : f32 to vector<128x1024xf32>
    %gt3A_947 = arith.cmpf ogt, %sub3A_944, %gt3A_946 : vector<128x1024xf32>
    %exp3A_948 = math.exp %sub3A_944 : vector<128x1024xf32>
    %mul3A_949 = vector.broadcast %get3A_912 : vector<1x1024xf32> to vector<128x1024xf32>
    %mul3A_950 = arith.mulf %mul3A_949, %exp3A_948 : vector<128x1024xf32>
    %jit3A_951 = arith.constant 0.000000e+00 : f32
    %broadcast_in_dim3A_952 = vector.broadcast %jit3A_951 : f32 to vector<128x1024xf32>
    %select_n3A_953 = arith.select %gt3A_947, %broadcast_in_dim3A_952, %mul3A_950 : vector<128x1024xi1>, vector<128x1024xf32>
    %min3A_954 = arith.constant 9.900000e-01 : f32
    %min3A_955 = vector.broadcast %min3A_954 : f32 to vector<128x1024xf32>
    %min3A_956 = arith.minimumf %select_n3A_953, %min3A_955 : vector<128x1024xf32>
    %sub3A_957 = arith.constant 1.000000e+00 : f32
    %sub3A_958 = vector.broadcast %sub3A_957 : f32 to vector<128x1024xf32>
    %sub3A_959 = arith.subf %sub3A_958, %min3A_956 : vector<128x1024xf32>
    %add3A_960 = arith.constant 1.000000e-10 : f32
    %add3A_961 = vector.broadcast %add3A_960 : f32 to vector<128x1024xf32>
    %add3A_962 = arith.addf %sub3A_959, %add3A_961 : vector<128x1024xf32>
    %broadcast_in_dim3A_963 = arith.constant 1.000000e+00 : f32
    %broadcast_in_dim3A_964 = vector.broadcast %broadcast_in_dim3A_963 : f32 to vector<128x1xf32>
    %slice3A_965 = vector.extract_strided_slice %add3A_962 {offsets = [0, 0], sizes = [128, 1023], strides = [1, 1]} : vector<128x1024xf32> to vector<128x1023xf32>
    %concatenate3A_966 = tpu.concatenate %broadcast_in_dim3A_964, %slice3A_965 in 1 : vector<128x1xf32>, vector<128x1023xf32> -> vector<128x1024xf32>
    %mul3A_967 = arith.mulf %add3A_962, %concatenate3A_966 : vector<128x1024xf32>
    %broadcast_in_dim3A_968 = arith.constant 1.000000e+00 : f32
    %broadcast_in_dim3A_969 = vector.broadcast %broadcast_in_dim3A_968 : f32 to vector<128x2xf32>
    %slice3A_970 = vector.extract_strided_slice %mul3A_967 {offsets = [0, 0], sizes = [128, 1022], strides = [1, 1]} : vector<128x1024xf32> to vector<128x1022xf32>
    %concatenate3A_971 = tpu.concatenate %broadcast_in_dim3A_969, %slice3A_970 in 1 : vector<128x2xf32>, vector<128x1022xf32> -> vector<128x1024xf32>
    %mul3A_972 = arith.mulf %mul3A_967, %concatenate3A_971 : vector<128x1024xf32>
    %broadcast_in_dim3A_973 = arith.constant 1.000000e+00 : f32
    %broadcast_in_dim3A_974 = vector.broadcast %broadcast_in_dim3A_973 : f32 to vector<128x4xf32>
    %slice3A_975 = vector.extract_strided_slice %mul3A_972 {offsets = [0, 0], sizes = [128, 1020], strides = [1, 1]} : vector<128x1024xf32> to vector<128x1020xf32>
    %concatenate3A_976 = tpu.concatenate %broadcast_in_dim3A_974, %slice3A_975 in 1 : vector<128x4xf32>, vector<128x1020xf32> -> vector<128x1024xf32>
    %mul3A_977 = arith.mulf %mul3A_972, %concatenate3A_976 : vector<128x1024xf32>
    %broadcast_in_dim3A_978 = arith.constant 1.000000e+00 : f32
    %broadcast_in_dim3A_979 = vector.broadcast %broadcast_in_dim3A_978 : f32 to vector<128x8xf32>
    %slice3A_980 = vector.extract_strided_slice %mul3A_977 {offsets = [0, 0], sizes = [128, 1016], strides = [1, 1]} : vector<128x1024xf32> to vector<128x1016xf32>
    %concatenate3A_981 = tpu.concatenate %broadcast_in_dim3A_979, %slice3A_980 in 1 : vector<128x8xf32>, vector<128x1016xf32> -> vector<128x1024xf32>
    %mul3A_982 = arith.mulf %mul3A_977, %concatenate3A_981 : vector<128x1024xf32>
    %broadcast_in_dim3A_983 = arith.constant 1.000000e+00 : f32
    %broadcast_in_dim3A_984 = vector.broadcast %broadcast_in_dim3A_983 : f32 to vector<128x16xf32>
    %slice3A_985 = vector.extract_strided_slice %mul3A_982 {offsets = [0, 0], sizes = [128, 1008], strides = [1, 1]} : vector<128x1024xf32> to vector<128x1008xf32>
    %concatenate3A_986 = tpu.concatenate %broadcast_in_dim3A_984, %slice3A_985 in 1 : vector<128x16xf32>, vector<128x1008xf32> -> vector<128x1024xf32>
    %mul3A_987 = arith.mulf %mul3A_982, %concatenate3A_986 : vector<128x1024xf32>
    %broadcast_in_dim3A_988 = arith.constant 1.000000e+00 : f32
    %broadcast_in_dim3A_989 = vector.broadcast %broadcast_in_dim3A_988 : f32 to vector<128x32xf32>
    %slice3A_990 = vector.extract_strided_slice %mul3A_987 {offsets = [0, 0], sizes = [128, 992], strides = [1, 1]} : vector<128x1024xf32> to vector<128x992xf32>
    %concatenate3A_991 = tpu.concatenate %broadcast_in_dim3A_989, %slice3A_990 in 1 : vector<128x32xf32>, vector<128x992xf32> -> vector<128x1024xf32>
    %mul3A_992 = arith.mulf %mul3A_987, %concatenate3A_991 : vector<128x1024xf32>
    %broadcast_in_dim3A_993 = arith.constant 1.000000e+00 : f32
    %broadcast_in_dim3A_994 = vector.broadcast %broadcast_in_dim3A_993 : f32 to vector<128x64xf32>
    %slice3A_995 = vector.extract_strided_slice %mul3A_992 {offsets = [0, 0], sizes = [128, 960], strides = [1, 1]} : vector<128x1024xf32> to vector<128x960xf32>
    %concatenate3A_996 = tpu.concatenate %broadcast_in_dim3A_994, %slice3A_995 in 1 : vector<128x64xf32>, vector<128x960xf32> -> vector<128x1024xf32>
    %mul3A_997 = arith.mulf %mul3A_992, %concatenate3A_996 : vector<128x1024xf32>
    %broadcast_in_dim3A_998 = arith.constant 1.000000e+00 : f32
    %broadcast_in_dim3A_999 = vector.broadcast %broadcast_in_dim3A_998 : f32 to vector<128x128xf32>
    %slice3A_1000 = vector.extract_strided_slice %mul3A_997 {offsets = [0, 0], sizes = [128, 896], strides = [1, 1]} : vector<128x1024xf32> to vector<128x896xf32>
    %concatenate3A_1001 = tpu.concatenate %broadcast_in_dim3A_999, %slice3A_1000 in 1 : vector<128x128xf32>, vector<128x896xf32> -> vector<128x1024xf32>
    %mul3A_1002 = arith.mulf %mul3A_997, %concatenate3A_1001 : vector<128x1024xf32>
    %broadcast_in_dim3A_1003 = arith.constant 1.000000e+00 : f32
    %broadcast_in_dim3A_1004 = vector.broadcast %broadcast_in_dim3A_1003 : f32 to vector<128x256xf32>
    %slice3A_1005 = vector.extract_strided_slice %mul3A_1002 {offsets = [0, 0], sizes = [128, 768], strides = [1, 1]} : vector<128x1024xf32> to vector<128x768xf32>
    %concatenate3A_1006 = tpu.concatenate %broadcast_in_dim3A_1004, %slice3A_1005 in 1 : vector<128x256xf32>, vector<128x768xf32> -> vector<128x1024xf32>
    %mul3A_1007 = arith.mulf %mul3A_1002, %concatenate3A_1006 : vector<128x1024xf32>
    %broadcast_in_dim3A_1008 = arith.constant 1.000000e+00 : f32
    %broadcast_in_dim3A_1009 = vector.broadcast %broadcast_in_dim3A_1008 : f32 to vector<128x512xf32>
    %slice3A_1010 = vector.extract_strided_slice %mul3A_1007 {offsets = [0, 0], sizes = [128, 512], strides = [1, 1]} : vector<128x1024xf32> to vector<128x512xf32>
    %concatenate3A_1011 = tpu.concatenate %broadcast_in_dim3A_1009, %slice3A_1010 in 1 : vector<128x512xf32>, vector<128x512xf32> -> vector<128x1024xf32>
    %mul3A_1012 = arith.mulf %mul3A_1007, %concatenate3A_1011 : vector<128x1024xf32>
    %broadcast_in_dim3A_1013 = arith.constant 1.000000e+00 : f32
    %broadcast_in_dim3A_1014 = vector.broadcast %broadcast_in_dim3A_1013 : f32 to vector<128x1xf32>
    %slice3A_1015 = vector.extract_strided_slice %mul3A_1012 {offsets = [0, 0], sizes = [128, 1023], strides = [1, 1]} : vector<128x1024xf32> to vector<128x1023xf32>
    %concatenate3A_1016 = tpu.concatenate %broadcast_in_dim3A_1014, %slice3A_1015 in 1 : vector<128x1xf32>, vector<128x1023xf32> -> vector<128x1024xf32>
    %mul3A_1017 = vector.broadcast %mul3A_894 : vector<128x1xf32> to vector<128x1024xf32>
    %mul3A_1018 = arith.mulf %concatenate3A_1016, %mul3A_1017 : vector<128x1024xf32>
    %mul3A_1019 = arith.mulf %min3A_956, %mul3A_1018 : vector<128x1024xf32>
    %swap3A_1020 = arith.constant 0 : index
    %swap3A_1021 = arith.constant 5120 : index
    %swap3A_1022 = vector.load %arg8[%swap3A_1020, %swap3A_1021] : memref<128x8192xf32, #tpu.memory_space<vmem>>, vector<128x1024xf32>
    tpu.vector_store %arg8[%swap3A_1020, %swap3A_1021], %mul3A_1019 {strides = array<i32>} : memref<128x8192xf32, #tpu.memory_space<vmem>>, vector<128x1024xf32>,
    %convert_element_type3A_1023 = arith.truncf %mul3A_1019 : vector<128x1024xf32> to vector<128x1024xbf16>
    %convert_element_type3A_1024 = arith.extf %convert_element_type3A_1023 : vector<128x1024xbf16> to vector<128x1024xf32>
    %convert_element_type3A_1025 = arith.truncf %get3A_915 : vector<1x1024xf32> to vector<1x1024xbf16>
    %convert_element_type3A_1026 = arith.extf %convert_element_type3A_1025 : vector<1x1024xbf16> to vector<1x1024xf32>
    %mul3A_1027 = vector.broadcast %convert_element_type3A_1026 : vector<1x1024xf32> to vector<128x1024xf32>
    %mul3A_1028 = arith.mulf %convert_element_type3A_1024, %mul3A_1027 : vector<128x1024xf32>
    %reduce_sum3A_1029 = arith.constant dense<0.000000e+00> : vector<128xf32>
    %reduce_sum3A_1030 = vector.multi_reduction <add>, %mul3A_1028, %reduce_sum3A_1029 [1] : vector<128x1024xf32> to vector<128xf32>
    %broadcast_in_dim3A_1031 = vector.shape_cast %reduce_sum3A_1030 : vector<128xf32> to vector<128x1xf32>
    %add3A_1032 = arith.addf %add3A_864, %broadcast_in_dim3A_1031 : vector<128x1xf32>
    %convert_element_type3A_1033 = arith.truncf %get3A_918 : vector<1x1024xf32> to vector<1x1024xbf16>
    %convert_element_type3A_1034 = arith.extf %convert_element_type3A_1033 : vector<1x1024xbf16> to vector<1x1024xf32>
    %mul3A_1035 = vector.broadcast %convert_element_type3A_1034 : vector<1x1024xf32> to vector<128x1024xf32>
    %mul3A_1036 = arith.mulf %convert_element_type3A_1024, %mul3A_1035 : vector<128x1024xf32>
    %reduce_sum3A_1037 = arith.constant dense<0.000000e+00> : vector<128xf32>
    %reduce_sum3A_1038 = vector.multi_reduction <add>, %mul3A_1036, %reduce_sum3A_1037 [1] : vector<128x1024xf32> to vector<128xf32>
    %broadcast_in_dim3A_1039 = vector.shape_cast %reduce_sum3A_1038 : vector<128xf32> to vector<128x1xf32>
    %add3A_1040 = arith.addf %add3A_872, %broadcast_in_dim3A_1039 : vector<128x1xf32>
    %convert_element_type3A_1041 = arith.truncf %get3A_921 : vector<1x1024xf32> to vector<1x1024xbf16>
    %convert_element_type3A_1042 = arith.extf %convert_element_type3A_1041 : vector<1x1024xbf16> to vector<1x1024xf32>
    %mul3A_1043 = vector.broadcast %convert_element_type3A_1042 : vector<1x1024xf32> to vector<128x1024xf32>
    %mul3A_1044 = arith.mulf %convert_element_type3A_1024, %mul3A_1043 : vector<128x1024xf32>
    %reduce_sum3A_1045 = arith.constant dense<0.000000e+00> : vector<128xf32>
    %reduce_sum3A_1046 = vector.multi_reduction <add>, %mul3A_1044, %reduce_sum3A_1045 [1] : vector<128x1024xf32> to vector<128xf32>
    %broadcast_in_dim3A_1047 = vector.shape_cast %reduce_sum3A_1046 : vector<128xf32> to vector<128x1xf32>
    %add3A_1048 = arith.addf %add3A_880, %broadcast_in_dim3A_1047 : vector<128x1xf32>
    %convert_element_type3A_1049 = arith.truncf %get3A_924 : vector<1x1024xf32> to vector<1x1024xbf16>
    %convert_element_type3A_1050 = arith.extf %convert_element_type3A_1049 : vector<1x1024xbf16> to vector<1x1024xf32>
    %mul3A_1051 = vector.broadcast %convert_element_type3A_1050 : vector<1x1024xf32> to vector<128x1024xf32>
    %mul3A_1052 = arith.mulf %convert_element_type3A_1024, %mul3A_1051 : vector<128x1024xf32>
    %reduce_sum3A_1053 = arith.constant dense<0.000000e+00> : vector<128xf32>
    %reduce_sum3A_1054 = vector.multi_reduction <add>, %mul3A_1052, %reduce_sum3A_1053 [1] : vector<128x1024xf32> to vector<128xf32>
    %broadcast_in_dim3A_1055 = vector.shape_cast %reduce_sum3A_1054 : vector<128xf32> to vector<128x1xf32>
    %add3A_1056 = arith.addf %add3A_888, %broadcast_in_dim3A_1055 : vector<128x1xf32>
    %reduce_sum3A_1057 = arith.constant dense<0.000000e+00> : vector<128xf32>
    %reduce_sum3A_1058 = vector.multi_reduction <add>, %mul3A_1019, %reduce_sum3A_1057 [1] : vector<128x1024xf32> to vector<128xf32>
    %broadcast_in_dim3A_1059 = vector.shape_cast %reduce_sum3A_1058 : vector<128xf32> to vector<128x1xf32>
    %add3A_1060 = arith.addf %add3A_892, %broadcast_in_dim3A_1059 : vector<128x1xf32>
    %slice3A_1061 = vector.extract_strided_slice %mul3A_1012 {offsets = [0, 1023], sizes = [128, 1], strides = [1, 1]} : vector<128x1024xf32> to vector<128x1xf32>
    %mul3A_1062 = arith.mulf %mul3A_894, %slice3A_1061 : vector<128x1xf32>
    %get3A_1063 = arith.constant 0 : index
    %get3A_1064 = arith.constant 6144 : index
    %get3A_1065 = vector.load %arg1[%get3A_1063, %get3A_1064] : memref<16x8192xf32, #tpu.memory_space<vmem>>, vector<1x1024xf32>
    %get3A_1066 = arith.constant 1 : index
    %get3A_1067 = arith.constant 6144 : index
    %get3A_1068 = vector.load %arg1[%get3A_1066, %get3A_1067] : memref<16x8192xf32, #tpu.memory_space<vmem>>, vector<1x1024xf32>
    %get3A_1069 = arith.constant 2 : index
    %get3A_1070 = arith.constant 6144 : index
    %get3A_1071 = vector.load %arg1[%get3A_1069, %get3A_1070] : memref<16x8192xf32, #tpu.memory_space<vmem>>, vector<1x1024xf32>
    %get3A_1072 = arith.constant 3 : index
    %get3A_1073 = arith.constant 6144 : index
    %get3A_1074 = vector.load %arg1[%get3A_1072, %get3A_1073] : memref<16x8192xf32, #tpu.memory_space<vmem>>, vector<1x1024xf32>
    %get3A_1075 = arith.constant 4 : index
    %get3A_1076 = arith.constant 6144 : index
    %get3A_1077 = vector.load %arg1[%get3A_1075, %get3A_1076] : memref<16x8192xf32, #tpu.memory_space<vmem>>, vector<1x1024xf32>
    %get3A_1078 = arith.constant 5 : index
    %get3A_1079 = arith.constant 6144 : index
    %get3A_1080 = vector.load %arg1[%get3A_1078, %get3A_1079] : memref<16x8192xf32, #tpu.memory_space<vmem>>, vector<1x1024xf32>
    %get3A_1081 = arith.constant 6 : index
    %get3A_1082 = arith.constant 6144 : index
    %get3A_1083 = vector.load %arg1[%get3A_1081, %get3A_1082] : memref<16x8192xf32, #tpu.memory_space<vmem>>, vector<1x1024xf32>
    %get3A_1084 = arith.constant 7 : index
    %get3A_1085 = arith.constant 6144 : index
    %get3A_1086 = vector.load %arg1[%get3A_1084, %get3A_1085] : memref<16x8192xf32, #tpu.memory_space<vmem>>, vector<1x1024xf32>
    %get3A_1087 = arith.constant 8 : index
    %get3A_1088 = arith.constant 6144 : index
    %get3A_1089 = vector.load %arg1[%get3A_1087, %get3A_1088] : memref<16x8192xf32, #tpu.memory_space<vmem>>, vector<1x1024xf32>
    %get3A_1090 = arith.constant 9 : index
    %get3A_1091 = arith.constant 6144 : index
    %get3A_1092 = vector.load %arg1[%get3A_1090, %get3A_1091] : memref<16x8192xf32, #tpu.memory_space<vmem>>, vector<1x1024xf32>
    %sub3A_1093 = vector.broadcast %add3A_19 : vector<128x1xf32> to vector<128x1024xf32>
    %sub3A_1094 = vector.broadcast %get3A_1065 : vector<1x1024xf32> to vector<128x1024xf32>
    %sub3A_1095 = arith.subf %sub3A_1093, %sub3A_1094 : vector<128x1024xf32>
    %sub3A_1096 = vector.broadcast %add3A_51 : vector<128x1xf32> to vector<128x1024xf32>
    %sub3A_1097 = vector.broadcast %get3A_1068 : vector<1x1024xf32> to vector<128x1024xf32>
    %sub3A_1098 = arith.subf %sub3A_1096, %sub3A_1097 : vector<128x1024xf32>
    %mul3A_1099 = vector.broadcast %get3A_1071 : vector<1x1024xf32> to vector<128x1024xf32>
    %mul3A_1100 = arith.mulf %mul3A_1099, %sub3A_1095 : vector<128x1024xf32>
    %mul3A_1101 = arith.mulf %mul3A_1100, %sub3A_1095 : vector<128x1024xf32>
    %mul3A_1102 = vector.broadcast %get3A_1077 : vector<1x1024xf32> to vector<128x1024xf32>
    %mul3A_1103 = arith.mulf %mul3A_1102, %sub3A_1098 : vector<128x1024xf32>
    %mul3A_1104 = arith.mulf %mul3A_1103, %sub3A_1098 : vector<128x1024xf32>
    %add3A_1105 = arith.addf %mul3A_1101, %mul3A_1104 : vector<128x1024xf32>
    %mul3A_1106 = arith.constant -5.000000e-01 : f32
    %mul3A_1107 = vector.broadcast %mul3A_1106 : f32 to vector<128x1024xf32>
    %mul3A_1108 = arith.mulf %mul3A_1107, %add3A_1105 : vector<128x1024xf32>
    %mul3A_1109 = vector.broadcast %get3A_1074 : vector<1x1024xf32> to vector<128x1024xf32>
    %mul3A_1110 = arith.mulf %mul3A_1109, %sub3A_1095 : vector<128x1024xf32>
    %mul3A_1111 = arith.mulf %mul3A_1110, %sub3A_1098 : vector<128x1024xf32>
    %sub3A_1112 = arith.subf %mul3A_1108, %mul3A_1111 : vector<128x1024xf32>
    %gt3A_1113 = arith.constant 0.000000e+00 : f32
    %gt3A_1114 = vector.broadcast %gt3A_1113 : f32 to vector<128x1024xf32>
    %gt3A_1115 = arith.cmpf ogt, %sub3A_1112, %gt3A_1114 : vector<128x1024xf32>
    %exp3A_1116 = math.exp %sub3A_1112 : vector<128x1024xf32>
    %mul3A_1117 = vector.broadcast %get3A_1080 : vector<1x1024xf32> to vector<128x1024xf32>
    %mul3A_1118 = arith.mulf %mul3A_1117, %exp3A_1116 : vector<128x1024xf32>
    %jit3A_1119 = arith.constant 0.000000e+00 : f32
    %broadcast_in_dim3A_1120 = vector.broadcast %jit3A_1119 : f32 to vector<128x1024xf32>
    %select_n3A_1121 = arith.select %gt3A_1115, %broadcast_in_dim3A_1120, %mul3A_1118 : vector<128x1024xi1>, vector<128x1024xf32>
    %min3A_1122 = arith.constant 9.900000e-01 : f32
    %min3A_1123 = vector.broadcast %min3A_1122 : f32 to vector<128x1024xf32>
    %min3A_1124 = arith.minimumf %select_n3A_1121, %min3A_1123 : vector<128x1024xf32>
    %sub3A_1125 = arith.constant 1.000000e+00 : f32
    %sub3A_1126 = vector.broadcast %sub3A_1125 : f32 to vector<128x1024xf32>
    %sub3A_1127 = arith.subf %sub3A_1126, %min3A_1124 : vector<128x1024xf32>
    %add3A_1128 = arith.constant 1.000000e-10 : f32
    %add3A_1129 = vector.broadcast %add3A_1128 : f32 to vector<128x1024xf32>
    %add3A_1130 = arith.addf %sub3A_1127, %add3A_1129 : vector<128x1024xf32>
    %broadcast_in_dim3A_1131 = arith.constant 1.000000e+00 : f32
    %broadcast_in_dim3A_1132 = vector.broadcast %broadcast_in_dim3A_1131 : f32 to vector<128x1xf32>
    %slice3A_1133 = vector.extract_strided_slice %add3A_1130 {offsets = [0, 0], sizes = [128, 1023], strides = [1, 1]} : vector<128x1024xf32> to vector<128x1023xf32>
    %concatenate3A_1134 = tpu.concatenate %broadcast_in_dim3A_1132, %slice3A_1133 in 1 : vector<128x1xf32>, vector<128x1023xf32> -> vector<128x1024xf32>
    %mul3A_1135 = arith.mulf %add3A_1130, %concatenate3A_1134 : vector<128x1024xf32>
    %broadcast_in_dim3A_1136 = arith.constant 1.000000e+00 : f32
    %broadcast_in_dim3A_1137 = vector.broadcast %broadcast_in_dim3A_1136 : f32 to vector<128x2xf32>
    %slice3A_1138 = vector.extract_strided_slice %mul3A_1135 {offsets = [0, 0], sizes = [128, 1022], strides = [1, 1]} : vector<128x1024xf32> to vector<128x1022xf32>
    %concatenate3A_1139 = tpu.concatenate %broadcast_in_dim3A_1137, %slice3A_1138 in 1 : vector<128x2xf32>, vector<128x1022xf32> -> vector<128x1024xf32>
    %mul3A_1140 = arith.mulf %mul3A_1135, %concatenate3A_1139 : vector<128x1024xf32>
    %broadcast_in_dim3A_1141 = arith.constant 1.000000e+00 : f32
    %broadcast_in_dim3A_1142 = vector.broadcast %broadcast_in_dim3A_1141 : f32 to vector<128x4xf32>
    %slice3A_1143 = vector.extract_strided_slice %mul3A_1140 {offsets = [0, 0], sizes = [128, 1020], strides = [1, 1]} : vector<128x1024xf32> to vector<128x1020xf32>
    %concatenate3A_1144 = tpu.concatenate %broadcast_in_dim3A_1142, %slice3A_1143 in 1 : vector<128x4xf32>, vector<128x1020xf32> -> vector<128x1024xf32>
    %mul3A_1145 = arith.mulf %mul3A_1140, %concatenate3A_1144 : vector<128x1024xf32>
    %broadcast_in_dim3A_1146 = arith.constant 1.000000e+00 : f32
    %broadcast_in_dim3A_1147 = vector.broadcast %broadcast_in_dim3A_1146 : f32 to vector<128x8xf32>
    %slice3A_1148 = vector.extract_strided_slice %mul3A_1145 {offsets = [0, 0], sizes = [128, 1016], strides = [1, 1]} : vector<128x1024xf32> to vector<128x1016xf32>
    %concatenate3A_1149 = tpu.concatenate %broadcast_in_dim3A_1147, %slice3A_1148 in 1 : vector<128x8xf32>, vector<128x1016xf32> -> vector<128x1024xf32>
    %mul3A_1150 = arith.mulf %mul3A_1145, %concatenate3A_1149 : vector<128x1024xf32>
    %broadcast_in_dim3A_1151 = arith.constant 1.000000e+00 : f32
    %broadcast_in_dim3A_1152 = vector.broadcast %broadcast_in_dim3A_1151 : f32 to vector<128x16xf32>
    %slice3A_1153 = vector.extract_strided_slice %mul3A_1150 {offsets = [0, 0], sizes = [128, 1008], strides = [1, 1]} : vector<128x1024xf32> to vector<128x1008xf32>
    %concatenate3A_1154 = tpu.concatenate %broadcast_in_dim3A_1152, %slice3A_1153 in 1 : vector<128x16xf32>, vector<128x1008xf32> -> vector<128x1024xf32>
    %mul3A_1155 = arith.mulf %mul3A_1150, %concatenate3A_1154 : vector<128x1024xf32>
    %broadcast_in_dim3A_1156 = arith.constant 1.000000e+00 : f32
    %broadcast_in_dim3A_1157 = vector.broadcast %broadcast_in_dim3A_1156 : f32 to vector<128x32xf32>
    %slice3A_1158 = vector.extract_strided_slice %mul3A_1155 {offsets = [0, 0], sizes = [128, 992], strides = [1, 1]} : vector<128x1024xf32> to vector<128x992xf32>
    %concatenate3A_1159 = tpu.concatenate %broadcast_in_dim3A_1157, %slice3A_1158 in 1 : vector<128x32xf32>, vector<128x992xf32> -> vector<128x1024xf32>
    %mul3A_1160 = arith.mulf %mul3A_1155, %concatenate3A_1159 : vector<128x1024xf32>
    %broadcast_in_dim3A_1161 = arith.constant 1.000000e+00 : f32
    %broadcast_in_dim3A_1162 = vector.broadcast %broadcast_in_dim3A_1161 : f32 to vector<128x64xf32>
    %slice3A_1163 = vector.extract_strided_slice %mul3A_1160 {offsets = [0, 0], sizes = [128, 960], strides = [1, 1]} : vector<128x1024xf32> to vector<128x960xf32>
    %concatenate3A_1164 = tpu.concatenate %broadcast_in_dim3A_1162, %slice3A_1163 in 1 : vector<128x64xf32>, vector<128x960xf32> -> vector<128x1024xf32>
    %mul3A_1165 = arith.mulf %mul3A_1160, %concatenate3A_1164 : vector<128x1024xf32>
    %broadcast_in_dim3A_1166 = arith.constant 1.000000e+00 : f32
    %broadcast_in_dim3A_1167 = vector.broadcast %broadcast_in_dim3A_1166 : f32 to vector<128x128xf32>
    %slice3A_1168 = vector.extract_strided_slice %mul3A_1165 {offsets = [0, 0], sizes = [128, 896], strides = [1, 1]} : vector<128x1024xf32> to vector<128x896xf32>
    %concatenate3A_1169 = tpu.concatenate %broadcast_in_dim3A_1167, %slice3A_1168 in 1 : vector<128x128xf32>, vector<128x896xf32> -> vector<128x1024xf32>
    %mul3A_1170 = arith.mulf %mul3A_1165, %concatenate3A_1169 : vector<128x1024xf32>
    %broadcast_in_dim3A_1171 = arith.constant 1.000000e+00 : f32
    %broadcast_in_dim3A_1172 = vector.broadcast %broadcast_in_dim3A_1171 : f32 to vector<128x256xf32>
    %slice3A_1173 = vector.extract_strided_slice %mul3A_1170 {offsets = [0, 0], sizes = [128, 768], strides = [1, 1]} : vector<128x1024xf32> to vector<128x768xf32>
    %concatenate3A_1174 = tpu.concatenate %broadcast_in_dim3A_1172, %slice3A_1173 in 1 : vector<128x256xf32>, vector<128x768xf32> -> vector<128x1024xf32>
    %mul3A_1175 = arith.mulf %mul3A_1170, %concatenate3A_1174 : vector<128x1024xf32>
    %broadcast_in_dim3A_1176 = arith.constant 1.000000e+00 : f32
    %broadcast_in_dim3A_1177 = vector.broadcast %broadcast_in_dim3A_1176 : f32 to vector<128x512xf32>
    %slice3A_1178 = vector.extract_strided_slice %mul3A_1175 {offsets = [0, 0], sizes = [128, 512], strides = [1, 1]} : vector<128x1024xf32> to vector<128x512xf32>
    %concatenate3A_1179 = tpu.concatenate %broadcast_in_dim3A_1177, %slice3A_1178 in 1 : vector<128x512xf32>, vector<128x512xf32> -> vector<128x1024xf32>
    %mul3A_1180 = arith.mulf %mul3A_1175, %concatenate3A_1179 : vector<128x1024xf32>
    %broadcast_in_dim3A_1181 = arith.constant 1.000000e+00 : f32
    %broadcast_in_dim3A_1182 = vector.broadcast %broadcast_in_dim3A_1181 : f32 to vector<128x1xf32>
    %slice3A_1183 = vector.extract_strided_slice %mul3A_1180 {offsets = [0, 0], sizes = [128, 1023], strides = [1, 1]} : vector<128x1024xf32> to vector<128x1023xf32>
    %concatenate3A_1184 = tpu.concatenate %broadcast_in_dim3A_1182, %slice3A_1183 in 1 : vector<128x1xf32>, vector<128x1023xf32> -> vector<128x1024xf32>
    %mul3A_1185 = vector.broadcast %mul3A_1062 : vector<128x1xf32> to vector<128x1024xf32>
    %mul3A_1186 = arith.mulf %concatenate3A_1184, %mul3A_1185 : vector<128x1024xf32>
    %mul3A_1187 = arith.mulf %min3A_1124, %mul3A_1186 : vector<128x1024xf32>
    %swap3A_1188 = arith.constant 0 : index
    %swap3A_1189 = arith.constant 6144 : index
    %swap3A_1190 = vector.load %arg8[%swap3A_1188, %swap3A_1189] : memref<128x8192xf32, #tpu.memory_space<vmem>>, vector<128x1024xf32>
    tpu.vector_store %arg8[%swap3A_1188, %swap3A_1189], %mul3A_1187 {strides = array<i32>} : memref<128x8192xf32, #tpu.memory_space<vmem>>, vector<128x1024xf32>,
    %convert_element_type3A_1191 = arith.truncf %mul3A_1187 : vector<128x1024xf32> to vector<128x1024xbf16>
    %convert_element_type3A_1192 = arith.extf %convert_element_type3A_1191 : vector<128x1024xbf16> to vector<128x1024xf32>
    %convert_element_type3A_1193 = arith.truncf %get3A_1083 : vector<1x1024xf32> to vector<1x1024xbf16>
    %convert_element_type3A_1194 = arith.extf %convert_element_type3A_1193 : vector<1x1024xbf16> to vector<1x1024xf32>
    %mul3A_1195 = vector.broadcast %convert_element_type3A_1194 : vector<1x1024xf32> to vector<128x1024xf32>
    %mul3A_1196 = arith.mulf %convert_element_type3A_1192, %mul3A_1195 : vector<128x1024xf32>
    %reduce_sum3A_1197 = arith.constant dense<0.000000e+00> : vector<128xf32>
    %reduce_sum3A_1198 = vector.multi_reduction <add>, %mul3A_1196, %reduce_sum3A_1197 [1] : vector<128x1024xf32> to vector<128xf32>
    %broadcast_in_dim3A_1199 = vector.shape_cast %reduce_sum3A_1198 : vector<128xf32> to vector<128x1xf32>
    %add3A_1200 = arith.addf %add3A_1032, %broadcast_in_dim3A_1199 : vector<128x1xf32>
    %convert_element_type3A_1201 = arith.truncf %get3A_1086 : vector<1x1024xf32> to vector<1x1024xbf16>
    %convert_element_type3A_1202 = arith.extf %convert_element_type3A_1201 : vector<1x1024xbf16> to vector<1x1024xf32>
    %mul3A_1203 = vector.broadcast %convert_element_type3A_1202 : vector<1x1024xf32> to vector<128x1024xf32>
    %mul3A_1204 = arith.mulf %convert_element_type3A_1192, %mul3A_1203 : vector<128x1024xf32>
    %reduce_sum3A_1205 = arith.constant dense<0.000000e+00> : vector<128xf32>
    %reduce_sum3A_1206 = vector.multi_reduction <add>, %mul3A_1204, %reduce_sum3A_1205 [1] : vector<128x1024xf32> to vector<128xf32>
    %broadcast_in_dim3A_1207 = vector.shape_cast %reduce_sum3A_1206 : vector<128xf32> to vector<128x1xf32>
    %add3A_1208 = arith.addf %add3A_1040, %broadcast_in_dim3A_1207 : vector<128x1xf32>
    %convert_element_type3A_1209 = arith.truncf %get3A_1089 : vector<1x1024xf32> to vector<1x1024xbf16>
    %convert_element_type3A_1210 = arith.extf %convert_element_type3A_1209 : vector<1x1024xbf16> to vector<1x1024xf32>
    %mul3A_1211 = vector.broadcast %convert_element_type3A_1210 : vector<1x1024xf32> to vector<128x1024xf32>
    %mul3A_1212 = arith.mulf %convert_element_type3A_1192, %mul3A_1211 : vector<128x1024xf32>
    %reduce_sum3A_1213 = arith.constant dense<0.000000e+00> : vector<128xf32>
    %reduce_sum3A_1214 = vector.multi_reduction <add>, %mul3A_1212, %reduce_sum3A_1213 [1] : vector<128x1024xf32> to vector<128xf32>
    %broadcast_in_dim3A_1215 = vector.shape_cast %reduce_sum3A_1214 : vector<128xf32> to vector<128x1xf32>
    %add3A_1216 = arith.addf %add3A_1048, %broadcast_in_dim3A_1215 : vector<128x1xf32>
    %convert_element_type3A_1217 = arith.truncf %get3A_1092 : vector<1x1024xf32> to vector<1x1024xbf16>
    %convert_element_type3A_1218 = arith.extf %convert_element_type3A_1217 : vector<1x1024xbf16> to vector<1x1024xf32>
    %mul3A_1219 = vector.broadcast %convert_element_type3A_1218 : vector<1x1024xf32> to vector<128x1024xf32>
    %mul3A_1220 = arith.mulf %convert_element_type3A_1192, %mul3A_1219 : vector<128x1024xf32>
    %reduce_sum3A_1221 = arith.constant dense<0.000000e+00> : vector<128xf32>
    %reduce_sum3A_1222 = vector.multi_reduction <add>, %mul3A_1220, %reduce_sum3A_1221 [1] : vector<128x1024xf32> to vector<128xf32>
    %broadcast_in_dim3A_1223 = vector.shape_cast %reduce_sum3A_1222 : vector<128xf32> to vector<128x1xf32>
    %add3A_1224 = arith.addf %add3A_1056, %broadcast_in_dim3A_1223 : vector<128x1xf32>
    %reduce_sum3A_1225 = arith.constant dense<0.000000e+00> : vector<128xf32>
    %reduce_sum3A_1226 = vector.multi_reduction <add>, %mul3A_1187, %reduce_sum3A_1225 [1] : vector<128x1024xf32> to vector<128xf32>
    %broadcast_in_dim3A_1227 = vector.shape_cast %reduce_sum3A_1226 : vector<128xf32> to vector<128x1xf32>
    %add3A_1228 = arith.addf %add3A_1060, %broadcast_in_dim3A_1227 : vector<128x1xf32>
    %slice3A_1229 = vector.extract_strided_slice %mul3A_1180 {offsets = [0, 1023], sizes = [128, 1], strides = [1, 1]} : vector<128x1024xf32> to vector<128x1xf32>
    %mul3A_1230 = arith.mulf %mul3A_1062, %slice3A_1229 : vector<128x1xf32>
    %get3A_1231 = arith.constant 0 : index
    %get3A_1232 = arith.constant 7168 : index
    %get3A_1233 = vector.load %arg1[%get3A_1231, %get3A_1232] : memref<16x8192xf32, #tpu.memory_space<vmem>>, vector<1x1024xf32>
    %get3A_1234 = arith.constant 1 : index
    %get3A_1235 = arith.constant 7168 : index
    %get3A_1236 = vector.load %arg1[%get3A_1234, %get3A_1235] : memref<16x8192xf32, #tpu.memory_space<vmem>>, vector<1x1024xf32>
    %get3A_1237 = arith.constant 2 : index
    %get3A_1238 = arith.constant 7168 : index
    %get3A_1239 = vector.load %arg1[%get3A_1237, %get3A_1238] : memref<16x8192xf32, #tpu.memory_space<vmem>>, vector<1x1024xf32>
    %get3A_1240 = arith.constant 3 : index
    %get3A_1241 = arith.constant 7168 : index
    %get3A_1242 = vector.load %arg1[%get3A_1240, %get3A_1241] : memref<16x8192xf32, #tpu.memory_space<vmem>>, vector<1x1024xf32>
    %get3A_1243 = arith.constant 4 : index
    %get3A_1244 = arith.constant 7168 : index
    %get3A_1245 = vector.load %arg1[%get3A_1243, %get3A_1244] : memref<16x8192xf32, #tpu.memory_space<vmem>>, vector<1x1024xf32>
    %get3A_1246 = arith.constant 5 : index
    %get3A_1247 = arith.constant 7168 : index
    %get3A_1248 = vector.load %arg1[%get3A_1246, %get3A_1247] : memref<16x8192xf32, #tpu.memory_space<vmem>>, vector<1x1024xf32>
    %get3A_1249 = arith.constant 6 : index
    %get3A_1250 = arith.constant 7168 : index
    %get3A_1251 = vector.load %arg1[%get3A_1249, %get3A_1250] : memref<16x8192xf32, #tpu.memory_space<vmem>>, vector<1x1024xf32>
    %get3A_1252 = arith.constant 7 : index
    %get3A_1253 = arith.constant 7168 : index
    %get3A_1254 = vector.load %arg1[%get3A_1252, %get3A_1253] : memref<16x8192xf32, #tpu.memory_space<vmem>>, vector<1x1024xf32>
    %get3A_1255 = arith.constant 8 : index
    %get3A_1256 = arith.constant 7168 : index
    %get3A_1257 = vector.load %arg1[%get3A_1255, %get3A_1256] : memref<16x8192xf32, #tpu.memory_space<vmem>>, vector<1x1024xf32>
    %get3A_1258 = arith.constant 9 : index
    %get3A_1259 = arith.constant 7168 : index
    %get3A_1260 = vector.load %arg1[%get3A_1258, %get3A_1259] : memref<16x8192xf32, #tpu.memory_space<vmem>>, vector<1x1024xf32>
    %sub3A_1261 = vector.broadcast %add3A_19 : vector<128x1xf32> to vector<128x1024xf32>
    %sub3A_1262 = vector.broadcast %get3A_1233 : vector<1x1024xf32> to vector<128x1024xf32>
    %sub3A_1263 = arith.subf %sub3A_1261, %sub3A_1262 : vector<128x1024xf32>
    %sub3A_1264 = vector.broadcast %add3A_51 : vector<128x1xf32> to vector<128x1024xf32>
    %sub3A_1265 = vector.broadcast %get3A_1236 : vector<1x1024xf32> to vector<128x1024xf32>
    %sub3A_1266 = arith.subf %sub3A_1264, %sub3A_1265 : vector<128x1024xf32>
    %mul3A_1267 = vector.broadcast %get3A_1239 : vector<1x1024xf32> to vector<128x1024xf32>
    %mul3A_1268 = arith.mulf %mul3A_1267, %sub3A_1263 : vector<128x1024xf32>
    %mul3A_1269 = arith.mulf %mul3A_1268, %sub3A_1263 : vector<128x1024xf32>
    %mul3A_1270 = vector.broadcast %get3A_1245 : vector<1x1024xf32> to vector<128x1024xf32>
    %mul3A_1271 = arith.mulf %mul3A_1270, %sub3A_1266 : vector<128x1024xf32>
    %mul3A_1272 = arith.mulf %mul3A_1271, %sub3A_1266 : vector<128x1024xf32>
    %add3A_1273 = arith.addf %mul3A_1269, %mul3A_1272 : vector<128x1024xf32>
    %mul3A_1274 = arith.constant -5.000000e-01 : f32
    %mul3A_1275 = vector.broadcast %mul3A_1274 : f32 to vector<128x1024xf32>
    %mul3A_1276 = arith.mulf %mul3A_1275, %add3A_1273 : vector<128x1024xf32>
    %mul3A_1277 = vector.broadcast %get3A_1242 : vector<1x1024xf32> to vector<128x1024xf32>
    %mul3A_1278 = arith.mulf %mul3A_1277, %sub3A_1263 : vector<128x1024xf32>
    %mul3A_1279 = arith.mulf %mul3A_1278, %sub3A_1266 : vector<128x1024xf32>
    %sub3A_1280 = arith.subf %mul3A_1276, %mul3A_1279 : vector<128x1024xf32>
    %gt3A_1281 = arith.constant 0.000000e+00 : f32
    %gt3A_1282 = vector.broadcast %gt3A_1281 : f32 to vector<128x1024xf32>
    %gt3A_1283 = arith.cmpf ogt, %sub3A_1280, %gt3A_1282 : vector<128x1024xf32>
    %exp3A_1284 = math.exp %sub3A_1280 : vector<128x1024xf32>
    %mul3A_1285 = vector.broadcast %get3A_1248 : vector<1x1024xf32> to vector<128x1024xf32>
    %mul3A_1286 = arith.mulf %mul3A_1285, %exp3A_1284 : vector<128x1024xf32>
    %jit3A_1287 = arith.constant 0.000000e+00 : f32
    %broadcast_in_dim3A_1288 = vector.broadcast %jit3A_1287 : f32 to vector<128x1024xf32>
    %select_n3A_1289 = arith.select %gt3A_1283, %broadcast_in_dim3A_1288, %mul3A_1286 : vector<128x1024xi1>, vector<128x1024xf32>
    %min3A_1290 = arith.constant 9.900000e-01 : f32
    %min3A_1291 = vector.broadcast %min3A_1290 : f32 to vector<128x1024xf32>
    %min3A_1292 = arith.minimumf %select_n3A_1289, %min3A_1291 : vector<128x1024xf32>
    %sub3A_1293 = arith.constant 1.000000e+00 : f32
    %sub3A_1294 = vector.broadcast %sub3A_1293 : f32 to vector<128x1024xf32>
    %sub3A_1295 = arith.subf %sub3A_1294, %min3A_1292 : vector<128x1024xf32>
    %add3A_1296 = arith.constant 1.000000e-10 : f32
    %add3A_1297 = vector.broadcast %add3A_1296 : f32 to vector<128x1024xf32>
    %add3A_1298 = arith.addf %sub3A_1295, %add3A_1297 : vector<128x1024xf32>
    %broadcast_in_dim3A_1299 = arith.constant 1.000000e+00 : f32
    %broadcast_in_dim3A_1300 = vector.broadcast %broadcast_in_dim3A_1299 : f32 to vector<128x1xf32>
    %slice3A_1301 = vector.extract_strided_slice %add3A_1298 {offsets = [0, 0], sizes = [128, 1023], strides = [1, 1]} : vector<128x1024xf32> to vector<128x1023xf32>
    %concatenate3A_1302 = tpu.concatenate %broadcast_in_dim3A_1300, %slice3A_1301 in 1 : vector<128x1xf32>, vector<128x1023xf32> -> vector<128x1024xf32>
    %mul3A_1303 = arith.mulf %add3A_1298, %concatenate3A_1302 : vector<128x1024xf32>
    %broadcast_in_dim3A_1304 = arith.constant 1.000000e+00 : f32
    %broadcast_in_dim3A_1305 = vector.broadcast %broadcast_in_dim3A_1304 : f32 to vector<128x2xf32>
    %slice3A_1306 = vector.extract_strided_slice %mul3A_1303 {offsets = [0, 0], sizes = [128, 1022], strides = [1, 1]} : vector<128x1024xf32> to vector<128x1022xf32>
    %concatenate3A_1307 = tpu.concatenate %broadcast_in_dim3A_1305, %slice3A_1306 in 1 : vector<128x2xf32>, vector<128x1022xf32> -> vector<128x1024xf32>
    %mul3A_1308 = arith.mulf %mul3A_1303, %concatenate3A_1307 : vector<128x1024xf32>
    %broadcast_in_dim3A_1309 = arith.constant 1.000000e+00 : f32
    %broadcast_in_dim3A_1310 = vector.broadcast %broadcast_in_dim3A_1309 : f32 to vector<128x4xf32>
    %slice3A_1311 = vector.extract_strided_slice %mul3A_1308 {offsets = [0, 0], sizes = [128, 1020], strides = [1, 1]} : vector<128x1024xf32> to vector<128x1020xf32>
    %concatenate3A_1312 = tpu.concatenate %broadcast_in_dim3A_1310, %slice3A_1311 in 1 : vector<128x4xf32>, vector<128x1020xf32> -> vector<128x1024xf32>
    %mul3A_1313 = arith.mulf %mul3A_1308, %concatenate3A_1312 : vector<128x1024xf32>
    %broadcast_in_dim3A_1314 = arith.constant 1.000000e+00 : f32
    %broadcast_in_dim3A_1315 = vector.broadcast %broadcast_in_dim3A_1314 : f32 to vector<128x8xf32>
    %slice3A_1316 = vector.extract_strided_slice %mul3A_1313 {offsets = [0, 0], sizes = [128, 1016], strides = [1, 1]} : vector<128x1024xf32> to vector<128x1016xf32>
    %concatenate3A_1317 = tpu.concatenate %broadcast_in_dim3A_1315, %slice3A_1316 in 1 : vector<128x8xf32>, vector<128x1016xf32> -> vector<128x1024xf32>
    %mul3A_1318 = arith.mulf %mul3A_1313, %concatenate3A_1317 : vector<128x1024xf32>
    %broadcast_in_dim3A_1319 = arith.constant 1.000000e+00 : f32
    %broadcast_in_dim3A_1320 = vector.broadcast %broadcast_in_dim3A_1319 : f32 to vector<128x16xf32>
    %slice3A_1321 = vector.extract_strided_slice %mul3A_1318 {offsets = [0, 0], sizes = [128, 1008], strides = [1, 1]} : vector<128x1024xf32> to vector<128x1008xf32>
    %concatenate3A_1322 = tpu.concatenate %broadcast_in_dim3A_1320, %slice3A_1321 in 1 : vector<128x16xf32>, vector<128x1008xf32> -> vector<128x1024xf32>
    %mul3A_1323 = arith.mulf %mul3A_1318, %concatenate3A_1322 : vector<128x1024xf32>
    %broadcast_in_dim3A_1324 = arith.constant 1.000000e+00 : f32
    %broadcast_in_dim3A_1325 = vector.broadcast %broadcast_in_dim3A_1324 : f32 to vector<128x32xf32>
    %slice3A_1326 = vector.extract_strided_slice %mul3A_1323 {offsets = [0, 0], sizes = [128, 992], strides = [1, 1]} : vector<128x1024xf32> to vector<128x992xf32>
    %concatenate3A_1327 = tpu.concatenate %broadcast_in_dim3A_1325, %slice3A_1326 in 1 : vector<128x32xf32>, vector<128x992xf32> -> vector<128x1024xf32>
    %mul3A_1328 = arith.mulf %mul3A_1323, %concatenate3A_1327 : vector<128x1024xf32>
    %broadcast_in_dim3A_1329 = arith.constant 1.000000e+00 : f32
    %broadcast_in_dim3A_1330 = vector.broadcast %broadcast_in_dim3A_1329 : f32 to vector<128x64xf32>
    %slice3A_1331 = vector.extract_strided_slice %mul3A_1328 {offsets = [0, 0], sizes = [128, 960], strides = [1, 1]} : vector<128x1024xf32> to vector<128x960xf32>
    %concatenate3A_1332 = tpu.concatenate %broadcast_in_dim3A_1330, %slice3A_1331 in 1 : vector<128x64xf32>, vector<128x960xf32> -> vector<128x1024xf32>
    %mul3A_1333 = arith.mulf %mul3A_1328, %concatenate3A_1332 : vector<128x1024xf32>
    %broadcast_in_dim3A_1334 = arith.constant 1.000000e+00 : f32
    %broadcast_in_dim3A_1335 = vector.broadcast %broadcast_in_dim3A_1334 : f32 to vector<128x128xf32>
    %slice3A_1336 = vector.extract_strided_slice %mul3A_1333 {offsets = [0, 0], sizes = [128, 896], strides = [1, 1]} : vector<128x1024xf32> to vector<128x896xf32>
    %concatenate3A_1337 = tpu.concatenate %broadcast_in_dim3A_1335, %slice3A_1336 in 1 : vector<128x128xf32>, vector<128x896xf32> -> vector<128x1024xf32>
    %mul3A_1338 = arith.mulf %mul3A_1333, %concatenate3A_1337 : vector<128x1024xf32>
    %broadcast_in_dim3A_1339 = arith.constant 1.000000e+00 : f32
    %broadcast_in_dim3A_1340 = vector.broadcast %broadcast_in_dim3A_1339 : f32 to vector<128x256xf32>
    %slice3A_1341 = vector.extract_strided_slice %mul3A_1338 {offsets = [0, 0], sizes = [128, 768], strides = [1, 1]} : vector<128x1024xf32> to vector<128x768xf32>
    %concatenate3A_1342 = tpu.concatenate %broadcast_in_dim3A_1340, %slice3A_1341 in 1 : vector<128x256xf32>, vector<128x768xf32> -> vector<128x1024xf32>
    %mul3A_1343 = arith.mulf %mul3A_1338, %concatenate3A_1342 : vector<128x1024xf32>
    %broadcast_in_dim3A_1344 = arith.constant 1.000000e+00 : f32
    %broadcast_in_dim3A_1345 = vector.broadcast %broadcast_in_dim3A_1344 : f32 to vector<128x512xf32>
    %slice3A_1346 = vector.extract_strided_slice %mul3A_1343 {offsets = [0, 0], sizes = [128, 512], strides = [1, 1]} : vector<128x1024xf32> to vector<128x512xf32>
    %concatenate3A_1347 = tpu.concatenate %broadcast_in_dim3A_1345, %slice3A_1346 in 1 : vector<128x512xf32>, vector<128x512xf32> -> vector<128x1024xf32>
    %mul3A_1348 = arith.mulf %mul3A_1343, %concatenate3A_1347 : vector<128x1024xf32>
    %broadcast_in_dim3A_1349 = arith.constant 1.000000e+00 : f32
    %broadcast_in_dim3A_1350 = vector.broadcast %broadcast_in_dim3A_1349 : f32 to vector<128x1xf32>
    %slice3A_1351 = vector.extract_strided_slice %mul3A_1348 {offsets = [0, 0], sizes = [128, 1023], strides = [1, 1]} : vector<128x1024xf32> to vector<128x1023xf32>
    %concatenate3A_1352 = tpu.concatenate %broadcast_in_dim3A_1350, %slice3A_1351 in 1 : vector<128x1xf32>, vector<128x1023xf32> -> vector<128x1024xf32>
    %mul3A_1353 = vector.broadcast %mul3A_1230 : vector<128x1xf32> to vector<128x1024xf32>
    %mul3A_1354 = arith.mulf %concatenate3A_1352, %mul3A_1353 : vector<128x1024xf32>
    %mul3A_1355 = arith.mulf %min3A_1292, %mul3A_1354 : vector<128x1024xf32>
    %swap3A_1356 = arith.constant 0 : index
    %swap3A_1357 = arith.constant 7168 : index
    %swap3A_1358 = vector.load %arg8[%swap3A_1356, %swap3A_1357] : memref<128x8192xf32, #tpu.memory_space<vmem>>, vector<128x1024xf32>
    tpu.vector_store %arg8[%swap3A_1356, %swap3A_1357], %mul3A_1355 {strides = array<i32>} : memref<128x8192xf32, #tpu.memory_space<vmem>>, vector<128x1024xf32>,
    %convert_element_type3A_1359 = arith.truncf %mul3A_1355 : vector<128x1024xf32> to vector<128x1024xbf16>
    %convert_element_type3A_1360 = arith.extf %convert_element_type3A_1359 : vector<128x1024xbf16> to vector<128x1024xf32>
    %convert_element_type3A_1361 = arith.truncf %get3A_1251 : vector<1x1024xf32> to vector<1x1024xbf16>
    %convert_element_type3A_1362 = arith.extf %convert_element_type3A_1361 : vector<1x1024xbf16> to vector<1x1024xf32>
    %mul3A_1363 = vector.broadcast %convert_element_type3A_1362 : vector<1x1024xf32> to vector<128x1024xf32>
    %mul3A_1364 = arith.mulf %convert_element_type3A_1360, %mul3A_1363 : vector<128x1024xf32>
    %reduce_sum3A_1365 = arith.constant dense<0.000000e+00> : vector<128xf32>
    %reduce_sum3A_1366 = vector.multi_reduction <add>, %mul3A_1364, %reduce_sum3A_1365 [1] : vector<128x1024xf32> to vector<128xf32>
    %broadcast_in_dim3A_1367 = vector.shape_cast %reduce_sum3A_1366 : vector<128xf32> to vector<128x1xf32>
    %add3A_1368 = arith.addf %add3A_1200, %broadcast_in_dim3A_1367 : vector<128x1xf32>
    %convert_element_type3A_1369 = arith.truncf %get3A_1254 : vector<1x1024xf32> to vector<1x1024xbf16>
    %convert_element_type3A_1370 = arith.extf %convert_element_type3A_1369 : vector<1x1024xbf16> to vector<1x1024xf32>
    %mul3A_1371 = vector.broadcast %convert_element_type3A_1370 : vector<1x1024xf32> to vector<128x1024xf32>
    %mul3A_1372 = arith.mulf %convert_element_type3A_1360, %mul3A_1371 : vector<128x1024xf32>
    %reduce_sum3A_1373 = arith.constant dense<0.000000e+00> : vector<128xf32>
    %reduce_sum3A_1374 = vector.multi_reduction <add>, %mul3A_1372, %reduce_sum3A_1373 [1] : vector<128x1024xf32> to vector<128xf32>
    %broadcast_in_dim3A_1375 = vector.shape_cast %reduce_sum3A_1374 : vector<128xf32> to vector<128x1xf32>
    %add3A_1376 = arith.addf %add3A_1208, %broadcast_in_dim3A_1375 : vector<128x1xf32>
    %convert_element_type3A_1377 = arith.truncf %get3A_1257 : vector<1x1024xf32> to vector<1x1024xbf16>
    %convert_element_type3A_1378 = arith.extf %convert_element_type3A_1377 : vector<1x1024xbf16> to vector<1x1024xf32>
    %mul3A_1379 = vector.broadcast %convert_element_type3A_1378 : vector<1x1024xf32> to vector<128x1024xf32>
    %mul3A_1380 = arith.mulf %convert_element_type3A_1360, %mul3A_1379 : vector<128x1024xf32>
    %reduce_sum3A_1381 = arith.constant dense<0.000000e+00> : vector<128xf32>
    %reduce_sum3A_1382 = vector.multi_reduction <add>, %mul3A_1380, %reduce_sum3A_1381 [1] : vector<128x1024xf32> to vector<128xf32>
    %broadcast_in_dim3A_1383 = vector.shape_cast %reduce_sum3A_1382 : vector<128xf32> to vector<128x1xf32>
    %add3A_1384 = arith.addf %add3A_1216, %broadcast_in_dim3A_1383 : vector<128x1xf32>
    %convert_element_type3A_1385 = arith.truncf %get3A_1260 : vector<1x1024xf32> to vector<1x1024xbf16>
    %convert_element_type3A_1386 = arith.extf %convert_element_type3A_1385 : vector<1x1024xbf16> to vector<1x1024xf32>
    %mul3A_1387 = vector.broadcast %convert_element_type3A_1386 : vector<1x1024xf32> to vector<128x1024xf32>
    %mul3A_1388 = arith.mulf %convert_element_type3A_1360, %mul3A_1387 : vector<128x1024xf32>
    %reduce_sum3A_1389 = arith.constant dense<0.000000e+00> : vector<128xf32>
    %reduce_sum3A_1390 = vector.multi_reduction <add>, %mul3A_1388, %reduce_sum3A_1389 [1] : vector<128x1024xf32> to vector<128xf32>
    %broadcast_in_dim3A_1391 = vector.shape_cast %reduce_sum3A_1390 : vector<128xf32> to vector<128x1xf32>
    %add3A_1392 = arith.addf %add3A_1224, %broadcast_in_dim3A_1391 : vector<128x1xf32>
    %reduce_sum3A_1393 = arith.constant dense<0.000000e+00> : vector<128xf32>
    %reduce_sum3A_1394 = vector.multi_reduction <add>, %mul3A_1355, %reduce_sum3A_1393 [1] : vector<128x1024xf32> to vector<128xf32>
    %broadcast_in_dim3A_1395 = vector.shape_cast %reduce_sum3A_1394 : vector<128xf32> to vector<128x1xf32>
    %add3A_1396 = arith.addf %add3A_1228, %broadcast_in_dim3A_1395 : vector<128x1xf32>
    %concatenate3A_1397 = tpu.concatenate %add3A_1368, %add3A_1376, %add3A_1384 in 1 : vector<128x1xf32>, vector<128x1xf32>, vector<128x1xf32> -> vector<128x3xf32>
    %swap3A_1398 = arith.constant 0 : index
    %swap3A_1399 = arith.constant 0 : index
    %swap3A_1400 = vector.load %arg2[%swap3A_1398, %swap3A_1399] : memref<128x3xf32, #tpu.memory_space<vmem>>, vector<128x3xf32>
    tpu.vector_store %arg2[%swap3A_1398, %swap3A_1399], %concatenate3A_1397 {strides = array<i32>} : memref<128x3xf32, #tpu.memory_space<vmem>>, vector<128x3xf32>,
    %swap3A_1401 = arith.constant 0 : index
    %swap3A_1402 = arith.constant 0 : index
    %swap3A_1403 = vector.load %arg3[%swap3A_1401, %swap3A_1402] : memref<128x1xf32, #tpu.memory_space<vmem>>, vector<128x1xf32>
    tpu.vector_store %arg3[%swap3A_1401, %swap3A_1402], %add3A_1392 {strides = array<i32>} : memref<128x1xf32, #tpu.memory_space<vmem>>, vector<128x1xf32>,
    %swap3A_1404 = arith.constant 0 : index
    %swap3A_1405 = arith.constant 0 : index
    %swap3A_1406 = vector.load %arg4[%swap3A_1404, %swap3A_1405] : memref<128x1xf32, #tpu.memory_space<vmem>>, vector<128x1xf32>
    tpu.vector_store %arg4[%swap3A_1404, %swap3A_1405], %add3A_1396 {strides = array<i32>} : memref<128x1xf32, #tpu.memory_space<vmem>>, vector<128x1xf32>,
    %get3A_1407 = arith.constant 10 : index
    %get3A_1408 = arith.constant 0 : index
    %get3A_1409 = vector.load %arg1[%get3A_1407, %get3A_1408] : memref<16x8192xf32, #tpu.memory_space<vmem>>, vector<1x8192xf32>
    %iota3A_1410 = tpu.iota {dimensions = array<i32: 1>} : vector<128x8192xi32>
    %mul3A_1411 = arith.constant 8192 : i32
    %mul3A_1412 = vector.broadcast %mul3A_1411 : i32 to vector<128x8192xi32>
    %mul3A_1413 = arith.muli %iota3A_1410, %mul3A_1412 : vector<128x8192xi32>
    %round3A = math.roundeven %get3A_1409 : vector<1x8192xf32>
    %convert_element_type3A_1414 = arith.fptosi %round3A : vector<1x8192xf32> to vector<1x8192xi32>
    %add3A_1415 = vector.broadcast %convert_element_type3A_1414 : vector<1x8192xi32> to vector<128x8192xi32>
    %add3A_1416 = arith.addi %mul3A_1413, %add3A_1415 : vector<128x8192xi32>
    %get3A_1417 = arith.constant 0 : index
    %get3A_1418 = arith.constant 0 : index
    %get3A_1419 = vector.load %arg8[%get3A_1417, %get3A_1418] : memref<128x8192xf32, #tpu.memory_space<vmem>>, vector<128x8192xf32>
    %reduce_max3A = arith.constant dense<0xFF800000> : vector<128xf32>
    %reduce_max3A_1420 = vector.multi_reduction <maximumf>, %get3A_1419, %reduce_max3A [1] : vector<128x8192xf32> to vector<128xf32>
    %broadcast_in_dim3A_1421 = vector.shape_cast %reduce_max3A_1420 : vector<128xf32> to vector<128x1xf32>
    %eq3A_1422 = vector.broadcast %broadcast_in_dim3A_1421 : vector<128x1xf32> to vector<128x8192xf32>
    %eq3A_1423 = arith.cmpf oeq, %get3A_1419, %eq3A_1422 : vector<128x8192xf32>
    %jit3A_1424 = arith.constant 2147483647 : i32
    %broadcast_in_dim3A_1425 = vector.broadcast %jit3A_1424 : i32 to vector<128x8192xi32>
    %select_n3A_1426 = arith.select %eq3A_1423, %add3A_1416, %broadcast_in_dim3A_1425 : vector<128x8192xi1>, vector<128x8192xi32>
    %reduce_min3A = arith.constant dense<2147483647> : vector<128xi32>
    %reduce_min3A_1427 = vector.multi_reduction <minsi>, %select_n3A_1426, %reduce_min3A [1] : vector<128x8192xi32> to vector<128xi32>
    %broadcast_in_dim3A_1428 = vector.shape_cast %reduce_min3A_1427 : vector<128xi32> to vector<128x1xi32>
    %eq3A_1429 = vector.broadcast %broadcast_in_dim3A_1428 : vector<128x1xi32> to vector<128x8192xi32>
    %eq3A_1430 = arith.cmpi eq, %add3A_1416, %eq3A_1429 : vector<128x8192xi32>
    %jit3A_1431 = arith.constant -1.000000e+00 : f32
    %broadcast_in_dim3A_1432 = vector.broadcast %jit3A_1431 : f32 to vector<128x8192xf32>
    %select_n3A_1433 = arith.select %eq3A_1430, %broadcast_in_dim3A_1432, %get3A_1419 : vector<128x8192xi1>, vector<128x8192xf32>
    %reduce_max3A_1434 = arith.constant dense<0xFF800000> : vector<128xf32>
    %reduce_max3A_1435 = vector.multi_reduction <maximumf>, %select_n3A_1433, %reduce_max3A_1434 [1] : vector<128x8192xf32> to vector<128xf32>
    %broadcast_in_dim3A_1436 = vector.shape_cast %reduce_max3A_1435 : vector<128xf32> to vector<128x1xf32>
    %eq3A_1437 = vector.broadcast %broadcast_in_dim3A_1436 : vector<128x1xf32> to vector<128x8192xf32>
    %eq3A_1438 = arith.cmpf oeq, %select_n3A_1433, %eq3A_1437 : vector<128x8192xf32>
    %jit3A_1439 = arith.constant 2147483647 : i32
    %broadcast_in_dim3A_1440 = vector.broadcast %jit3A_1439 : i32 to vector<128x8192xi32>
    %select_n3A_1441 = arith.select %eq3A_1438, %add3A_1416, %broadcast_in_dim3A_1440 : vector<128x8192xi1>, vector<128x8192xi32>
    %reduce_min3A_1442 = arith.constant dense<2147483647> : vector<128xi32>
    %reduce_min3A_1443 = vector.multi_reduction <minsi>, %select_n3A_1441, %reduce_min3A_1442 [1] : vector<128x8192xi32> to vector<128xi32>
    %broadcast_in_dim3A_1444 = vector.shape_cast %reduce_min3A_1443 : vector<128xi32> to vector<128x1xi32>
    %eq3A_1445 = vector.broadcast %broadcast_in_dim3A_1444 : vector<128x1xi32> to vector<128x8192xi32>
    %eq3A_1446 = arith.cmpi eq, %add3A_1416, %eq3A_1445 : vector<128x8192xi32>
    %jit3A_1447 = arith.constant -1.000000e+00 : f32
    %broadcast_in_dim3A_1448 = vector.broadcast %jit3A_1447 : f32 to vector<128x8192xf32>
    %select_n3A_1449 = arith.select %eq3A_1446, %broadcast_in_dim3A_1448, %select_n3A_1433 : vector<128x8192xi1>, vector<128x8192xf32>
    %reduce_max3A_1450 = arith.constant dense<0xFF800000> : vector<128xf32>
    %reduce_max3A_1451 = vector.multi_reduction <maximumf>, %select_n3A_1449, %reduce_max3A_1450 [1] : vector<128x8192xf32> to vector<128xf32>
    %broadcast_in_dim3A_1452 = vector.shape_cast %reduce_max3A_1451 : vector<128xf32> to vector<128x1xf32>
    %eq3A_1453 = vector.broadcast %broadcast_in_dim3A_1452 : vector<128x1xf32> to vector<128x8192xf32>
    %eq3A_1454 = arith.cmpf oeq, %select_n3A_1449, %eq3A_1453 : vector<128x8192xf32>
    %jit3A_1455 = arith.constant 2147483647 : i32
    %broadcast_in_dim3A_1456 = vector.broadcast %jit3A_1455 : i32 to vector<128x8192xi32>
    %select_n3A_1457 = arith.select %eq3A_1454, %add3A_1416, %broadcast_in_dim3A_1456 : vector<128x8192xi1>, vector<128x8192xi32>
    %reduce_min3A_1458 = arith.constant dense<2147483647> : vector<128xi32>
    %reduce_min3A_1459 = vector.multi_reduction <minsi>, %select_n3A_1457, %reduce_min3A_1458 [1] : vector<128x8192xi32> to vector<128xi32>
    %broadcast_in_dim3A_1460 = vector.shape_cast %reduce_min3A_1459 : vector<128xi32> to vector<128x1xi32>
    %eq3A_1461 = vector.broadcast %broadcast_in_dim3A_1460 : vector<128x1xi32> to vector<128x8192xi32>
    %eq3A_1462 = arith.cmpi eq, %add3A_1416, %eq3A_1461 : vector<128x8192xi32>
    %jit3A_1463 = arith.constant -1.000000e+00 : f32
    %broadcast_in_dim3A_1464 = vector.broadcast %jit3A_1463 : f32 to vector<128x8192xf32>
    %select_n3A_1465 = arith.select %eq3A_1462, %broadcast_in_dim3A_1464, %select_n3A_1449 : vector<128x8192xi1>, vector<128x8192xf32>
    %reduce_max3A_1466 = arith.constant dense<0xFF800000> : vector<128xf32>
    %reduce_max3A_1467 = vector.multi_reduction <maximumf>, %select_n3A_1465, %reduce_max3A_1466 [1] : vector<128x8192xf32> to vector<128xf32>
    %broadcast_in_dim3A_1468 = vector.shape_cast %reduce_max3A_1467 : vector<128xf32> to vector<128x1xf32>
    %eq3A_1469 = vector.broadcast %broadcast_in_dim3A_1468 : vector<128x1xf32> to vector<128x8192xf32>
    %eq3A_1470 = arith.cmpf oeq, %select_n3A_1465, %eq3A_1469 : vector<128x8192xf32>
    %jit3A_1471 = arith.constant 2147483647 : i32
    %broadcast_in_dim3A_1472 = vector.broadcast %jit3A_1471 : i32 to vector<128x8192xi32>
    %select_n3A_1473 = arith.select %eq3A_1470, %add3A_1416, %broadcast_in_dim3A_1472 : vector<128x8192xi1>, vector<128x8192xi32>
    %reduce_min3A_1474 = arith.constant dense<2147483647> : vector<128xi32>
    %reduce_min3A_1475 = vector.multi_reduction <minsi>, %select_n3A_1473, %reduce_min3A_1474 [1] : vector<128x8192xi32> to vector<128xi32>
    %broadcast_in_dim3A_1476 = vector.shape_cast %reduce_min3A_1475 : vector<128xi32> to vector<128x1xi32>
    %eq3A_1477 = vector.broadcast %broadcast_in_dim3A_1476 : vector<128x1xi32> to vector<128x8192xi32>
    %eq3A_1478 = arith.cmpi eq, %add3A_1416, %eq3A_1477 : vector<128x8192xi32>
    %jit3A_1479 = arith.constant -1.000000e+00 : f32
    %broadcast_in_dim3A_1480 = vector.broadcast %jit3A_1479 : f32 to vector<128x8192xf32>
    %select_n3A_1481 = arith.select %eq3A_1478, %broadcast_in_dim3A_1480, %select_n3A_1465 : vector<128x8192xi1>, vector<128x8192xf32>
    %reduce_max3A_1482 = arith.constant dense<0xFF800000> : vector<128xf32>
    %reduce_max3A_1483 = vector.multi_reduction <maximumf>, %select_n3A_1481, %reduce_max3A_1482 [1] : vector<128x8192xf32> to vector<128xf32>
    %broadcast_in_dim3A_1484 = vector.shape_cast %reduce_max3A_1483 : vector<128xf32> to vector<128x1xf32>
    %eq3A_1485 = vector.broadcast %broadcast_in_dim3A_1484 : vector<128x1xf32> to vector<128x8192xf32>
    %eq3A_1486 = arith.cmpf oeq, %select_n3A_1481, %eq3A_1485 : vector<128x8192xf32>
    %jit3A_1487 = arith.constant 2147483647 : i32
    %broadcast_in_dim3A_1488 = vector.broadcast %jit3A_1487 : i32 to vector<128x8192xi32>
    %select_n3A_1489 = arith.select %eq3A_1486, %add3A_1416, %broadcast_in_dim3A_1488 : vector<128x8192xi1>, vector<128x8192xi32>
    %reduce_min3A_1490 = arith.constant dense<2147483647> : vector<128xi32>
    %reduce_min3A_1491 = vector.multi_reduction <minsi>, %select_n3A_1489, %reduce_min3A_1490 [1] : vector<128x8192xi32> to vector<128xi32>
    %broadcast_in_dim3A_1492 = vector.shape_cast %reduce_min3A_1491 : vector<128xi32> to vector<128x1xi32>
    %eq3A_1493 = vector.broadcast %broadcast_in_dim3A_1492 : vector<128x1xi32> to vector<128x8192xi32>
    %eq3A_1494 = arith.cmpi eq, %add3A_1416, %eq3A_1493 : vector<128x8192xi32>
    %jit3A_1495 = arith.constant -1.000000e+00 : f32
    %broadcast_in_dim3A_1496 = vector.broadcast %jit3A_1495 : f32 to vector<128x8192xf32>
    %select_n3A_1497 = arith.select %eq3A_1494, %broadcast_in_dim3A_1496, %select_n3A_1481 : vector<128x8192xi1>, vector<128x8192xf32>
    %reduce_max3A_1498 = arith.constant dense<0xFF800000> : vector<128xf32>
    %reduce_max3A_1499 = vector.multi_reduction <maximumf>, %select_n3A_1497, %reduce_max3A_1498 [1] : vector<128x8192xf32> to vector<128xf32>
    %broadcast_in_dim3A_1500 = vector.shape_cast %reduce_max3A_1499 : vector<128xf32> to vector<128x1xf32>
    %eq3A_1501 = vector.broadcast %broadcast_in_dim3A_1500 : vector<128x1xf32> to vector<128x8192xf32>
    %eq3A_1502 = arith.cmpf oeq, %select_n3A_1497, %eq3A_1501 : vector<128x8192xf32>
    %jit3A_1503 = arith.constant 2147483647 : i32
    %broadcast_in_dim3A_1504 = vector.broadcast %jit3A_1503 : i32 to vector<128x8192xi32>
    %select_n3A_1505 = arith.select %eq3A_1502, %add3A_1416, %broadcast_in_dim3A_1504 : vector<128x8192xi1>, vector<128x8192xi32>
    %reduce_min3A_1506 = arith.constant dense<2147483647> : vector<128xi32>
    %reduce_min3A_1507 = vector.multi_reduction <minsi>, %select_n3A_1505, %reduce_min3A_1506 [1] : vector<128x8192xi32> to vector<128xi32>
    %broadcast_in_dim3A_1508 = vector.shape_cast %reduce_min3A_1507 : vector<128xi32> to vector<128x1xi32>
    %eq3A_1509 = vector.broadcast %broadcast_in_dim3A_1508 : vector<128x1xi32> to vector<128x8192xi32>
    %eq3A_1510 = arith.cmpi eq, %add3A_1416, %eq3A_1509 : vector<128x8192xi32>
    %jit3A_1511 = arith.constant -1.000000e+00 : f32
    %broadcast_in_dim3A_1512 = vector.broadcast %jit3A_1511 : f32 to vector<128x8192xf32>
    %select_n3A_1513 = arith.select %eq3A_1510, %broadcast_in_dim3A_1512, %select_n3A_1497 : vector<128x8192xi1>, vector<128x8192xf32>
    %reduce_max3A_1514 = arith.constant dense<0xFF800000> : vector<128xf32>
    %reduce_max3A_1515 = vector.multi_reduction <maximumf>, %select_n3A_1513, %reduce_max3A_1514 [1] : vector<128x8192xf32> to vector<128xf32>
    %broadcast_in_dim3A_1516 = vector.shape_cast %reduce_max3A_1515 : vector<128xf32> to vector<128x1xf32>
    %eq3A_1517 = vector.broadcast %broadcast_in_dim3A_1516 : vector<128x1xf32> to vector<128x8192xf32>
    %eq3A_1518 = arith.cmpf oeq, %select_n3A_1513, %eq3A_1517 : vector<128x8192xf32>
    %jit3A_1519 = arith.constant 2147483647 : i32
    %broadcast_in_dim3A_1520 = vector.broadcast %jit3A_1519 : i32 to vector<128x8192xi32>
    %select_n3A_1521 = arith.select %eq3A_1518, %add3A_1416, %broadcast_in_dim3A_1520 : vector<128x8192xi1>, vector<128x8192xi32>
    %reduce_min3A_1522 = arith.constant dense<2147483647> : vector<128xi32>
    %reduce_min3A_1523 = vector.multi_reduction <minsi>, %select_n3A_1521, %reduce_min3A_1522 [1] : vector<128x8192xi32> to vector<128xi32>
    %broadcast_in_dim3A_1524 = vector.shape_cast %reduce_min3A_1523 : vector<128xi32> to vector<128x1xi32>
    %eq3A_1525 = vector.broadcast %broadcast_in_dim3A_1524 : vector<128x1xi32> to vector<128x8192xi32>
    %eq3A_1526 = arith.cmpi eq, %add3A_1416, %eq3A_1525 : vector<128x8192xi32>
    %jit3A_1527 = arith.constant -1.000000e+00 : f32
    %broadcast_in_dim3A_1528 = vector.broadcast %jit3A_1527 : f32 to vector<128x8192xf32>
    %select_n3A_1529 = arith.select %eq3A_1526, %broadcast_in_dim3A_1528, %select_n3A_1513 : vector<128x8192xi1>, vector<128x8192xf32>
    %reduce_max3A_1530 = arith.constant dense<0xFF800000> : vector<128xf32>
    %reduce_max3A_1531 = vector.multi_reduction <maximumf>, %select_n3A_1529, %reduce_max3A_1530 [1] : vector<128x8192xf32> to vector<128xf32>
    %broadcast_in_dim3A_1532 = vector.shape_cast %reduce_max3A_1531 : vector<128xf32> to vector<128x1xf32>
    %eq3A_1533 = vector.broadcast %broadcast_in_dim3A_1532 : vector<128x1xf32> to vector<128x8192xf32>
    %eq3A_1534 = arith.cmpf oeq, %select_n3A_1529, %eq3A_1533 : vector<128x8192xf32>
    %jit3A_1535 = arith.constant 2147483647 : i32
    %broadcast_in_dim3A_1536 = vector.broadcast %jit3A_1535 : i32 to vector<128x8192xi32>
    %select_n3A_1537 = arith.select %eq3A_1534, %add3A_1416, %broadcast_in_dim3A_1536 : vector<128x8192xi1>, vector<128x8192xi32>
    %reduce_min3A_1538 = arith.constant dense<2147483647> : vector<128xi32>
    %reduce_min3A_1539 = vector.multi_reduction <minsi>, %select_n3A_1537, %reduce_min3A_1538 [1] : vector<128x8192xi32> to vector<128xi32>
    %broadcast_in_dim3A_1540 = vector.shape_cast %reduce_min3A_1539 : vector<128xi32> to vector<128x1xi32>
    %eq3A_1541 = vector.broadcast %broadcast_in_dim3A_1540 : vector<128x1xi32> to vector<128x8192xi32>
    %eq3A_1542 = arith.cmpi eq, %add3A_1416, %eq3A_1541 : vector<128x8192xi32>
    %jit3A_1543 = arith.constant -1.000000e+00 : f32
    %broadcast_in_dim3A_1544 = vector.broadcast %jit3A_1543 : f32 to vector<128x8192xf32>
    %select_n3A_1545 = arith.select %eq3A_1542, %broadcast_in_dim3A_1544, %select_n3A_1529 : vector<128x8192xi1>, vector<128x8192xf32>
    %reduce_max3A_1546 = arith.constant dense<0xFF800000> : vector<128xf32>
    %reduce_max3A_1547 = vector.multi_reduction <maximumf>, %select_n3A_1545, %reduce_max3A_1546 [1] : vector<128x8192xf32> to vector<128xf32>
    %broadcast_in_dim3A_1548 = vector.shape_cast %reduce_max3A_1547 : vector<128xf32> to vector<128x1xf32>
    %eq3A_1549 = vector.broadcast %broadcast_in_dim3A_1548 : vector<128x1xf32> to vector<128x8192xf32>
    %eq3A_1550 = arith.cmpf oeq, %select_n3A_1545, %eq3A_1549 : vector<128x8192xf32>
    %jit3A_1551 = arith.constant 2147483647 : i32
    %broadcast_in_dim3A_1552 = vector.broadcast %jit3A_1551 : i32 to vector<128x8192xi32>
    %select_n3A_1553 = arith.select %eq3A_1550, %add3A_1416, %broadcast_in_dim3A_1552 : vector<128x8192xi1>, vector<128x8192xi32>
    %reduce_min3A_1554 = arith.constant dense<2147483647> : vector<128xi32>
    %reduce_min3A_1555 = vector.multi_reduction <minsi>, %select_n3A_1553, %reduce_min3A_1554 [1] : vector<128x8192xi32> to vector<128xi32>
    %broadcast_in_dim3A_1556 = vector.shape_cast %reduce_min3A_1555 : vector<128xi32> to vector<128x1xi32>
    %eq3A_1557 = vector.broadcast %broadcast_in_dim3A_1556 : vector<128x1xi32> to vector<128x8192xi32>
    %eq3A_1558 = arith.cmpi eq, %add3A_1416, %eq3A_1557 : vector<128x8192xi32>
    %jit3A_1559 = arith.constant -1.000000e+00 : f32
    %broadcast_in_dim3A_1560 = vector.broadcast %jit3A_1559 : f32 to vector<128x8192xf32>
    %select_n3A_1561 = arith.select %eq3A_1558, %broadcast_in_dim3A_1560, %select_n3A_1545 : vector<128x8192xi1>, vector<128x8192xf32>
    %reduce_max3A_1562 = arith.constant dense<0xFF800000> : vector<128xf32>
    %reduce_max3A_1563 = vector.multi_reduction <maximumf>, %select_n3A_1561, %reduce_max3A_1562 [1] : vector<128x8192xf32> to vector<128xf32>
    %broadcast_in_dim3A_1564 = vector.shape_cast %reduce_max3A_1563 : vector<128xf32> to vector<128x1xf32>
    %eq3A_1565 = vector.broadcast %broadcast_in_dim3A_1564 : vector<128x1xf32> to vector<128x8192xf32>
    %eq3A_1566 = arith.cmpf oeq, %select_n3A_1561, %eq3A_1565 : vector<128x8192xf32>
    %jit3A_1567 = arith.constant 2147483647 : i32
    %broadcast_in_dim3A_1568 = vector.broadcast %jit3A_1567 : i32 to vector<128x8192xi32>
    %select_n3A_1569 = arith.select %eq3A_1566, %add3A_1416, %broadcast_in_dim3A_1568 : vector<128x8192xi1>, vector<128x8192xi32>
    %reduce_min3A_1570 = arith.constant dense<2147483647> : vector<128xi32>
    %reduce_min3A_1571 = vector.multi_reduction <minsi>, %select_n3A_1569, %reduce_min3A_1570 [1] : vector<128x8192xi32> to vector<128xi32>
    %broadcast_in_dim3A_1572 = vector.shape_cast %reduce_min3A_1571 : vector<128xi32> to vector<128x1xi32>
    %eq3A_1573 = vector.broadcast %broadcast_in_dim3A_1572 : vector<128x1xi32> to vector<128x8192xi32>
    %eq3A_1574 = arith.cmpi eq, %add3A_1416, %eq3A_1573 : vector<128x8192xi32>
    %jit3A_1575 = arith.constant -1.000000e+00 : f32
    %broadcast_in_dim3A_1576 = vector.broadcast %jit3A_1575 : f32 to vector<128x8192xf32>
    %select_n3A_1577 = arith.select %eq3A_1574, %broadcast_in_dim3A_1576, %select_n3A_1561 : vector<128x8192xi1>, vector<128x8192xf32>
    %reduce_max3A_1578 = arith.constant dense<0xFF800000> : vector<128xf32>
    %reduce_max3A_1579 = vector.multi_reduction <maximumf>, %select_n3A_1577, %reduce_max3A_1578 [1] : vector<128x8192xf32> to vector<128xf32>
    %broadcast_in_dim3A_1580 = vector.shape_cast %reduce_max3A_1579 : vector<128xf32> to vector<128x1xf32>
    %eq3A_1581 = vector.broadcast %broadcast_in_dim3A_1580 : vector<128x1xf32> to vector<128x8192xf32>
    %eq3A_1582 = arith.cmpf oeq, %select_n3A_1577, %eq3A_1581 : vector<128x8192xf32>
    %jit3A_1583 = arith.constant 2147483647 : i32
    %broadcast_in_dim3A_1584 = vector.broadcast %jit3A_1583 : i32 to vector<128x8192xi32>
    %select_n3A_1585 = arith.select %eq3A_1582, %add3A_1416, %broadcast_in_dim3A_1584 : vector<128x8192xi1>, vector<128x8192xi32>
    %reduce_min3A_1586 = arith.constant dense<2147483647> : vector<128xi32>
    %reduce_min3A_1587 = vector.multi_reduction <minsi>, %select_n3A_1585, %reduce_min3A_1586 [1] : vector<128x8192xi32> to vector<128xi32>
    %broadcast_in_dim3A_1588 = vector.shape_cast %reduce_min3A_1587 : vector<128xi32> to vector<128x1xi32>
    %eq3A_1589 = vector.broadcast %broadcast_in_dim3A_1588 : vector<128x1xi32> to vector<128x8192xi32>
    %eq3A_1590 = arith.cmpi eq, %add3A_1416, %eq3A_1589 : vector<128x8192xi32>
    %jit3A_1591 = arith.constant -1.000000e+00 : f32
    %broadcast_in_dim3A_1592 = vector.broadcast %jit3A_1591 : f32 to vector<128x8192xf32>
    %select_n3A_1593 = arith.select %eq3A_1590, %broadcast_in_dim3A_1592, %select_n3A_1577 : vector<128x8192xi1>, vector<128x8192xf32>
    %reduce_max3A_1594 = arith.constant dense<0xFF800000> : vector<128xf32>
    %reduce_max3A_1595 = vector.multi_reduction <maximumf>, %select_n3A_1593, %reduce_max3A_1594 [1] : vector<128x8192xf32> to vector<128xf32>
    %broadcast_in_dim3A_1596 = vector.shape_cast %reduce_max3A_1595 : vector<128xf32> to vector<128x1xf32>
    %eq3A_1597 = vector.broadcast %broadcast_in_dim3A_1596 : vector<128x1xf32> to vector<128x8192xf32>
    %eq3A_1598 = arith.cmpf oeq, %select_n3A_1593, %eq3A_1597 : vector<128x8192xf32>
    %jit3A_1599 = arith.constant 2147483647 : i32
    %broadcast_in_dim3A_1600 = vector.broadcast %jit3A_1599 : i32 to vector<128x8192xi32>
    %select_n3A_1601 = arith.select %eq3A_1598, %add3A_1416, %broadcast_in_dim3A_1600 : vector<128x8192xi1>, vector<128x8192xi32>
    %reduce_min3A_1602 = arith.constant dense<2147483647> : vector<128xi32>
    %reduce_min3A_1603 = vector.multi_reduction <minsi>, %select_n3A_1601, %reduce_min3A_1602 [1] : vector<128x8192xi32> to vector<128xi32>
    %broadcast_in_dim3A_1604 = vector.shape_cast %reduce_min3A_1603 : vector<128xi32> to vector<128x1xi32>
    %eq3A_1605 = vector.broadcast %broadcast_in_dim3A_1604 : vector<128x1xi32> to vector<128x8192xi32>
    %eq3A_1606 = arith.cmpi eq, %add3A_1416, %eq3A_1605 : vector<128x8192xi32>
    %jit3A_1607 = arith.constant -1.000000e+00 : f32
    %broadcast_in_dim3A_1608 = vector.broadcast %jit3A_1607 : f32 to vector<128x8192xf32>
    %select_n3A_1609 = arith.select %eq3A_1606, %broadcast_in_dim3A_1608, %select_n3A_1593 : vector<128x8192xi1>, vector<128x8192xf32>
    %reduce_max3A_1610 = arith.constant dense<0xFF800000> : vector<128xf32>
    %reduce_max3A_1611 = vector.multi_reduction <maximumf>, %select_n3A_1609, %reduce_max3A_1610 [1] : vector<128x8192xf32> to vector<128xf32>
    %broadcast_in_dim3A_1612 = vector.shape_cast %reduce_max3A_1611 : vector<128xf32> to vector<128x1xf32>
    %eq3A_1613 = vector.broadcast %broadcast_in_dim3A_1612 : vector<128x1xf32> to vector<128x8192xf32>
    %eq3A_1614 = arith.cmpf oeq, %select_n3A_1609, %eq3A_1613 : vector<128x8192xf32>
    %jit3A_1615 = arith.constant 2147483647 : i32
    %broadcast_in_dim3A_1616 = vector.broadcast %jit3A_1615 : i32 to vector<128x8192xi32>
    %select_n3A_1617 = arith.select %eq3A_1614, %add3A_1416, %broadcast_in_dim3A_1616 : vector<128x8192xi1>, vector<128x8192xi32>
    %reduce_min3A_1618 = arith.constant dense<2147483647> : vector<128xi32>
    %reduce_min3A_1619 = vector.multi_reduction <minsi>, %select_n3A_1617, %reduce_min3A_1618 [1] : vector<128x8192xi32> to vector<128xi32>
    %broadcast_in_dim3A_1620 = vector.shape_cast %reduce_min3A_1619 : vector<128xi32> to vector<128x1xi32>
    %eq3A_1621 = vector.broadcast %broadcast_in_dim3A_1620 : vector<128x1xi32> to vector<128x8192xi32>
    %eq3A_1622 = arith.cmpi eq, %add3A_1416, %eq3A_1621 : vector<128x8192xi32>
    %jit3A_1623 = arith.constant -1.000000e+00 : f32
    %broadcast_in_dim3A_1624 = vector.broadcast %jit3A_1623 : f32 to vector<128x8192xf32>
    %select_n3A_1625 = arith.select %eq3A_1622, %broadcast_in_dim3A_1624, %select_n3A_1609 : vector<128x8192xi1>, vector<128x8192xf32>
    %reduce_max3A_1626 = arith.constant dense<0xFF800000> : vector<128xf32>
    %reduce_max3A_1627 = vector.multi_reduction <maximumf>, %select_n3A_1625, %reduce_max3A_1626 [1] : vector<128x8192xf32> to vector<128xf32>
    %broadcast_in_dim3A_1628 = vector.shape_cast %reduce_max3A_1627 : vector<128xf32> to vector<128x1xf32>
    %eq3A_1629 = vector.broadcast %broadcast_in_dim3A_1628 : vector<128x1xf32> to vector<128x8192xf32>
    %eq3A_1630 = arith.cmpf oeq, %select_n3A_1625, %eq3A_1629 : vector<128x8192xf32>
    %jit3A_1631 = arith.constant 2147483647 : i32
    %broadcast_in_dim3A_1632 = vector.broadcast %jit3A_1631 : i32 to vector<128x8192xi32>
    %select_n3A_1633 = arith.select %eq3A_1630, %add3A_1416, %broadcast_in_dim3A_1632 : vector<128x8192xi1>, vector<128x8192xi32>
    %reduce_min3A_1634 = arith.constant dense<2147483647> : vector<128xi32>
    %reduce_min3A_1635 = vector.multi_reduction <minsi>, %select_n3A_1633, %reduce_min3A_1634 [1] : vector<128x8192xi32> to vector<128xi32>
    %broadcast_in_dim3A_1636 = vector.shape_cast %reduce_min3A_1635 : vector<128xi32> to vector<128x1xi32>
    %eq3A_1637 = vector.broadcast %broadcast_in_dim3A_1636 : vector<128x1xi32> to vector<128x8192xi32>
    %eq3A_1638 = arith.cmpi eq, %add3A_1416, %eq3A_1637 : vector<128x8192xi32>
    %jit3A_1639 = arith.constant -1.000000e+00 : f32
    %broadcast_in_dim3A_1640 = vector.broadcast %jit3A_1639 : f32 to vector<128x8192xf32>
    %select_n3A_1641 = arith.select %eq3A_1638, %broadcast_in_dim3A_1640, %select_n3A_1625 : vector<128x8192xi1>, vector<128x8192xf32>
    %reduce_max3A_1642 = arith.constant dense<0xFF800000> : vector<128xf32>
    %reduce_max3A_1643 = vector.multi_reduction <maximumf>, %select_n3A_1641, %reduce_max3A_1642 [1] : vector<128x8192xf32> to vector<128xf32>
    %broadcast_in_dim3A_1644 = vector.shape_cast %reduce_max3A_1643 : vector<128xf32> to vector<128x1xf32>
    %eq3A_1645 = vector.broadcast %broadcast_in_dim3A_1644 : vector<128x1xf32> to vector<128x8192xf32>
    %eq3A_1646 = arith.cmpf oeq, %select_n3A_1641, %eq3A_1645 : vector<128x8192xf32>
    %jit3A_1647 = arith.constant 2147483647 : i32
    %broadcast_in_dim3A_1648 = vector.broadcast %jit3A_1647 : i32 to vector<128x8192xi32>
    %select_n3A_1649 = arith.select %eq3A_1646, %add3A_1416, %broadcast_in_dim3A_1648 : vector<128x8192xi1>, vector<128x8192xi32>
    %reduce_min3A_1650 = arith.constant dense<2147483647> : vector<128xi32>
    %reduce_min3A_1651 = vector.multi_reduction <minsi>, %select_n3A_1649, %reduce_min3A_1650 [1] : vector<128x8192xi32> to vector<128xi32>
    %broadcast_in_dim3A_1652 = vector.shape_cast %reduce_min3A_1651 : vector<128xi32> to vector<128x1xi32>
    %eq3A_1653 = vector.broadcast %broadcast_in_dim3A_1652 : vector<128x1xi32> to vector<128x8192xi32>
    %eq3A_1654 = arith.cmpi eq, %add3A_1416, %eq3A_1653 : vector<128x8192xi32>
    %jit3A_1655 = arith.constant -1.000000e+00 : f32
    %broadcast_in_dim3A_1656 = vector.broadcast %jit3A_1655 : f32 to vector<128x8192xf32>
    %select_n3A_1657 = arith.select %eq3A_1654, %broadcast_in_dim3A_1656, %select_n3A_1641 : vector<128x8192xi1>, vector<128x8192xf32>
    %reduce_max3A_1658 = arith.constant dense<0xFF800000> : vector<128xf32>
    %reduce_max3A_1659 = vector.multi_reduction <maximumf>, %select_n3A_1657, %reduce_max3A_1658 [1] : vector<128x8192xf32> to vector<128xf32>
    %broadcast_in_dim3A_1660 = vector.shape_cast %reduce_max3A_1659 : vector<128xf32> to vector<128x1xf32>
    %eq3A_1661 = vector.broadcast %broadcast_in_dim3A_1660 : vector<128x1xf32> to vector<128x8192xf32>
    %eq3A_1662 = arith.cmpf oeq, %select_n3A_1657, %eq3A_1661 : vector<128x8192xf32>
    %jit3A_1663 = arith.constant 2147483647 : i32
    %broadcast_in_dim3A_1664 = vector.broadcast %jit3A_1663 : i32 to vector<128x8192xi32>
    %select_n3A_1665 = arith.select %eq3A_1662, %add3A_1416, %broadcast_in_dim3A_1664 : vector<128x8192xi1>, vector<128x8192xi32>
    %reduce_min3A_1666 = arith.constant dense<2147483647> : vector<128xi32>
    %reduce_min3A_1667 = vector.multi_reduction <minsi>, %select_n3A_1665, %reduce_min3A_1666 [1] : vector<128x8192xi32> to vector<128xi32>
    %broadcast_in_dim3A_1668 = vector.shape_cast %reduce_min3A_1667 : vector<128xi32> to vector<128x1xi32>
    %concatenate3A_1669 = tpu.concatenate %broadcast_in_dim3A_1421, %broadcast_in_dim3A_1436, %broadcast_in_dim3A_1452, %broadcast_in_dim3A_1468, %broadcast_in_dim3A_1484, %broadcast_in_dim3A_1500, %broadcast_in_dim3A_1516, %broadcast_in_dim3A_1532, %broadcast_in_dim3A_1548, %broadcast_in_dim3A_1564, %broadcast_in_dim3A_1580, %broadcast_in_dim3A_1596, %broadcast_in_dim3A_1612, %broadcast_in_dim3A_1628, %broadcast_in_dim3A_1644, %broadcast_in_dim3A_1660 in 1 : vector<128x1xf32>, vector<128x1xf32>, vector<128x1xf32>, vector<128x1xf32>, vector<128x1xf32>, vector<128x1xf32>, vector<128x1xf32>, vector<128x1xf32>, vector<128x1xf32>, vector<128x1xf32>, vector<128x1xf32>, vector<128x1xf32>, vector<128x1xf32>, vector<128x1xf32>, vector<128x1xf32>, vector<128x1xf32> -> vector<128x16xf32>
    %concatenate3A_1670 = tpu.concatenate %broadcast_in_dim3A_1428, %broadcast_in_dim3A_1444, %broadcast_in_dim3A_1460, %broadcast_in_dim3A_1476, %broadcast_in_dim3A_1492, %broadcast_in_dim3A_1508, %broadcast_in_dim3A_1524, %broadcast_in_dim3A_1540, %broadcast_in_dim3A_1556, %broadcast_in_dim3A_1572, %broadcast_in_dim3A_1588, %broadcast_in_dim3A_1604, %broadcast_in_dim3A_1620, %broadcast_in_dim3A_1636, %broadcast_in_dim3A_1652, %broadcast_in_dim3A_1668 in 1 : vector<128x1xi32>, vector<128x1xi32>, vector<128x1xi32>, vector<128x1xi32>, vector<128x1xi32>, vector<128x1xi32>, vector<128x1xi32>, vector<128x1xi32>, vector<128x1xi32>, vector<128x1xi32>, vector<128x1xi32>, vector<128x1xi32>, vector<128x1xi32>, vector<128x1xi32>, vector<128x1xi32>, vector<128x1xi32> -> vector<128x16xi32>
    %swap3A_1671 = arith.constant 0 : index
    %swap3A_1672 = arith.constant 0 : index
    %swap3A_1673 = vector.load %arg5[%swap3A_1671, %swap3A_1672] : memref<128x16xf32, #tpu.memory_space<vmem>>, vector<128x16xf32>
    tpu.vector_store %arg5[%swap3A_1671, %swap3A_1672], %concatenate3A_1669 {strides = array<i32>} : memref<128x16xf32, #tpu.memory_space<vmem>>, vector<128x16xf32>,
    %jit3A_1674 = arith.constant 8192 : i32
    %eq3A_1675 = arith.constant 0 : i32
    %eq3A_1676 = arith.cmpi eq, %jit3A_1674, %eq3A_1675 : i32
    %jit3A_1677 = arith.constant 1 : i32
    %select_n3A_1678 = arith.select %eq3A_1676, %jit3A_1677, %jit3A_1674 : i32
    %rem3A_1679 = vector.broadcast %select_n3A_1678 : i32 to vector<128x16xi32>
    %rem3A_1680 = arith.remsi %concatenate3A_1670, %rem3A_1679 : vector<128x16xi32>
    %ne3A_1681 = arith.constant 0 : i32
    %ne3A_1682 = vector.broadcast %ne3A_1681 : i32 to vector<128x16xi32>
    %ne3A_1683 = arith.cmpi ne, %rem3A_1680, %ne3A_1682 : vector<128x16xi32>
    %lt3A_1684 = arith.constant 0 : i32
    %lt3A_1685 = vector.broadcast %lt3A_1684 : i32 to vector<128x16xi32>
    %lt3A_1686 = arith.cmpi slt, %rem3A_1680, %lt3A_1685 : vector<128x16xi32>
    %lt3A_1687 = arith.constant 0 : i32
    %lt3A_1688 = arith.cmpi slt, %select_n3A_1678, %lt3A_1687 : i32
    %ne3A_1689 = vector.broadcast %lt3A_1688 : i1 to vector<128x16xi1>
    %ne3A_1690 = vector.broadcast %ne3A_1689 : vector<128x16xi1> to vector<128x16xi1>
    %ne3A_1691 = arith.xori %lt3A_1686, %ne3A_1690 : vector<128x16xi1>
    %and3A_1692 = arith.andi %ne3A_1691, %ne3A_1683 : vector<128x16xi1>
    %add3A_1693 = vector.broadcast %select_n3A_1678 : i32 to vector<128x16xi32>
    %add3A_1694 = arith.addi %rem3A_1680, %add3A_1693 : vector<128x16xi32>
    %select_n3A_1695 = arith.select %and3A_1692, %add3A_1694, %rem3A_1680 : vector<128x16xi1>, vector<128x16xi32>
    %swap3A_1696 = arith.constant 0 : index
    %swap3A_1697 = arith.constant 0 : index
    %swap3A_1698 = vector.load %arg6[%swap3A_1696, %swap3A_1697] : memref<128x16xi32, #tpu.memory_space<vmem>>, vector<128x16xi32>
    tpu.vector_store %arg6[%swap3A_1696, %swap3A_1697], %select_n3A_1695 {strides = array<i32>} : memref<128x16xi32, #tpu.memory_space<vmem>>, vector<128x16xi32>,
    %gt3A_1699 = arith.constant 0.00392156886 : f32
    %gt3A_1700 = vector.broadcast %gt3A_1699 : f32 to vector<128x16xf32>
    %gt3A_1701 = arith.cmpf ogt, %concatenate3A_1669, %gt3A_1700 : vector<128x16xf32>
    %convert_element_type3A_1702 = arith.extui %gt3A_1701 : vector<128x16xi1> to vector<128x16xi32>
    %reduce_sum3A_1703 = arith.constant dense<0> : vector<128xi32>
    %reduce_sum3A_1704 = vector.multi_reduction <add>, %convert_element_type3A_1702, %reduce_sum3A_1703 [1] : vector<128x16xi32> to vector<128xi32>
    %broadcast_in_dim3A_1705 = vector.shape_cast %reduce_sum3A_1704 : vector<128xi32> to vector<128x1xi32>
    %swap3A_1706 = arith.constant 0 : index
    %swap3A_1707 = arith.constant 0 : index
    %swap3A_1708 = vector.load %arg7[%swap3A_1706, %swap3A_1707] : memref<128x1xi32, #tpu.memory_space<vmem>>, vector<128x1xi32>
    tpu.vector_store %arg7[%swap3A_1706, %swap3A_1707], %broadcast_in_dim3A_1705 {strides = array<i32>} : memref<128x1xi32, #tpu.memory_space<vmem>>, vector<128x1xi32>,
    return
  }
  func.func @transform_0(%arg0: i32) -> (i32, i32) {
    %c0_i32 = arith.constant 0 : i32
    %c0_i32_0 = arith.constant 0 : i32
    %c0_i32_1 = arith.constant 0 : i32
    return %c0_i32, %c0_i32_0 : i32, i32
  }
  func.func @transform_1(%arg0: i32) -> (i32, i32) {
    %c0_i32 = arith.constant 0 : i32
    %c0_i32_0 = arith.constant 0 : i32
    return %arg0, %c0_i32 : i32, i32
  }
  func.func @transform_2(%arg0: i32) -> (i32, i32) {
    %c0_i32 = arith.constant 0 : i32
    %c0_i32_0 = arith.constant 0 : i32
    return %arg0, %c0_i32 : i32, i32
  }
  func.func @transform_3(%arg0: i32) -> (i32, i32) {
    %c0_i32 = arith.constant 0 : i32
    %c0_i32_0 = arith.constant 0 : i32
    return %arg0, %c0_i32 : i32, i32
  }
  func.func @transform_4(%arg0: i32) -> (i32, i32) {
    %c0_i32 = arith.constant 0 : i32
    %c0_i32_0 = arith.constant 0 : i32
    return %arg0, %c0_i32 : i32, i32
  }
  func.func @transform_5(%arg0: i32) -> (i32, i32) {
    %c0_i32 = arith.constant 0 : i32
    %c0_i32_0 = arith.constant 0 : i32
    return %arg0, %c0_i32 : i32, i32
  }
  func.func @transform_6(%arg0: i32) -> (i32, i32) {
    %c0_i32 = arith.constant 0 : i32
    %c0_i32_0 = arith.constant 0 : i32
    return %arg0, %c0_i32 : i32, i32
  }
}

</mosaic_0001>

<sc_bundles>
// kernel: kernel.6.cloned.1.call-start
scs
__scs_entry_jumppad:
0x0: {  	(pc) =	sbr.rel $0x88, $3  }
0x1: {  	(tag) =	ssettag $0x0;
	lr =	simm.s32 $0x1  }
0x2: {  	[smem:$0x3F9B] =	sst lr;
	_ =	strace $0xD0000000  }
0x3: {  	_ = 	snop  }
0x4: {  	_ = 	snop  }
0x5: {  	_ = 	snop  }
0x6: {  	_ = 	snop  }
0x7: {  	_ = 	snop  }
__scs_overlays_trampoline_lowered:
0x8: {  	[smem:$0x3FAA] =	sst s0  }
0x9: {  	[smem:$0x3FAB] =	sst s1  }
0xa: {  	[smem:$0x3FAC] =	sst s2  }
0xb: {  	[smem:$0x3FAD] =	sst s3  }
0xc: {  	[smem:$0x3FAE] =	sst s4  }
0xd: {  	[smem:$0x3FAF] =	sst s5  }
0xe: {  	[smem:$0x3FB0] =	sst s6  }
0xf: {  	[smem:$0x3FB1] =	sst s7  }
0x10: {  	[smem:$0x3FB2] =	sst s8  }
0x11: {  	[smem:$0x3FB3] =	sst s9;
	s0 =	simm.s32 @!p0 $0x0  }
0x12: {  	s1 =	sld [smem:$0x3F99];
	s0 =	simm.s32 @p0 $0x1  }
0x13: {  	[smem:$0x3FB4] =	sst s0;
	s0 =	simm.s32 @!p1 $0x0  }
0x14: {  	s2 =	sld [smem:$0x3F98];
	s0 =	simm.s32 @p1 $0x1  }
0x15: {  	[smem:$0x3FB5] =	sst s0;
	s0 =	simm.s32 @!p2 $0x0  }
0x16: {  	s3 =	sld [smem:$0x3FDB];
	s0 =	simm.s32 @p2 $0x1  }
0x17: {  	s4 =	simm.s32 $0x1BF5;
	[smem:$0x3FB7] =	sst s0  }
0x18: {  	s0 =	sld [smem:$0x3F9A];
	_ =	swait.ge [sflag:s4], $0x0  }
0x19: {  	s7 =	sld [smem:$0x3F9B]  }
0x1a: {  	s8 =	sadd.s32 $0xFFFFE003, lr  }
0x1b: {  	s9 =	sadd.s32 $0xFFFFFEF7, lr;
	s5 =	simm.s32 $0xFFFFFFFF;
	p2 =	slt.u32 s8, $0xFFFFF086  }
0x1c: {  	p1 =	slt.u32 s9, $0xF7A;
	s5 =	simm.s32 @!p2 $0x0  }
0x1d: {  	s5 =	simm.s32 @p1 $0x1;
	p0 =	seq.s32 s7, s2  }
0x1e: {  	s7 =	smul.u32 @!p0 $0xF7A, s2;
	p2 =	seq.s32 @!p0 s5, $0x0  }
0x1f: {  	s9 =	smul.u32 $0xF7A, s1;
	s8 =	simm.s32 @!p0 $0x1BF5;
	p2 =	por !p2, p0  }
0x20: {  	[sflag:s8] =	ssyncset.s32 @!p0 $0xFFFFF086;
	s6 =	sadd.s32 @!p0 s3, s7;
	s7 =	simm.s32 @!p0 $0x108  }
0x21: {  	s3 =	sadd.s32 s3, s9;
	s6 =	sadd.s32 @!p0 $0x88, s6;
	s7 =	simm.s32 @p2 $0x1082  }
0x22: {  	[simem:s7], [sflag:s8] =	dma.local @!p0 [hbm:s6], $0xF7A  }
0x23: {  	s9 =	sor.u32 $0xD0000000, s2;
	s6 =	simm.s32 $0x108;
	_ =	swait.ge @!p0 [sflag:s8], $0x0  }
0x24: {  	s3 =	sadd.s32 $0x88, s3;
	s6 =	simm.s32 @!p1 $0x1082;
	[sflag:s4] =	ssyncset.s32 $0xFFFFF086  }
0x25: {  	[simem:s6], [sflag:s4] =	dma.local [hbm:s3], $0xF7A  }
0x26: {  	[smem:$0x3F9B] =	sst s1;
	(tag) =	ssettag s2;
	_ =	strace s9  }
0x27: {  	s1 =	sld [smem:$0x3FAB]  }
0x28: {  	s2 =	sld [smem:$0x3FAC]  }
0x29: {  	s4 =	sld [smem:$0x3FAE]  }
0x2a: {  	p0 =	seq.s32 s5, $0x0;
	s5 =	sld [smem:$0x3FAF]  }
0x2b: {  	s6 =	sld [smem:$0x3FB0]  }
0x2c: {  	s7 =	sld [smem:$0x3FB1]  }
0x2d: {  	s3 =	simm.s32 $0x108;
	s8 =	sld [smem:$0x3FB2]  }
0x2e: {  	s3 =	simm.s32 @!p0 $0x1082;
	s9 =	sld [smem:$0x3FB3]  }
0x2f: {  	lr =	sadd.s32 s0, s3;
	s0 =	sld [smem:$0x3FAA]  }
0x30: {  	s3 =	sld [smem:$0x3FAD]  }
0x31: {  	[smem:$0x3FB6] =	sst s10  }
0x32: {  	s10 =	sld [smem:$0x3FB4];
	_ =	sdelay $0x3  }
0x33: {  	p0 =	seq.s32 s10, $0x1;
	s10 =	sld [smem:$0x3FB6];
	_ =	sdelay $0x3  }
0x34: {  	[smem:$0x3FB6] =	sst s10  }
0x35: {  	s10 =	sld [smem:$0x3FB5];
	_ =	sdelay $0x3  }
0x36: {  	p1 =	seq.s32 s10, $0x1;
	s10 =	sld [smem:$0x3FB6];
	_ =	sdelay $0x3  }
0x37: {  	[smem:$0x3FB6] =	sst s10  }
0x38: {  	s10 =	sld [smem:$0x3FB7]  }
0x39: {  	_ = 	snop;
	(pc) =	sbr.ind lr, $3  }
0x3a: {  	_ = 	snop  }
0x3b: {  	_ = 	snop  }
0x3c: {  	p2 =	seq.s32 s10, $0x1;
	s10 =	sld [smem:$0x3FB6]  }
0x3d: {  	_ =	shalt  }
0x3e: {  	_ =	shalt  }
0x3f: {  	_ =	shalt  }
0x40: {  	_ =	shalt  }
0x41: {  	_ =	shalt  }
0x42: {  	_ =	shalt  }
0x43: {  	_ =	shalt  }
0x44: {  	_ =	shalt  }
0x45: {  	_ =	shalt  }
0x46: {  	_ =	shalt  }
0x47: {  	_ =	shalt  }
0x48: {  	_ =	shalt  }
0x49: {  	_ =	shalt  }
0x4a: {  	_ =	shalt  }
0x4b: {  	_ =	shalt  }
0x4c: {  	_ =	shalt  }
0x4d: {  	_ =	shalt  }
0x4e: {  	_ =	shalt  }
0x4f: {  	_ =	shalt  }
0x50: {  	_ =	shalt  }
0x51: {  	_ =	shalt  }
0x52: {  	_ =	shalt  }
0x53: {  	_ =	shalt  }
0x54: {  	_ =	shalt  }
0x55: {  	_ =	shalt  }
0x56: {  	_ =	shalt  }
0x57: {  	_ =	shalt  }
0x58: {  	_ =	shalt  }
0x59: {  	_ =	shalt  }
0x5a: {  	_ =	shalt  }
0x5b: {  	_ =	shalt  }
0x5c: {  	_ =	shalt  }
0x5d: {  	_ =	shalt  }
0x5e: {  	_ =	shalt  }
0x5f: {  	_ =	shalt  }
0x60: {  	_ =	shalt  }
0x61: {  	_ =	shalt  }
0x62: {  	_ =	shalt  }
0x63: {  	_ =	shalt  }
0x64: {  	_ =	shalt  }
0x65: {  	_ =	shalt  }
0x66: {  	_ =	shalt  }
0x67: {  	_ =	shalt  }
0x68: {  	_ =	shalt  }
0x69: {  	_ =	shalt  }
0x6a: {  	_ =	shalt  }
0x6b: {  	_ =	shalt  }
0x6c: {  	_ =	shalt  }
0x6d: {  	_ =	shalt  }
0x6e: {  	_ =	shalt  }
0x6f: {  	_ =	shalt  }
0x70: {  	_ =	shalt  }
0x71: {  	_ =	shalt  }
0x72: {  	_ =	shalt  }
0x73: {  	_ =	shalt  }
0x74: {  	_ =	shalt  }
0x75: {  	_ =	shalt  }
0x76: {  	_ =	shalt  }
0x77: {  	_ =	shalt  }
0x78: {  	_ =	shalt  }
0x79: {  	_ =	shalt  }
0x7a: {  	_ =	shalt  }
0x7b: {  	_ =	shalt  }
0x7c: {  	_ =	shalt  }
0x7d: {  	_ =	shalt  }
0x7e: {  	_ =	shalt  }
0x7f: {  	_ =	shalt  }
0x80: {  	_ =	shalt  }
0x81: {  	_ =	shalt  }
0x82: {  	_ =	shalt  }
0x83: {  	_ =	shalt  }
0x84: {  	_ =	shalt  }
0x85: {  	_ =	shalt  }
0x86: {  	_ =	shalt  }
0x87: {  	_ =	shalt  }
.Lfunc_end0:
.L_simem_size_0:
called_computation_lowered:
.L_overlay_start_0:
0x88: {  	s2 =	sld [smem:$0x3FD9]  }
0x89: {  	s3 =	sld [smem:$0x3FFE];
	_ =	sdelay $0x1  }
0x8a: {  	s1 =	srdreg.scid  }
0x8b: {  	s0 =	sand.u32 $0x1, s1  }
0x8c: {  	s14 =	sshll.u32 s0, $0xA;
	s2 =	sadd.s32 s3, s2  }
0x8d: {  	s2 =	sadd.s32 s2, s14  }
0x8e: {  	[smem:$0x3FC2] =	sst s2  }
0x8f: {  	_ = 	snop  }
0x90: {  	s2 =	sld [smem:$0x3FD0];
	_ =	sdelay $0x2  }
0x91: {  	s15 =	simm.s32 $0xA;
	s4 =	simm.s32 $0x10  }
0x92: {  	[smem:s4], [sflag:s15] =	dma.local [hbm:s2], $0x1  }
0x93: {  	_ =	swait.eq [sflag:s15], $0x1  }
0x94: {  	[sflag:s15] =	ssyncset.done $0x0  }
0x95: {  	[sflag:s15] =	ssyncadd.s32 $0xFFFFFFFF  }
0x96: {  	s16 =	sld [smem:$0x10];
	(tm) =	ssettm $0x1  }
0x97: {  	s17 =	sld [smem:$0x3FFB];
	_ =	sdelay $0x3  }
0x98: {  	_ =	strace s17  }
0x99: {  	s3 =	sld [smem:$0x3FFC];
	_ =	sdelay $0x3  }
0x9a: {  	_ =	strace s3  }
0x9b: {  	s3 =	sld [smem:$0x3FFD];
	_ =	sdelay $0x3  }
0x9c: {  	_ =	strace s3  }
0x9d: {  	_ =	strace $0x8FFFFFFF  }
0x9e: {  	s18 =	sld [smem:$0x3FDB];
	_ =	sdelay $0x1  }
0x9f: {  	s19 =	simm.s32 $_scs_section_size  }
0xa0: {  	s5 =	simm.s32 $_size__tile_overlayer_lowered;
	s6 =	simm.s32 $_tile_overlayer_lowered  }
0xa1: {  	s22 =	simm.s32 $0x1BFF;
	s21 =	sshll.u32 s6, $0x1;
	s3 =	sadd.s32 s19, s18  }
0xa2: {  	s7 =	simm.s32 $0x0;
	s20 =	sshll.u32 s5, $0x1;
	s5 =	sadd.s32 s21, s3  }
0xa3: {  	[timem:s7], [sflag:s22] =	dma.local [hbm:s5], s20  }
0xa4: {  	_ =	swait.ge [sflag:s22], s20  }
0xa5: {  	s4 =	ssub.s32 $0x0, s20;
	[sflag:s22] =	ssyncset.done $0x0  }
0xa6: {  	[sflag:s22] =	ssyncadd.s32 s4;
	_ =	sdelay $0x1  }
0xa7: {  	s23 =	simm.s32 $0x1B8B  }
0xa8: {  	_ =	swait.ge [sflag:s23], $0x1  }
0xa9: {  	[sflag:s23] =	ssyncset.done $0x0  }
0xaa: {  	s25 =	simm.s32 $0x1B8E;
	s24 =	sld [smem:$0x3FFE];
	[sflag:s23] =	ssyncadd.s32 $0xFFFFFFFF  }
0xab: {  	s26 =	simm.s32 $execute0_lowered;
	[smem:$0x3FD2] =	sst s25  }
0xac: {  	s5 =	sshll.u32 s26, $0x1;
	_ =	strace $0x80000046;
	[dreg:$0x1] =	wrdreg $0xFFFFFFFF  }
0xad: {  	s28 =	simm.s32 $_size_execute0_lowered;
	s3 =	sadd.s32 s3, s5;
	[dreg:$0x0] =	wrdreg $0x0  }
0xae: {  	s5 =	sshll.u32 s28, $0x1;
	[dreg:$0x2] =	wrdreg s3  }
0xaf: {  	[dreg:$0x3] =	wrdreg s5  }
0xb0: {  	[dreg:$0x4] =	wrdreg $0xC0  }
0xb1: {  	_ =	task [dreg:s7], $0x5FFFF  }
0xb2: {  	[dreg:$0x1] =	wrdreg $0xFFFFFFFF  }
0xb3: {  	[dreg:$0x0] =	wrdreg $0x60  }
0xb4: {  	[dreg:$0x2] =	wrdreg s16  }
0xb5: {  	[dreg:$0x3] =	wrdreg s24  }
0xb6: {  	[dreg:$0x4] =	wrdreg $0x9  }
0xb7: {  	_ =	task.clear_ibuf [dreg:s7], $0x5FFFF;
	_ =	strace $0x90000046  }
0xb8: {  	s29 =	simm.s32 $0x9;
	_ =	strace $0x80000048  }
0xb9: {  	_ =	swait.ge [sflag:s29], $0x1  }
0xba: {  	[sflag:s29] =	ssyncadd.s32 $0xFFFFFFFF  }
0xbb: {  	_ =	strace $0x90000048  }
0xbc: {  	_ =	sfence  }
0xbd: {  	s30 =	sld [smem:$0x0];
	_ =	sdelay $0x2  }
0xbe: {  	s31 =	sshll.u32 s1, $0xD;
	s1 =	sshrl.u32 s1, $0x2  }
0xbf: {  	s3 =	sand.u32 $0x4000, s31;
	s1 =	sadd.s32 s1, s30  }
0xc0: {  	s0 =	sor.u32 s3, s0;
	s1 =	sshll.u32 s1, $0x11  }
0xc1: {  	s0 =	sor.u32 s1, s0  }
0xc2: {  	s0 =	sadd.s32 $0x8F2B, s0  }
0xc3: {  	[sflag:s0] =	ssyncadd.remote.s32 $0x1  }
0xc4: {  	_ =	sfence.sel $0xFFFF  }
0xc5: {  	[dreg:$0x0] =	wrdreg $0xFFFFFFFF;
	(pc) =	sbr.abs _section_cstart, $3  }
0xc6: {  	[dreg:$0x1] =	wrdreg $0xFFFFFFFF  }
0xc7: {  	_ =	task.clear_ibuf [dreg:s7], $0x2FFFF;
	_ =	strace $0x9FFFFFFF  }
0xc8: {  	(tm) =	ssettm $0x7FFFFFFF  }
0xc9: {  	_ =	shalt  }
tec
execute0_lowered:
.L_overlay_start_1:
0x0: {  	(tag) =	ssettag $0x1  }
0x1: {  	s1 =	srdreg.scid  }
0x2: {  	s3 =	rddreg [dreg:$0x0];
	s0 =	stileid.u32;
	s8 =	sand.u32 $0x1, s1  }
0x3: {  	s7 =	rddreg [dreg:$0x1];
	s4 =	sshll.u32 s0, $0x9;
	s5 =	sshll.u32 s8, $0x8  }
0x4: {  	s2 =	simm.s32 $0x0;
	s1 =	rddreg [dreg:$0x2];
	s5 =	sor.u32 s5, s4  }
0x5: {  	[smem:$0x7FF] =	sst s2;
	s4 =	sshrl.u32 s5, $0x3  }
0x6: {  	_ =	strace $0x80000047;
	s3 =	sadd.s32 s3, s4;
	s4 =	simm.s32 $0x2  }
0x7: {  	[tilespmem:s2], [sflag:$0x2] =	stream.linear.gather [hbm4b:s3+s2], $0x100, $0x38;
	[tilespmem:$0x8100] =	vst v63  }
0x8: {  	_ =	swait.ge [sflag:s4], $0x100  }
0x9: {  	s6 =	simm.s32 $0x100;
	s5 =	sshll.u32 s5, $0x4;
	[sflag:s4] =	ssyncset.done $0x0  }
0xa: {  	s10 =	ssub.s32 $0x2, s8;
	s5 =	sadd.s32 s7, s5;
	[sflag:s4] =	ssyncadd.s32 $0xFFFFFF00  }
0xb: {  	[tilespmem:s6], [sflag:$0x2] =	stream.linear.gather [hbm4b:s5+s2], $0x8000, $0x38;
	[tilespmem:$0x8100] =	vst v63  }
0xc: {  	s9 =	simm.s32 $0x80;
	s11 =	sshrl.u32 s10, $0x1;
	_ =	swait.ge [sflag:s4], $0x8000  }
0xd: {  	s8 =	simm.s32 $0x1;
	s10 =	ssub.s32 s10, s11;
	[sflag:s4] =	ssyncset.done $0x0  }
0xe: {  	s7 =	sadd.s32 $0x20000, s7;
	s11 =	smax.u32 s10, $0x1;
	[sflag:s4] =	ssyncadd.s32 $0xFFFF8000  }
0xf: {  	[hbm4b:s7+s9] =	stream.indirect.scatter [tilespmem:s6], [sflag:$0x1], $0x80, s2, s9, $0xb8;
	[tilespmem:$0x8100] =	vst v63  }
0x10: {  	p0 =	sne.s32 s11, $0x1;
	_ =	swait.ge [sflag:s8], $0x4000  }
.Ltmp0:
0x11: {  	[sflag:s8] =	ssyncset.done $0x0;
	(pc) =	sbr.rel @!p0 .LBB2_2-.Ltmp0, $4  }
0x12: {  	s10 =	simm.s32 $0x4100;
	[sflag:s8] =	ssyncadd.s32 $0xFFFFC000  }
0x13: {  	[hbm4b:s7+s9] =	stream.indirect.scatter [tilespmem:s10], [sflag:$0x1], $0x80, s9, s9, $0xb8;
	[tilespmem:$0x8100] =	vst v63  }
0x14: {  	_ =	swait.ge [sflag:s8], $0x4000  }
0x15: {  	s11 =	sadd.s32 $0xFFFFFFFF, s11;
	[sflag:s8] =	ssyncset.done $0x0  }
.LBB2_1:
0x16: {  	p0 =	sne.s32 s11, $0x1;
	s11 =	sadd.s32 $0xFFFFFFFF, s11;
	[sflag:s8] =	ssyncadd.s32 $0xFFFFC000  }
0x17: {  	[tilespmem:s2], [sflag:$0x2] =	stream.linear.gather [hbm4b:s3+s2], $0x100, $0x38;
	[tilespmem:$0x8100] =	vst v63  }
0x18: {  	_ =	swait.ge [sflag:s4], $0x100  }
0x19: {  	[sflag:s4] =	ssyncset.done $0x0  }
0x1a: {  	[sflag:s4] =	ssyncadd.s32 $0xFFFFFF00  }
0x1b: {  	[tilespmem:s6], [sflag:$0x2] =	stream.linear.gather [hbm4b:s5+s2], $0x8000, $0x38;
	[tilespmem:$0x8100] =	vst v63  }
0x1c: {  	_ =	swait.ge [sflag:s4], $0x8000  }
0x1d: {  	[sflag:s4] =	ssyncset.done $0x0  }
0x1e: {  	[sflag:s4] =	ssyncadd.s32 $0xFFFF8000  }
0x1f: {  	[hbm4b:s7+s9] =	stream.indirect.scatter [tilespmem:s6], [sflag:$0x1], $0x80, s2, s9, $0xb8;
	[tilespmem:$0x8100] =	vst v63  }
0x20: {  	_ =	swait.ge [sflag:s8], $0x4000  }
.Ltmp1:
0x21: {  	[sflag:s8] =	ssyncset.done $0x0;
	(pc) =	sbr.rel @p0 .LBB2_1-.Ltmp1, $4  }
0x22: {  	[sflag:s8] =	ssyncadd.s32 $0xFFFFC000  }
0x23: {  	[hbm4b:s7+s9] =	stream.indirect.scatter [tilespmem:s10], [sflag:$0x1], $0x80, s9, s9, $0xb8;
	[tilespmem:$0x8100] =	vst v63  }
0x24: {  	_ =	swait.ge [sflag:s8], $0x4000  }
0x25: {  	[sflag:s8] =	ssyncset.done $0x0  }
.LBB2_2:
0x26: {  	[sflag:s8] =	ssyncadd.s32 $0xFFFFC000  }
0x27: {  	_ =	sfence.sel $0x180000  }
0x28: {  	[bflag:$0x0] =	sbarrier.arrive $0xFFFF  }
0x29: {  	p0 =	sne.s32 s0, $0x0;
	_ =	strace $0x90000047  }
0x2a: {  	s0 =	sadd.s32 @!p0 $0x100000, s1;
	[bflag:$0x2] =	sbarrier.arrive $0xFFFF  }
0x2b: {  	[sflag:s0] =	ssyncadd.tile.s32 @!p0 $0x1;
	_ =	shalt  }
.Lfunc_end2:
_tile_overlayer_lowered:
.L_overlay_start_2:
0x2c: {  	(tag) =	ssettag $0x2  }
0x2d: {  	s0 =	rddreg [dreg:$0x0];
	s2 =	stileid.u32  }
0x2e: {  	s1 =	rddreg [dreg:$0x1];
	p0 =	sne.s32 s2, $0x0  }
0x2f: {  	s3 =	rddreg [dreg:$0x2];
	[bflag:$0x3] =	sbarrier.arrive $0xFFFF;
	s2 =	simm.s32 @!p0 $0x1C02  }
0x30: {  	[timem:s3], [sflag:s2] =	dma.local @!p0 [hbm:s0], s1  }
0x31: {  	s0 =	simm.s32 @!p0 $0x2  }
0x32: {  	_ =	swait.ge @!p0 [sflag:s0], s1  }
0x33: {  	s1 =	ssub.s32 @!p0 $0x0, s1;
	[sflag:s0] =	ssyncset.done @!p0 $0x0  }
0x34: {  	[sflag:s0] =	ssyncadd.s32 @!p0 s1  }
0x35: {  	[bflag:$0x3] =	sbarrier.arrive $0xFFFF  }
0x36: {  	_ =	shalt  }

</sc_bundles>
